<compile_context>
chip_gen: v7x
topology: tpu7x:2x2x1
jax: 0.10.2.dev20260603
libtpu: 0.0.44.dev20260713+nightly
codegen_flags: <defaults>
</compile_context>

<pallas_src>
import functools

import jax
import jax.numpy as jnp
from jax import lax
from jax.experimental import pallas as pl
from jax.experimental.pallas import tpu as pltpu
from jax.experimental.pallas import tpu_sc as plsc

_BN_EPS = 1e-5
_B = 16
_N = 2048




def _fps_body(p_ref, o_ref, *, n_steps):
    bsz, _, n = p_ref.shape
    px = p_ref[:, 0, :]
    py = p_ref[:, 1, :]
    pz = p_ref[:, 2, :]
    jidx = lax.broadcasted_iota(jnp.int32, (bsz, n), 1)
    zero5 = jnp.zeros((bsz, 5), jnp.float32)

    def step(t, carry):
        dist, far = carry
        m = (jidx == far).astype(jnp.float32)
        c0 = jnp.sum(m * px, axis=1, keepdims=True)
        c1 = jnp.sum(m * py, axis=1, keepdims=True)
        c2 = jnp.sum(m * pz, axis=1, keepdims=True)
        o_ref[pl.ds(t, 1)] = jnp.concatenate([c0, c1, c2, zero5], axis=1)[None]
        d0 = px - c0
        d1 = py - c1
        d2 = pz - c2
        d = d0 * d0 + d1 * d1 + d2 * d2
        nd = jnp.minimum(dist, d)
        nf = jnp.argmax(nd, axis=1, keepdims=True).astype(jnp.int32)
        return nd, nf

    init = (jnp.full((bsz, n), 1e10, jnp.float32), jnp.zeros((bsz, 1), jnp.int32))
    lax.fori_loop(0, n_steps, step, init)


def _fps(pts8, n_steps):
    bsz, _, n = pts8.shape
    out = pl.pallas_call(
        functools.partial(_fps_body, n_steps=n_steps),
        out_shape=jax.ShapeDtypeStruct((n_steps, bsz, 8), jnp.float32),
    )(pts8)
    return jnp.transpose(out, (1, 0, 2))




def _cumsum_lanes(x, n):
    s = 1
    while s < n:
        x = x + jnp.pad(x, ((0, 0), (s, 0)))[:, :n]
        s *= 2
    return x


def _bq_body(c_ref, p_ref, o_ref, *, r2, K, n):
    b = pl.program_id(0)
    c = c_ref[0]
    p = p_ref[0]
    c0, c1, c2 = c[:, 0:1], c[:, 1:2], c[:, 2:3]
    p0, p1, p2 = p[0:1], p[1:2], p[2:3]
    dot = jnp.dot(
        c, p, precision=jax.lax.Precision.DEFAULT,
        preferred_element_type=jnp.float32,
    )
    a2 = c0 * c0 + c1 * c1 + c2 * c2
    b2 = p0 * p0 + p1 * p1 + p2 * p2
    d = (-2.0 * dot + a2) + b2
    maskf = (d <= r2).astype(jnp.float32)
    rkm = maskf * _cumsum_lanes(maskf, n)
    ji = lax.broadcasted_iota(jnp.int32, d.shape, 1).astype(jnp.float32) + 1.0
    cols = []
    for k in range(K):
        sel = rkm == float(k + 1)
        cols.append(jnp.sum(jnp.where(sel, ji, 0.0), axis=1, keepdims=True))
    idxf = jnp.concatenate(cols, axis=1)
    first = idxf[:, 0:1]
    fill = jnp.where(first > 0.5, first - 1.0, float(n - 1))
    idxv = jnp.where(idxf > 0.5, idxf - 1.0, fill)
    idxv = jnp.clip(idxv, 0.0, float(n - 1))
    o_ref[0] = idxv.astype(jnp.int32) + b * n


def _ball_query(cent, pts8, radius, K, s_blk):
    bsz, s, _ = cent.shape
    n = pts8.shape[2]
    return pl.pallas_call(
        functools.partial(_bq_body, r2=radius * radius, K=K, n=n),
        grid=(bsz, s // s_blk),
        in_specs=[
            pl.BlockSpec((1, s_blk, 8), lambda b, i: (b, i, 0)),
            pl.BlockSpec((1, 8, n), lambda b, i: (b, 0, 0)),
        ],
        out_specs=pl.BlockSpec((1, s_blk, K), lambda b, i: (b, i, 0)),
        out_shape=jax.ShapeDtypeStruct((bsz, s, K), jnp.int32),
    )(cent, pts8)




def _gather_rows(table, idx):
    v, dd = table.shape
    btot = idx.shape[0]
    info = plsc.get_sparse_core_info()
    nw = info.num_cores * info.num_subcores
    nc = info.num_cores
    bpw = btot // nw
    ch = 128
    n_it = bpw // ch
    mesh = plsc.VectorSubcoreMesh(core_axis_name="c", subcore_axis_name="s")

    @functools.partial(
        pl.kernel,
        out_type=jax.ShapeDtypeStruct((btot, dd), jnp.float32),
        mesh=mesh,
        scratch_types=[
            pltpu.VMEM((ch,), jnp.int32),
            pltpu.VMEM((ch, dd), jnp.float32),
            pltpu.SemaphoreType.DMA,
        ],
    )
    def k(table_hbm, idx_hbm, out_hbm, idx_v, rows_v, sem):
        wid = lax.axis_index("s") * nc + lax.axis_index("c")
        base = wid * bpw

        def body(i, _):
            off = base + i * ch
            pltpu.sync_copy(idx_hbm.at[pl.ds(off, ch)], idx_v)
            pltpu.async_copy(table_hbm.at[idx_v], rows_v, sem).wait()
            pltpu.sync_copy(rows_v, out_hbm.at[pl.ds(off, ch)])
            return 0

        lax.fori_loop(0, n_it, body, 0)

    return k(table, idx)




def _lin_body(*refs, has_aux, has_corr, K, R):
    it = iter(refs)
    x_ref = next(it)
    w_ref = next(it)
    b_ref = next(it)
    aux_ref = next(it) if has_aux else None
    c_ref = next(it) if has_corr else None
    y_ref = next(it)

    xv = x_ref[...]
    if has_aux:
        xv = jnp.maximum(
            (xv - aux_ref[0:1, :]) / aux_ref[1:2, :] * aux_ref[2:3, :]
            + aux_ref[3:4, :],
            0.0,
        )
    if has_corr:
        sb = R // K
        din = xv.shape[1]
        cb = jnp.broadcast_to(c_ref[...][:, None, :], (sb, K, din)).reshape(R, din)
        xv = xv - cb
    w = w_ref[...]
    y_ref[...] = (
        jnp.dot(xv, w, precision=jax.lax.Precision.DEFAULT,
                preferred_element_type=jnp.float32) + b_ref[0:1, :]
    )


def _linear(x, w_t, bias, aux=None, corr=None, K=1, R=2048):
    m, din = x.shape
    dout = w_t.shape[1]
    inputs = [x, w_t, bias.reshape(1, dout)]
    specs = [
        pl.BlockSpec((R, din), lambda i: (i, 0)),
        pl.BlockSpec((din, dout), lambda i: (0, 0)),
        pl.BlockSpec((1, dout), lambda i: (0, 0)),
    ]
    if aux is not None:
        inputs.append(aux)
        specs.append(pl.BlockSpec((8, din), lambda i: (0, 0)))
    if corr is not None:
        inputs.append(corr)
        specs.append(pl.BlockSpec((R // K, din), lambda i: (i, 0)))
    return pl.pallas_call(
        functools.partial(
            _lin_body, has_aux=aux is not None, has_corr=corr is not None, K=K, R=R
        ),
        grid=(m // R,),
        in_specs=specs,
        out_specs=pl.BlockSpec((R, dout), lambda i: (i, 0)),
        out_shape=jax.ShapeDtypeStruct((m, dout), jnp.float32),
    )(*inputs)


def _bn_rows(y, bshape, g, bt):
    ym = y.reshape(bshape + (y.shape[1],))
    mean = ym.mean(axis=(0, 1, 2))
    sv = jnp.sqrt(ym.var(axis=(0, 1, 2)) + _BN_EPS)
    return jnp.concatenate(
        [mean[None], sv[None], g[None], bt[None],
         jnp.zeros((4, mean.shape[0]), jnp.float32)],
        axis=0,
    )




def _maxpool_body(y_ref, aux_ref, o_ref):
    y = y_ref[...]
    m = aux_ref[0:1, :][None]
    sv = aux_ref[1:2, :][None]
    g = aux_ref[2:3, :][None]
    bt = aux_ref[3:4, :][None]
    z = jnp.maximum((y - m) / sv * g + bt, 0.0)
    o_ref[...] = jnp.max(z, axis=1)


def _maxpool(y3, aux, s_blk):
    mrows, kk, d = y3.shape
    return pl.pallas_call(
        _maxpool_body,
        grid=(mrows // s_blk,),
        in_specs=[
            pl.BlockSpec((s_blk, kk, d), lambda i: (i, 0, 0)),
            pl.BlockSpec((8, d), lambda i: (0, 0)),
        ],
        out_specs=pl.BlockSpec((s_blk, d), lambda i: (i, 0)),
        out_shape=jax.ShapeDtypeStruct((mrows, d), jnp.float32),
    )(y3, aux)




def _bn_rows_fc(y, g, bt):
    mean = y.mean(axis=0)
    sv = jnp.sqrt(y.var(axis=0) + _BN_EPS)
    return jnp.concatenate(
        [mean[None], sv[None], g[None], bt[None],
         jnp.zeros((4, mean.shape[0]), jnp.float32)],
        axis=0,
    )


def _fc_head(x, layers):
    (w1, b1, g1, t1), (w2, b2, g2, t2), (w3, b3, g3, t3), (w4, b4, g4, t4) = layers
    y = _linear(x, jnp.transpose(w1), b1, R=x.shape[0])
    a = _bn_rows_fc(y, g1, t1)
    y = _linear(y, jnp.transpose(w2), b2, aux=a, R=x.shape[0])
    a = _bn_rows_fc(y, g2, t2)
    latent = jnp.maximum((y - a[0]) / a[1] * a[2] + a[3], 0.0)
    y = _linear(y, jnp.transpose(w3), b3, aux=a, R=x.shape[0])
    a = _bn_rows_fc(y, g3, t3)
    y = _linear(y, jnp.transpose(w4), b4, aux=a, R=x.shape[0])
    a = _bn_rows_fc(y, g4, t4)
    return latent, y, a




def _dout_body(x_ref, w_ref, b_ref, aux_ref, o_ref):
    a = aux_ref
    xv = jnp.maximum(
        (x_ref[...] - a[0:1, :]) / a[1:2, :] * a[2:3, :] + a[3:4, :], 0.0
    )
    o_ref[...] = (
        jnp.dot(xv, w_ref[...], precision=jax.lax.Precision.DEFAULT,
                preferred_element_type=jnp.float32)
        + b_ref[0:1, :]
    )


def _dout(x, w, b, aux, c_blk=1024):
    m, din = x.shape
    dall = w.shape[0]
    wt = jnp.transpose(w)
    return pl.pallas_call(
        _dout_body,
        grid=(dall // c_blk,),
        in_specs=[
            pl.BlockSpec((m, din), lambda i: (0, 0)),
            pl.BlockSpec((din, c_blk), lambda i: (0, i)),
            pl.BlockSpec((1, c_blk), lambda i: (0, i)),
            pl.BlockSpec((8, din), lambda i: (0, 0)),
        ],
        out_specs=pl.BlockSpec((m, c_blk), lambda i: (0, i)),
        out_shape=jax.ShapeDtypeStruct((m, dall), jnp.float32),
    )(x, wt, b.reshape(1, dall), aux)




def _pad_wt(w, din_pad):
    wt = jnp.transpose(w)
    return jnp.pad(wt, ((0, din_pad - wt.shape[0]), (0, 0)))


def _sa_mlp(g, layers, din_pad, corr, K, bshape, R, pool_blk):
    mrows = bshape[0] * bshape[1]
    (w1, b1, g1, t1), (w2, b2, g2, t2), (w3, b3, g3, t3) = layers
    y = _linear(g, _pad_wt(w1, din_pad), b1, corr=corr, K=K, R=R)
    aux = _bn_rows(y, bshape, g1, t1)
    y = _linear(y, jnp.transpose(w2), b2, aux=aux, R=R)
    aux = _bn_rows(y, bshape, g2, t2)
    y = _linear(y, jnp.transpose(w3), b3, aux=aux, R=R)
    aux = _bn_rows(y, bshape, g3, t3)
    return _maxpool(y.reshape(mrows, K, w3.shape[0]), aux, pool_blk)




def kernel(xyz, params):
    bsz = xyz.shape[0]

    pts8 = jnp.concatenate(
        [xyz[:, :3, :], jnp.zeros((bsz, 5, _N), jnp.float32)], axis=1
    )
    table1 = jnp.pad(jnp.transpose(xyz, (0, 2, 1)), ((0, 0), (0, 0), (0, 122)))
    table1 = table1.reshape(bsz * _N, 128)

    c1 = _fps(pts8, 512)
    idx1 = _ball_query(c1, pts8, 0.2, 32, 128)
    g1 = _gather_rows(table1, idx1.reshape(-1))
    c1_pad = jnp.pad(c1.reshape(bsz * 512, 8), ((0, 0), (0, 120)))
    l1p = _sa_mlp(
        g1, params["sa1"], 128, c1_pad, 32, (bsz, 512, 32), 2048, 128
    )

    p2 = jnp.transpose(c1, (0, 2, 1))
    c2 = _fps(p2, 128)
    idx2 = _ball_query(c2, p2, 0.4, 64, 128)
    table2 = jnp.concatenate(
        [
            c1[:, :, 0:3],
            l1p.reshape(bsz, 512, 128),
            jnp.zeros((bsz, 512, 125), jnp.float32),
        ],
        axis=2,
    ).reshape(bsz * 512, 256)
    g2 = _gather_rows(table2, idx2.reshape(-1))
    c2_pad = jnp.pad(c2.reshape(bsz * 128, 8), ((0, 0), (0, 248)))
    l2p = _sa_mlp(
        g2, params["sa2"], 256, c2_pad, 64, (bsz, 128, 64), 2048, 32
    )

    x3 = jnp.concatenate(
        [
            c2[:, :, 0:3],
            l2p.reshape(bsz, 128, 256),
            jnp.zeros((bsz, 128, 125), jnp.float32),
        ],
        axis=2,
    ).reshape(bsz * 128, 384)
    l3p = _sa_mlp(x3, params["sa3"], 384, None, 128, (bsz, 1, 128), 512, 8)

    latent, h_pre, h_aux = _fc_head(
        l3p, [params["fc1"], params["fc2"], params["dfc1"], params["dfc2"]]
    )
    w_out, b_out = params["dout"]
    out = _dout(h_pre, w_out, b_out, h_aux).reshape(bsz, _N, 3)
    return (out, latent)

# --- scband reference (transcript-rebuilt; emitter-appended) ---
"""Pipeline reference for scband-get-model-59639915872405 (READ-ONLY COPY).

The authoritative reference and input builder live on the scoring server;
editing this copy changes nothing except your own understanding.
"""

import jax, jax.numpy as jnp
import numpy as np

B, N_PTS = 16, 2048

def _lin(key, din, dout):
    k1, _ = jax.random.split(key)
    W = jax.random.normal(k1, (dout, din), dtype=jnp.float32) / np.sqrt(din)
    b = jnp.zeros((dout,), dtype=jnp.float32)
    return (W, b)

def _lin_bn(key, din, dout):
    W, b = _lin(key, din, dout)
    return (W, b, jnp.ones((dout,), jnp.float32), jnp.zeros((dout,), jnp.float32))

def make_params(key):
    ks = jax.random.split(key, 16)
    p = {}
    p['sa1'] = [_lin_bn(ks[0], 6, 64), _lin_bn(ks[1], 64, 64), _lin_bn(ks[2], 64, 128)]
    p['sa2'] = [_lin_bn(ks[3], 131, 128), _lin_bn(ks[4], 128, 128), _lin_bn(ks[5], 128, 256)]
    p['sa3'] = [_lin_bn(ks[6], 259, 256), _lin_bn(ks[7], 256, 512), _lin_bn(ks[8], 512, 1024)]
    p['fc1'] = _lin_bn(ks[9], 1024, 512)
    p['fc2'] = _lin_bn(ks[10], 512, 256)
    p['dfc1'] = _lin_bn(ks[11], 256, 512)
    p['dfc2'] = _lin_bn(ks[12], 512, 1024)
    p['dout'] = _lin(ks[13], 1024, 3 * N_PTS)
    return p

def setup_inputs(seed: int = 0):
    key = jax.random.key(seed)
    k1, k2 = jax.random.split(key)
    xyz = jax.random.normal(k1, (B, 6, N_PTS), dtype=jnp.float32)
    params = make_params(k2)
    return {"xyz": xyz, "params": params}

def index_points(points, idx):
    b = points.shape[0]
    bidx = jnp.arange(b).reshape((b,) + (1,) * (idx.ndim - 1))
    return points[bidx, idx]

def farthest_point_sample(xyz, npoint):
    b, n, _ = xyz.shape
    def body(carry, _):
        distance, farthest = carry
        centroid = jnp.take_along_axis(xyz, farthest[:, None, None], axis=1)
        d = jnp.sum((xyz - centroid) ** 2, axis=-1)
        distance = jnp.minimum(distance, d)
        nxt = jnp.argmax(distance, axis=-1).astype(jnp.int32)
        return (distance, nxt), farthest
    init = (jnp.full((b, n), 1e10, dtype=xyz.dtype), jnp.zeros((b,), jnp.int32))
    _, idxs = jax.lax.scan(body, init, None, length=npoint)
    return jnp.transpose(idxs, (1, 0))

def square_distance(src, dst):
    d = -2.0 * jnp.einsum('bsc,bnc->bsn', src, dst)
    d = d + jnp.sum(src ** 2, -1)[:, :, None] + jnp.sum(dst ** 2, -1)[:, None, :]
    return d

def query_ball_point(radius, nsample, xyz, new_xyz):
    b, s, _ = new_xyz.shape
    n = xyz.shape[1]
    sqrdists = square_distance(new_xyz, xyz)
    gidx = jnp.broadcast_to(jnp.arange(n, dtype=jnp.int32), (b, s, n))
    gidx = jnp.where(sqrdists > radius ** 2, n, gidx)
    gidx = jnp.sort(gidx, axis=-1)[:, :, :nsample]
    first = gidx[:, :, 0:1]
    gidx = jnp.where(gidx == n, jnp.broadcast_to(first, gidx.shape), gidx)
    return gidx

def _sa(xyz, points, npoint, radius, nsample, layers, group_all):
    b = xyz.shape[0]
    if group_all:
        new_xyz = jnp.zeros((b, 1, 3), xyz.dtype)
        grouped = xyz[:, None, :, :]
        if points is not None:
            grouped = jnp.concatenate([grouped, points[:, None, :, :]], axis=-1)
    else:
        fps_idx = farthest_point_sample(xyz, npoint)
        new_xyz = index_points(xyz, fps_idx)
        idx = query_ball_point(radius, nsample, xyz, new_xyz)
        g_xyz = index_points(xyz, idx) - new_xyz[:, :, None, :]
        if points is not None:
            grouped = jnp.concatenate([g_xyz, index_points(points, idx)], axis=-1)
        else:
            grouped = g_xyz
    x = grouped
    for (W, bb, g, bt) in layers:
        x = x @ W.T + bb
        m = x.mean(axis=(0, 1, 2))
        v = x.var(axis=(0, 1, 2))
        x = (x - m) / jnp.sqrt(v + 1e-5) * g + bt
        x = jax.nn.relu(x)
    return new_xyz, jnp.max(x, axis=2)

def _fc_bn(x, p):
    W, bb, g, bt = p
    x = x @ W.T + bb
    m = x.mean(axis=0)
    v = x.var(axis=0)
    return jax.nn.relu((x - m) / jnp.sqrt(v + 1e-5) * g + bt)

def _forward(xyz, params):
    b = xyz.shape[0]
    norm = jnp.transpose(xyz[:, 3:, :], (0, 2, 1))
    pts = jnp.transpose(xyz[:, :3, :], (0, 2, 1))
    l1_xyz, l1_p = _sa(pts, norm, 512, 0.2, 32, params['sa1'], False)
    l2_xyz, l2_p = _sa(l1_xyz, l1_p, 128, 0.4, 64, params['sa2'], False)
    _, l3_p = _sa(l2_xyz, l2_p, None, None, None, params['sa3'], True)
    x = l3_p.reshape(b, 1024)
    x = _fc_bn(x, params['fc1'])
    x = _fc_bn(x, params['fc2'])
    latent = x
    x = _fc_bn(x, params['dfc1'])
    x = _fc_bn(x, params['dfc2'])
    W, bb = params['dout']
    out = (x @ W.T + bb).reshape(b, N_PTS, 3)
    return (out, latent)

def reference(xyz, params):
    return _forward(xyz, params)

if __name__ == "__main__":
    import jax
    _d = setup_inputs()
    print(jax.jit(kernel)(*tuple(_d.values())))

</pallas_src>

<mosaic_0001>
#map = affine_map<(d0, d1) -> (0, 0)>
#map1 = affine_map<(d0, d1) -> (0)>
module attributes {stable_mosaic.version = 14 : i64} {
  func.func @k(%arg0: i32, %arg1: i32, %arg2: memref<32768x128xf32, #tpu.memory_space<hbm>>, %arg3: memref<262144xi32, #tpu.memory_space<hbm>>, %arg4: memref<262144x128xf32, #tpu.memory_space<hbm>>, %arg5: memref<128xi32, #tpu.memory_space<vmem>>, %arg6: memref<128x128xf32, #tpu.memory_space<vmem>>, %arg7: memref<!tpu.dma_semaphore, #tpu.memory_space<semaphore_mem>>) attributes {dimension_semantics = [#tpu.dimension_semantics<core_parallel>, #tpu.dimension_semantics<subcore_parallel>], iteration_bounds = array<i64: 2, 16>, scalar_prefetch = 0 : i64, scratch_operands = 3 : i64, tpu.core_type = #tpu.core_type<sc_vector_subcore>, window_params = [{transform_indices = #map}, {transform_indices = #map1}, {transform_indices = #map}]} {
    %mul3A = arith.constant 2 : i32
    %mul3A_0 = arith.muli %arg1, %mul3A : i32
    %add3A = arith.addi %mul3A_0, %arg0 : i32
    %mul3A_1 = arith.constant 8192 : i32
    %mul3A_2 = arith.muli %add3A, %mul3A_1 : i32
    %scan3A = arith.constant 0 : i32
    %scan3A_3 = arith.constant 0 : i32
    %scan3A_4 = arith.constant 64 : i32
    %scan3A_5 = arith.addi %scan3A_3, %scan3A_4 : i32
    %scan3A_6 = arith.constant 1 : i32
    %scan3A_7 = scf.for %scan3A_9 = %scan3A_3 to %scan3A_5 step %scan3A_6 iter_args(%scan3A_10 = %scan3A) -> (i32)  : i32 {
      %mul3A_11 = arith.constant 128 : i32
      %mul3A_12 = arith.muli %scan3A_9, %mul3A_11 : i32
      %add3A_13 = arith.addi %mul3A_2, %mul3A_12 : i32
      "tpu.region"() ({
        %run_scoped3A = tpu.sem_alloc : memref<!tpu.dma_semaphore, #tpu.memory_space<semaphore_mem>>
        %dma_start3A_19 = tpu.memref_slice %arg3[%add3A_13] : memref<262144xi32, #tpu.memory_space<hbm>> -> memref<128xi32, #tpu.memory_space<hbm>>
        %dma_start3A_20 = tpu.memref_slice %arg3[%add3A_13] : memref<262144xi32, #tpu.memory_space<hbm>> -> memref<128xi32, #tpu.memory_space<hbm>>
        tpu.enqueue_dma source(%dma_start3A_20 : memref<128xi32, #tpu.memory_space<hbm>>) target(%arg5 : memref<128xi32, #tpu.memory_space<vmem>>) target_semaphore(%run_scoped3A : memref<!tpu.dma_semaphore, #tpu.memory_space<semaphore_mem>>)
        %dma_wait3A_21 = tpu.memref_slice %arg3[%add3A_13] : memref<262144xi32, #tpu.memory_space<hbm>> -> memref<128xi32, #tpu.memory_space<hbm>>
        %dma_wait3A_22 = tpu.memref_slice %arg3[%add3A_13] : memref<262144xi32, #tpu.memory_space<hbm>> -> memref<128xi32, #tpu.memory_space<hbm>>
        tpu.wait_dma2 semaphore(%run_scoped3A : memref<!tpu.dma_semaphore, #tpu.memory_space<semaphore_mem>>) src(%dma_wait3A_22 : memref<128xi32, #tpu.memory_space<hbm>>) dst(%arg5 : memref<128xi32, #tpu.memory_space<vmem>>)
        tpu.yield
      }) : () -> ()
      %dma_start3A = arith.constant 0 : i32
      %dma_start3A_14 = arith.constant 0 : i32
      %dma_start3A_15 = tpu.memref_slice %arg2[%dma_start3A, %dma_start3A_14] : memref<32768x128xf32, #tpu.memory_space<hbm>> -> memref<32768x128xf32, #tpu.memory_space<hbm>>
      tpu.enqueue_indirect_dma source(%dma_start3A_15 : memref<32768x128xf32, #tpu.memory_space<hbm>>) target(%arg6 : memref<128x128xf32, #tpu.memory_space<vmem>>) offsets(%arg5 : memref<128xi32, #tpu.memory_space<vmem>>) semaphore(%arg7 : memref<!tpu.dma_semaphore, #tpu.memory_space<semaphore_mem>>)
      %dma_wait3A = arith.constant 0 : i32
      %dma_wait3A_16 = arith.constant 0 : i32
      %dma_wait3A_17 = tpu.memref_slice %arg2[%dma_wait3A, %dma_wait3A_16] : memref<32768x128xf32, #tpu.memory_space<hbm>> -> memref<32768x128xf32, #tpu.memory_space<hbm>>
      tpu.wait_indirect_dma semaphore(%arg7 : memref<!tpu.dma_semaphore, #tpu.memory_space<semaphore_mem>>) src(%dma_wait3A_17 : memref<32768x128xf32, #tpu.memory_space<hbm>>) dst(%arg6 : memref<128x128xf32, #tpu.memory_space<vmem>>)
      "tpu.region"() ({
        %run_scoped3A = tpu.sem_alloc : memref<!tpu.dma_semaphore, #tpu.memory_space<semaphore_mem>>
        %dma_start3A_19 = arith.constant 0 : i32
        %dma_start3A_20 = tpu.memref_slice %arg4[%add3A_13, %dma_start3A_19] : memref<262144x128xf32, #tpu.memory_space<hbm>> -> memref<128x128xf32, #tpu.memory_space<hbm>>
        %dma_start3A_21 = arith.constant 0 : i32
        %dma_start3A_22 = tpu.memref_slice %arg4[%add3A_13, %dma_start3A_21] : memref<262144x128xf32, #tpu.memory_space<hbm>> -> memref<128x128xf32, #tpu.memory_space<hbm>>
        tpu.enqueue_dma source(%arg6 : memref<128x128xf32, #tpu.memory_space<vmem>>) target(%dma_start3A_22 : memref<128x128xf32, #tpu.memory_space<hbm>>) target_semaphore(%run_scoped3A : memref<!tpu.dma_semaphore, #tpu.memory_space<semaphore_mem>>)
        %dma_wait3A_23 = arith.constant 0 : i32
        %dma_wait3A_24 = tpu.memref_slice %arg4[%add3A_13, %dma_wait3A_23] : memref<262144x128xf32, #tpu.memory_space<hbm>> -> memref<128x128xf32, #tpu.memory_space<hbm>>
        %dma_wait3A_25 = arith.constant 0 : i32
        %dma_wait3A_26 = tpu.memref_slice %arg4[%add3A_13, %dma_wait3A_25] : memref<262144x128xf32, #tpu.memory_space<hbm>> -> memref<128x128xf32, #tpu.memory_space<hbm>>
        tpu.wait_dma2 semaphore(%run_scoped3A : memref<!tpu.dma_semaphore, #tpu.memory_space<semaphore_mem>>) src(%arg6 : memref<128x128xf32, #tpu.memory_space<vmem>>) dst(%dma_wait3A_26 : memref<128x128xf32, #tpu.memory_space<hbm>>)
        tpu.yield
      }) : () -> ()
      %scan3A_18 = arith.constant 0 : i32
      scf.yield %scan3A_18 : i32
    }
    %scan3A_8 = arith.constant 64 : i32
    return
  }
}

#map = affine_map<(d0, d1) -> (0, 0)>
#map1 = affine_map<(d0, d1) -> (0)>
module attributes {stable_mosaic.version = 14 : i64} {
  func.func @k(%arg0: i32, %arg1: i32, %arg2: memref<8192x256xf32, #tpu.memory_space<hbm>>, %arg3: memref<131072xi32, #tpu.memory_space<hbm>>, %arg4: memref<131072x256xf32, #tpu.memory_space<hbm>>, %arg5: memref<128xi32, #tpu.memory_space<vmem>>, %arg6: memref<128x256xf32, #tpu.memory_space<vmem>>, %arg7: memref<!tpu.dma_semaphore, #tpu.memory_space<semaphore_mem>>) attributes {dimension_semantics = [#tpu.dimension_semantics<core_parallel>, #tpu.dimension_semantics<subcore_parallel>], iteration_bounds = array<i64: 2, 16>, scalar_prefetch = 0 : i64, scratch_operands = 3 : i64, tpu.core_type = #tpu.core_type<sc_vector_subcore>, window_params = [{transform_indices = #map}, {transform_indices = #map1}, {transform_indices = #map}]} {
    %mul3A = arith.constant 2 : i32
    %mul3A_0 = arith.muli %arg1, %mul3A : i32
    %add3A = arith.addi %mul3A_0, %arg0 : i32
    %mul3A_1 = arith.constant 4096 : i32
    %mul3A_2 = arith.muli %add3A, %mul3A_1 : i32
    %scan3A = arith.constant 0 : i32
    %scan3A_3 = arith.constant 0 : i32
    %scan3A_4 = arith.constant 32 : i32
    %scan3A_5 = arith.addi %scan3A_3, %scan3A_4 : i32
    %scan3A_6 = arith.constant 1 : i32
    %scan3A_7 = scf.for %scan3A_9 = %scan3A_3 to %scan3A_5 step %scan3A_6 iter_args(%scan3A_10 = %scan3A) -> (i32)  : i32 {
      %mul3A_11 = arith.constant 128 : i32
      %mul3A_12 = arith.muli %scan3A_9, %mul3A_11 : i32
      %add3A_13 = arith.addi %mul3A_2, %mul3A_12 : i32
      "tpu.region"() ({
        %run_scoped3A = tpu.sem_alloc : memref<!tpu.dma_semaphore, #tpu.memory_space<semaphore_mem>>
        %dma_start3A_19 = tpu.memref_slice %arg3[%add3A_13] : memref<131072xi32, #tpu.memory_space<hbm>> -> memref<128xi32, #tpu.memory_space<hbm>>
        %dma_start3A_20 = tpu.memref_slice %arg3[%add3A_13] : memref<131072xi32, #tpu.memory_space<hbm>> -> memref<128xi32, #tpu.memory_space<hbm>>
        tpu.enqueue_dma source(%dma_start3A_20 : memref<128xi32, #tpu.memory_space<hbm>>) target(%arg5 : memref<128xi32, #tpu.memory_space<vmem>>) target_semaphore(%run_scoped3A : memref<!tpu.dma_semaphore, #tpu.memory_space<semaphore_mem>>)
        %dma_wait3A_21 = tpu.memref_slice %arg3[%add3A_13] : memref<131072xi32, #tpu.memory_space<hbm>> -> memref<128xi32, #tpu.memory_space<hbm>>
        %dma_wait3A_22 = tpu.memref_slice %arg3[%add3A_13] : memref<131072xi32, #tpu.memory_space<hbm>> -> memref<128xi32, #tpu.memory_space<hbm>>
        tpu.wait_dma2 semaphore(%run_scoped3A : memref<!tpu.dma_semaphore, #tpu.memory_space<semaphore_mem>>) src(%dma_wait3A_22 : memref<128xi32, #tpu.memory_space<hbm>>) dst(%arg5 : memref<128xi32, #tpu.memory_space<vmem>>)
        tpu.yield
      }) : () -> ()
      %dma_start3A = arith.constant 0 : i32
      %dma_start3A_14 = arith.constant 0 : i32
      %dma_start3A_15 = tpu.memref_slice %arg2[%dma_start3A, %dma_start3A_14] : memref<8192x256xf32, #tpu.memory_space<hbm>> -> memref<8192x256xf32, #tpu.memory_space<hbm>>
      tpu.enqueue_indirect_dma source(%dma_start3A_15 : memref<8192x256xf32, #tpu.memory_space<hbm>>) target(%arg6 : memref<128x256xf32, #tpu.memory_space<vmem>>) offsets(%arg5 : memref<128xi32, #tpu.memory_space<vmem>>) semaphore(%arg7 : memref<!tpu.dma_semaphore, #tpu.memory_space<semaphore_mem>>)
      %dma_wait3A = arith.constant 0 : i32
      %dma_wait3A_16 = arith.constant 0 : i32
      %dma_wait3A_17 = tpu.memref_slice %arg2[%dma_wait3A, %dma_wait3A_16] : memref<8192x256xf32, #tpu.memory_space<hbm>> -> memref<8192x256xf32, #tpu.memory_space<hbm>>
      tpu.wait_indirect_dma semaphore(%arg7 : memref<!tpu.dma_semaphore, #tpu.memory_space<semaphore_mem>>) src(%dma_wait3A_17 : memref<8192x256xf32, #tpu.memory_space<hbm>>) dst(%arg6 : memref<128x256xf32, #tpu.memory_space<vmem>>)
      "tpu.region"() ({
        %run_scoped3A = tpu.sem_alloc : memref<!tpu.dma_semaphore, #tpu.memory_space<semaphore_mem>>
        %dma_start3A_19 = arith.constant 0 : i32
        %dma_start3A_20 = tpu.memref_slice %arg4[%add3A_13, %dma_start3A_19] : memref<131072x256xf32, #tpu.memory_space<hbm>> -> memref<128x256xf32, #tpu.memory_space<hbm>>
        %dma_start3A_21 = arith.constant 0 : i32
        %dma_start3A_22 = tpu.memref_slice %arg4[%add3A_13, %dma_start3A_21] : memref<131072x256xf32, #tpu.memory_space<hbm>> -> memref<128x256xf32, #tpu.memory_space<hbm>>
        tpu.enqueue_dma source(%arg6 : memref<128x256xf32, #tpu.memory_space<vmem>>) target(%dma_start3A_22 : memref<128x256xf32, #tpu.memory_space<hbm>>) target_semaphore(%run_scoped3A : memref<!tpu.dma_semaphore, #tpu.memory_space<semaphore_mem>>)
        %dma_wait3A_23 = arith.constant 0 : i32
        %dma_wait3A_24 = tpu.memref_slice %arg4[%add3A_13, %dma_wait3A_23] : memref<131072x256xf32, #tpu.memory_space<hbm>> -> memref<128x256xf32, #tpu.memory_space<hbm>>
        %dma_wait3A_25 = arith.constant 0 : i32
        %dma_wait3A_26 = tpu.memref_slice %arg4[%add3A_13, %dma_wait3A_25] : memref<131072x256xf32, #tpu.memory_space<hbm>> -> memref<128x256xf32, #tpu.memory_space<hbm>>
        tpu.wait_dma2 semaphore(%run_scoped3A : memref<!tpu.dma_semaphore, #tpu.memory_space<semaphore_mem>>) src(%arg6 : memref<128x256xf32, #tpu.memory_space<vmem>>) dst(%dma_wait3A_26 : memref<128x256xf32, #tpu.memory_space<hbm>>)
        tpu.yield
      }) : () -> ()
      %scan3A_18 = arith.constant 0 : i32
      scf.yield %scan3A_18 : i32
    }
    %scan3A_8 = arith.constant 32 : i32
    return
  }
}

module attributes {stable_mosaic.version = 14 : i64} {
  func.func @_fps_body(%arg0: memref<16x8x2048xf32, #tpu.memory_space<vmem>>, %arg1: memref<512x16x8xf32, #tpu.memory_space<vmem>>) attributes {dimension_semantics = [], scalar_prefetch = 0 : i64, scratch_operands = 0 : i64, tpu.core_type = #tpu.core_type<tc>} {
    %get3A = arith.constant 0 : index
    %get3A_0 = arith.constant 0 : index
    %get3A_1 = arith.constant 0 : index
    %get3A_2 = vector.load %arg0[%get3A, %get3A_0, %get3A_1] : memref<16x8x2048xf32, #tpu.memory_space<vmem>>, vector<16x1x2048xf32>
    %get3A_3 = vector.shape_cast %get3A_2 : vector<16x1x2048xf32> to vector<16x2048xf32>
    %get3A_4 = arith.constant 0 : index
    %get3A_5 = arith.constant 1 : index
    %get3A_6 = arith.constant 0 : index
    %get3A_7 = vector.load %arg0[%get3A_4, %get3A_5, %get3A_6] : memref<16x8x2048xf32, #tpu.memory_space<vmem>>, vector<16x1x2048xf32>
    %get3A_8 = vector.shape_cast %get3A_7 : vector<16x1x2048xf32> to vector<16x2048xf32>
    %get3A_9 = arith.constant 0 : index
    %get3A_10 = arith.constant 2 : index
    %get3A_11 = arith.constant 0 : index
    %get3A_12 = vector.load %arg0[%get3A_9, %get3A_10, %get3A_11] : memref<16x8x2048xf32, #tpu.memory_space<vmem>>, vector<16x1x2048xf32>
    %get3A_13 = vector.shape_cast %get3A_12 : vector<16x1x2048xf32> to vector<16x2048xf32>
    %iota3A = tpu.iota {dimensions = array<i32: 1>} : vector<16x2048xi32>
    %broadcast_in_dim3A = arith.constant 0.000000e+00 : f32
    %broadcast_in_dim3A_14 = vector.broadcast %broadcast_in_dim3A : f32 to vector<16x5xf32>
    %broadcast_in_dim3A_15 = arith.constant 1.000000e+10 : f32
    %broadcast_in_dim3A_16 = vector.broadcast %broadcast_in_dim3A_15 : f32 to vector<16x2048xf32>
    %broadcast_in_dim3A_17 = arith.constant 0 : i32
    %broadcast_in_dim3A_18 = vector.broadcast %broadcast_in_dim3A_17 : i32 to vector<16x1xi32>
    %scan3A = arith.constant 0 : i32
    %scan3A_19 = arith.constant 512 : i32
    %scan3A_20 = arith.addi %scan3A, %scan3A_19 : i32
    %scan3A_21 = arith.constant 1 : i32
    %scan3A_22:2 = scf.for %scan3A_24 = %scan3A to %scan3A_20 step %scan3A_21 iter_args(%scan3A_25 = %broadcast_in_dim3A_16, %scan3A_26 = %broadcast_in_dim3A_18) -> (vector<16x2048xf32>, vector<16x1xi32>)  : i32 {
      %eq3A = vector.broadcast %scan3A_26 : vector<16x1xi32> to vector<16x2048xi32>
      %eq3A_27 = arith.cmpi eq, %iota3A, %eq3A : vector<16x2048xi32>
      %convert_element_type3A = arith.extui %eq3A_27 : vector<16x2048xi1> to vector<16x2048xi32>
      %convert_element_type3A_28 = arith.sitofp %convert_element_type3A : vector<16x2048xi32> to vector<16x2048xf32>
      %mul3A = arith.mulf %convert_element_type3A_28, %get3A_3 : vector<16x2048xf32>
      %reduce_sum3A = arith.constant dense<0.000000e+00> : vector<16xf32>
      %reduce_sum3A_29 = vector.multi_reduction <add>, %mul3A, %reduce_sum3A [1] : vector<16x2048xf32> to vector<16xf32>
      %broadcast_in_dim3A_30 = vector.shape_cast %reduce_sum3A_29 : vector<16xf32> to vector<16x1xf32>
      %mul3A_31 = arith.mulf %convert_element_type3A_28, %get3A_8 : vector<16x2048xf32>
      %reduce_sum3A_32 = arith.constant dense<0.000000e+00> : vector<16xf32>
      %reduce_sum3A_33 = vector.multi_reduction <add>, %mul3A_31, %reduce_sum3A_32 [1] : vector<16x2048xf32> to vector<16xf32>
      %broadcast_in_dim3A_34 = vector.shape_cast %reduce_sum3A_33 : vector<16xf32> to vector<16x1xf32>
      %mul3A_35 = arith.mulf %convert_element_type3A_28, %get3A_13 : vector<16x2048xf32>
      %reduce_sum3A_36 = arith.constant dense<0.000000e+00> : vector<16xf32>
      %reduce_sum3A_37 = vector.multi_reduction <add>, %mul3A_35, %reduce_sum3A_36 [1] : vector<16x2048xf32> to vector<16xf32>
      %broadcast_in_dim3A_38 = vector.shape_cast %reduce_sum3A_37 : vector<16xf32> to vector<16x1xf32>
      %concatenate3A = tpu.concatenate %broadcast_in_dim3A_30, %broadcast_in_dim3A_34, %broadcast_in_dim3A_38, %broadcast_in_dim3A_14 in 1 : vector<16x1xf32>, vector<16x1xf32>, vector<16x1xf32>, vector<16x5xf32> -> vector<16x8xf32>
      %broadcast_in_dim3A_39 = vector.shape_cast %concatenate3A : vector<16x8xf32> to vector<1x16x8xf32>
      %swap3A = arith.index_cast %scan3A_24 : i32 to index
      %swap3A_40 = arith.constant 0 : index
      %swap3A_41 = arith.constant 0 : index
      %swap3A_42 = vector.load %arg1[%swap3A, %swap3A_40, %swap3A_41] : memref<512x16x8xf32, #tpu.memory_space<vmem>>, vector<1x16x8xf32>
      tpu.vector_store %arg1[%swap3A, %swap3A_40, %swap3A_41], %broadcast_in_dim3A_39 {strides = array<i32>} : memref<512x16x8xf32, #tpu.memory_space<vmem>>, vector<1x16x8xf32>,
      %sub3A = vector.broadcast %broadcast_in_dim3A_30 : vector<16x1xf32> to vector<16x2048xf32>
      %sub3A_43 = arith.subf %get3A_3, %sub3A : vector<16x2048xf32>
      %sub3A_44 = vector.broadcast %broadcast_in_dim3A_34 : vector<16x1xf32> to vector<16x2048xf32>
      %sub3A_45 = arith.subf %get3A_8, %sub3A_44 : vector<16x2048xf32>
      %sub3A_46 = vector.broadcast %broadcast_in_dim3A_38 : vector<16x1xf32> to vector<16x2048xf32>
      %sub3A_47 = arith.subf %get3A_13, %sub3A_46 : vector<16x2048xf32>
      %mul3A_48 = arith.mulf %sub3A_43, %sub3A_43 : vector<16x2048xf32>
      %mul3A_49 = arith.mulf %sub3A_45, %sub3A_45 : vector<16x2048xf32>
      %add3A = arith.addf %mul3A_48, %mul3A_49 : vector<16x2048xf32>
      %mul3A_50 = arith.mulf %sub3A_47, %sub3A_47 : vector<16x2048xf32>
      %add3A_51 = arith.addf %add3A, %mul3A_50 : vector<16x2048xf32>
      %min3A = arith.minimumf %scan3A_25, %add3A_51 : vector<16x2048xf32>
      %argmax3A = tpu.reduce_index %min3A {axis = 1 : i32, kind = #tpu.reduction_kind<arg_max>} : vector<16x2048xf32> -> vector<16xi32>
      %broadcast_in_dim3A_52 = vector.shape_cast %argmax3A : vector<16xi32> to vector<16x1xi32>
      scf.yield %min3A, %broadcast_in_dim3A_52 : vector<16x2048xf32>, vector<16x1xi32>
    }
    %scan3A_23 = arith.constant 512 : i32
    return
  }
}

module attributes {stable_mosaic.version = 14 : i64} {
  func.func @_bq_body(%arg0: i32, %arg1: i32, %arg2: memref<1x128x8xf32, #tpu.memory_space<vmem>>, %arg3: memref<1x8x2048xf32, #tpu.memory_space<vmem>>, %arg4: memref<1x128x32xi32, #tpu.memory_space<vmem>>) attributes {dimension_semantics = [#tpu.dimension_semantics<arbitrary>, #tpu.dimension_semantics<arbitrary>], iteration_bounds = array<i64: 16, 4>, scalar_prefetch = 0 : i64, scratch_operands = 0 : i64, tpu.core_type = #tpu.core_type<tc>, window_params = [{transform_indices = @transform_0, window_bounds = array<i64: 1, 128, 8>}, {transform_indices = @transform_1, window_bounds = array<i64: 1, 8, 2048>}, {transform_indices = @transform_2, window_bounds = array<i64: 1, 128, 32>}]} {
    %get3A = arith.constant 0 : index
    %get3A_0 = arith.constant 0 : index
    %get3A_1 = arith.constant 0 : index
    %get3A_2 = vector.load %arg2[%get3A, %get3A_0, %get3A_1] : memref<1x128x8xf32, #tpu.memory_space<vmem>>, vector<1x128x8xf32>
    %get3A_3 = vector.shape_cast %get3A_2 : vector<1x128x8xf32> to vector<128x8xf32>
    %get3A_4 = arith.constant 0 : index
    %get3A_5 = arith.constant 0 : index
    %get3A_6 = arith.constant 0 : index
    %get3A_7 = vector.load %arg3[%get3A_4, %get3A_5, %get3A_6] : memref<1x8x2048xf32, #tpu.memory_space<vmem>>, vector<1x8x2048xf32>
    %get3A_8 = vector.shape_cast %get3A_7 : vector<1x8x2048xf32> to vector<8x2048xf32>
    %slice3A = vector.extract_strided_slice %get3A_3 {offsets = [0, 0], sizes = [128, 1], strides = [1, 1]} : vector<128x8xf32> to vector<128x1xf32>
    %slice3A_9 = vector.extract_strided_slice %get3A_3 {offsets = [0, 1], sizes = [128, 1], strides = [1, 1]} : vector<128x8xf32> to vector<128x1xf32>
    %slice3A_10 = vector.extract_strided_slice %get3A_3 {offsets = [0, 2], sizes = [128, 1], strides = [1, 1]} : vector<128x8xf32> to vector<128x1xf32>
    %slice3A_11 = vector.extract_strided_slice %get3A_8 {offsets = [0, 0], sizes = [1, 2048], strides = [1, 1]} : vector<8x2048xf32> to vector<1x2048xf32>
    %slice3A_12 = vector.extract_strided_slice %get3A_8 {offsets = [1, 0], sizes = [1, 2048], strides = [1, 1]} : vector<8x2048xf32> to vector<1x2048xf32>
    %slice3A_13 = vector.extract_strided_slice %get3A_8 {offsets = [2, 0], sizes = [1, 2048], strides = [1, 1]} : vector<8x2048xf32> to vector<1x2048xf32>
    %dot_general3A = arith.constant dense<0.000000e+00> : vector<128x2048xf32>
    %dot_general3A_14 = tpu.matmul %get3A_3, %get3A_8, %dot_general3A {dimension_numbers = #tpu.dot_dimension_numbers<[1], [0], [0], [1], [0, 0, 1, 1], [], []>, transpose_lhs_hint = false} : vector<128x8xf32>, vector<8x2048xf32>, vector<128x2048xf32> -> vector<128x2048xf32>
    %mul3A = arith.mulf %slice3A, %slice3A : vector<128x1xf32>
    %mul3A_15 = arith.mulf %slice3A_9, %slice3A_9 : vector<128x1xf32>
    %add3A = arith.addf %mul3A, %mul3A_15 : vector<128x1xf32>
    %mul3A_16 = arith.mulf %slice3A_10, %slice3A_10 : vector<128x1xf32>
    %add3A_17 = arith.addf %add3A, %mul3A_16 : vector<128x1xf32>
    %mul3A_18 = arith.mulf %slice3A_11, %slice3A_11 : vector<1x2048xf32>
    %mul3A_19 = arith.mulf %slice3A_12, %slice3A_12 : vector<1x2048xf32>
    %add3A_20 = arith.addf %mul3A_18, %mul3A_19 : vector<1x2048xf32>
    %mul3A_21 = arith.mulf %slice3A_13, %slice3A_13 : vector<1x2048xf32>
    %add3A_22 = arith.addf %add3A_20, %mul3A_21 : vector<1x2048xf32>
    %mul3A_23 = arith.constant -2.000000e+00 : f32
    %mul3A_24 = vector.broadcast %mul3A_23 : f32 to vector<128x2048xf32>
    %mul3A_25 = arith.mulf %mul3A_24, %dot_general3A_14 : vector<128x2048xf32>
    %add3A_26 = vector.broadcast %add3A_17 : vector<128x1xf32> to vector<128x2048xf32>
    %add3A_27 = arith.addf %mul3A_25, %add3A_26 : vector<128x2048xf32>
    %add3A_28 = vector.broadcast %add3A_22 : vector<1x2048xf32> to vector<128x2048xf32>
    %add3A_29 = arith.addf %add3A_27, %add3A_28 : vector<128x2048xf32>
    %le3A = arith.constant 4.000000e-02 : f32
    %le3A_30 = vector.broadcast %le3A : f32 to vector<128x2048xf32>
    %le3A_31 = arith.cmpf ole, %add3A_29, %le3A_30 : vector<128x2048xf32>
    %convert_element_type3A = arith.extui %le3A_31 : vector<128x2048xi1> to vector<128x2048xi32>
    %convert_element_type3A_32 = arith.sitofp %convert_element_type3A : vector<128x2048xi32> to vector<128x2048xf32>
    %jit3A = arith.constant 0 : i32
    %convert_element_type3A_33 = arith.sitofp %jit3A : i32 to f32
    %pad3A = vector.broadcast %convert_element_type3A_33 : f32 to vector<128x1xf32>
    %pad3A_34 = tpu.concatenate %pad3A, %convert_element_type3A_32 in 1 : vector<128x1xf32>, vector<128x2048xf32> -> vector<128x2049xf32>
    %slice3A_35 = vector.extract_strided_slice %pad3A_34 {offsets = [0, 0], sizes = [128, 2048], strides = [1, 1]} : vector<128x2049xf32> to vector<128x2048xf32>
    %add3A_36 = arith.addf %convert_element_type3A_32, %slice3A_35 : vector<128x2048xf32>
    %jit3A_37 = arith.constant 0 : i32
    %convert_element_type3A_38 = arith.sitofp %jit3A_37 : i32 to f32
    %pad3A_39 = vector.broadcast %convert_element_type3A_38 : f32 to vector<128x2xf32>
    %pad3A_40 = tpu.concatenate %pad3A_39, %add3A_36 in 1 : vector<128x2xf32>, vector<128x2048xf32> -> vector<128x2050xf32>
    %slice3A_41 = vector.extract_strided_slice %pad3A_40 {offsets = [0, 0], sizes = [128, 2048], strides = [1, 1]} : vector<128x2050xf32> to vector<128x2048xf32>
    %add3A_42 = arith.addf %add3A_36, %slice3A_41 : vector<128x2048xf32>
    %jit3A_43 = arith.constant 0 : i32
    %convert_element_type3A_44 = arith.sitofp %jit3A_43 : i32 to f32
    %pad3A_45 = vector.broadcast %convert_element_type3A_44 : f32 to vector<128x4xf32>
    %pad3A_46 = tpu.concatenate %pad3A_45, %add3A_42 in 1 : vector<128x4xf32>, vector<128x2048xf32> -> vector<128x2052xf32>
    %slice3A_47 = vector.extract_strided_slice %pad3A_46 {offsets = [0, 0], sizes = [128, 2048], strides = [1, 1]} : vector<128x2052xf32> to vector<128x2048xf32>
    %add3A_48 = arith.addf %add3A_42, %slice3A_47 : vector<128x2048xf32>
    %jit3A_49 = arith.constant 0 : i32
    %convert_element_type3A_50 = arith.sitofp %jit3A_49 : i32 to f32
    %pad3A_51 = vector.broadcast %convert_element_type3A_50 : f32 to vector<128x8xf32>
    %pad3A_52 = tpu.concatenate %pad3A_51, %add3A_48 in 1 : vector<128x8xf32>, vector<128x2048xf32> -> vector<128x2056xf32>
    %slice3A_53 = vector.extract_strided_slice %pad3A_52 {offsets = [0, 0], sizes = [128, 2048], strides = [1, 1]} : vector<128x2056xf32> to vector<128x2048xf32>
    %add3A_54 = arith.addf %add3A_48, %slice3A_53 : vector<128x2048xf32>
    %jit3A_55 = arith.constant 0 : i32
    %convert_element_type3A_56 = arith.sitofp %jit3A_55 : i32 to f32
    %pad3A_57 = vector.broadcast %convert_element_type3A_56 : f32 to vector<128x16xf32>
    %pad3A_58 = tpu.concatenate %pad3A_57, %add3A_54 in 1 : vector<128x16xf32>, vector<128x2048xf32> -> vector<128x2064xf32>
    %slice3A_59 = vector.extract_strided_slice %pad3A_58 {offsets = [0, 0], sizes = [128, 2048], strides = [1, 1]} : vector<128x2064xf32> to vector<128x2048xf32>
    %add3A_60 = arith.addf %add3A_54, %slice3A_59 : vector<128x2048xf32>
    %jit3A_61 = arith.constant 0 : i32
    %convert_element_type3A_62 = arith.sitofp %jit3A_61 : i32 to f32
    %pad3A_63 = vector.broadcast %convert_element_type3A_62 : f32 to vector<128x32xf32>
    %pad3A_64 = tpu.concatenate %pad3A_63, %add3A_60 in 1 : vector<128x32xf32>, vector<128x2048xf32> -> vector<128x2080xf32>
    %slice3A_65 = vector.extract_strided_slice %pad3A_64 {offsets = [0, 0], sizes = [128, 2048], strides = [1, 1]} : vector<128x2080xf32> to vector<128x2048xf32>
    %add3A_66 = arith.addf %add3A_60, %slice3A_65 : vector<128x2048xf32>
    %jit3A_67 = arith.constant 0 : i32
    %convert_element_type3A_68 = arith.sitofp %jit3A_67 : i32 to f32
    %pad3A_69 = vector.broadcast %convert_element_type3A_68 : f32 to vector<128x64xf32>
    %pad3A_70 = tpu.concatenate %pad3A_69, %add3A_66 in 1 : vector<128x64xf32>, vector<128x2048xf32> -> vector<128x2112xf32>
    %slice3A_71 = vector.extract_strided_slice %pad3A_70 {offsets = [0, 0], sizes = [128, 2048], strides = [1, 1]} : vector<128x2112xf32> to vector<128x2048xf32>
    %add3A_72 = arith.addf %add3A_66, %slice3A_71 : vector<128x2048xf32>
    %jit3A_73 = arith.constant 0 : i32
    %convert_element_type3A_74 = arith.sitofp %jit3A_73 : i32 to f32
    %pad3A_75 = vector.broadcast %convert_element_type3A_74 : f32 to vector<128x128xf32>
    %pad3A_76 = tpu.concatenate %pad3A_75, %add3A_72 in 1 : vector<128x128xf32>, vector<128x2048xf32> -> vector<128x2176xf32>
    %slice3A_77 = vector.extract_strided_slice %pad3A_76 {offsets = [0, 0], sizes = [128, 2048], strides = [1, 1]} : vector<128x2176xf32> to vector<128x2048xf32>
    %add3A_78 = arith.addf %add3A_72, %slice3A_77 : vector<128x2048xf32>
    %jit3A_79 = arith.constant 0 : i32
    %convert_element_type3A_80 = arith.sitofp %jit3A_79 : i32 to f32
    %pad3A_81 = vector.broadcast %convert_element_type3A_80 : f32 to vector<128x256xf32>
    %pad3A_82 = tpu.concatenate %pad3A_81, %add3A_78 in 1 : vector<128x256xf32>, vector<128x2048xf32> -> vector<128x2304xf32>
    %slice3A_83 = vector.extract_strided_slice %pad3A_82 {offsets = [0, 0], sizes = [128, 2048], strides = [1, 1]} : vector<128x2304xf32> to vector<128x2048xf32>
    %add3A_84 = arith.addf %add3A_78, %slice3A_83 : vector<128x2048xf32>
    %jit3A_85 = arith.constant 0 : i32
    %convert_element_type3A_86 = arith.sitofp %jit3A_85 : i32 to f32
    %pad3A_87 = vector.broadcast %convert_element_type3A_86 : f32 to vector<128x512xf32>
    %pad3A_88 = tpu.concatenate %pad3A_87, %add3A_84 in 1 : vector<128x512xf32>, vector<128x2048xf32> -> vector<128x2560xf32>
    %slice3A_89 = vector.extract_strided_slice %pad3A_88 {offsets = [0, 0], sizes = [128, 2048], strides = [1, 1]} : vector<128x2560xf32> to vector<128x2048xf32>
    %add3A_90 = arith.addf %add3A_84, %slice3A_89 : vector<128x2048xf32>
    %jit3A_91 = arith.constant 0 : i32
    %convert_element_type3A_92 = arith.sitofp %jit3A_91 : i32 to f32
    %pad3A_93 = vector.broadcast %convert_element_type3A_92 : f32 to vector<128x1024xf32>
    %pad3A_94 = tpu.concatenate %pad3A_93, %add3A_90 in 1 : vector<128x1024xf32>, vector<128x2048xf32> -> vector<128x3072xf32>
    %slice3A_95 = vector.extract_strided_slice %pad3A_94 {offsets = [0, 0], sizes = [128, 2048], strides = [1, 1]} : vector<128x3072xf32> to vector<128x2048xf32>
    %add3A_96 = arith.addf %add3A_90, %slice3A_95 : vector<128x2048xf32>
    %mul3A_97 = arith.mulf %convert_element_type3A_32, %add3A_96 : vector<128x2048xf32>
    %iota3A = tpu.iota {dimensions = array<i32: 1>} : vector<128x2048xi32>
    %convert_element_type3A_98 = arith.sitofp %iota3A : vector<128x2048xi32> to vector<128x2048xf32>
    %add3A_99 = arith.constant 1.000000e+00 : f32
    %add3A_100 = vector.broadcast %add3A_99 : f32 to vector<128x2048xf32>
    %add3A_101 = arith.addf %convert_element_type3A_98, %add3A_100 : vector<128x2048xf32>
    %eq3A = arith.constant 1.000000e+00 : f32
    %eq3A_102 = vector.broadcast %eq3A : f32 to vector<128x2048xf32>
    %eq3A_103 = arith.cmpf oeq, %mul3A_97, %eq3A_102 : vector<128x2048xf32>
    %jit3A_104 = arith.constant 0.000000e+00 : f32
    %broadcast_in_dim3A = vector.broadcast %jit3A_104 : f32 to vector<128x2048xf32>
    %select_n3A = arith.select %eq3A_103, %add3A_101, %broadcast_in_dim3A : vector<128x2048xi1>, vector<128x2048xf32>
    %reduce_sum3A = arith.constant dense<0.000000e+00> : vector<128xf32>
    %reduce_sum3A_105 = vector.multi_reduction <add>, %select_n3A, %reduce_sum3A [1] : vector<128x2048xf32> to vector<128xf32>
    %broadcast_in_dim3A_106 = vector.shape_cast %reduce_sum3A_105 : vector<128xf32> to vector<128x1xf32>
    %eq3A_107 = arith.constant 2.000000e+00 : f32
    %eq3A_108 = vector.broadcast %eq3A_107 : f32 to vector<128x2048xf32>
    %eq3A_109 = arith.cmpf oeq, %mul3A_97, %eq3A_108 : vector<128x2048xf32>
    %jit3A_110 = arith.constant 0.000000e+00 : f32
    %broadcast_in_dim3A_111 = vector.broadcast %jit3A_110 : f32 to vector<128x2048xf32>
    %select_n3A_112 = arith.select %eq3A_109, %add3A_101, %broadcast_in_dim3A_111 : vector<128x2048xi1>, vector<128x2048xf32>
    %reduce_sum3A_113 = arith.constant dense<0.000000e+00> : vector<128xf32>
    %reduce_sum3A_114 = vector.multi_reduction <add>, %select_n3A_112, %reduce_sum3A_113 [1] : vector<128x2048xf32> to vector<128xf32>
    %broadcast_in_dim3A_115 = vector.shape_cast %reduce_sum3A_114 : vector<128xf32> to vector<128x1xf32>
    %eq3A_116 = arith.constant 3.000000e+00 : f32
    %eq3A_117 = vector.broadcast %eq3A_116 : f32 to vector<128x2048xf32>
    %eq3A_118 = arith.cmpf oeq, %mul3A_97, %eq3A_117 : vector<128x2048xf32>
    %jit3A_119 = arith.constant 0.000000e+00 : f32
    %broadcast_in_dim3A_120 = vector.broadcast %jit3A_119 : f32 to vector<128x2048xf32>
    %select_n3A_121 = arith.select %eq3A_118, %add3A_101, %broadcast_in_dim3A_120 : vector<128x2048xi1>, vector<128x2048xf32>
    %reduce_sum3A_122 = arith.constant dense<0.000000e+00> : vector<128xf32>
    %reduce_sum3A_123 = vector.multi_reduction <add>, %select_n3A_121, %reduce_sum3A_122 [1] : vector<128x2048xf32> to vector<128xf32>
    %broadcast_in_dim3A_124 = vector.shape_cast %reduce_sum3A_123 : vector<128xf32> to vector<128x1xf32>
    %eq3A_125 = arith.constant 4.000000e+00 : f32
    %eq3A_126 = vector.broadcast %eq3A_125 : f32 to vector<128x2048xf32>
    %eq3A_127 = arith.cmpf oeq, %mul3A_97, %eq3A_126 : vector<128x2048xf32>
    %jit3A_128 = arith.constant 0.000000e+00 : f32
    %broadcast_in_dim3A_129 = vector.broadcast %jit3A_128 : f32 to vector<128x2048xf32>
    %select_n3A_130 = arith.select %eq3A_127, %add3A_101, %broadcast_in_dim3A_129 : vector<128x2048xi1>, vector<128x2048xf32>
    %reduce_sum3A_131 = arith.constant dense<0.000000e+00> : vector<128xf32>
    %reduce_sum3A_132 = vector.multi_reduction <add>, %select_n3A_130, %reduce_sum3A_131 [1] : vector<128x2048xf32> to vector<128xf32>
    %broadcast_in_dim3A_133 = vector.shape_cast %reduce_sum3A_132 : vector<128xf32> to vector<128x1xf32>
    %eq3A_134 = arith.constant 5.000000e+00 : f32
    %eq3A_135 = vector.broadcast %eq3A_134 : f32 to vector<128x2048xf32>
    %eq3A_136 = arith.cmpf oeq, %mul3A_97, %eq3A_135 : vector<128x2048xf32>
    %jit3A_137 = arith.constant 0.000000e+00 : f32
    %broadcast_in_dim3A_138 = vector.broadcast %jit3A_137 : f32 to vector<128x2048xf32>
    %select_n3A_139 = arith.select %eq3A_136, %add3A_101, %broadcast_in_dim3A_138 : vector<128x2048xi1>, vector<128x2048xf32>
    %reduce_sum3A_140 = arith.constant dense<0.000000e+00> : vector<128xf32>
    %reduce_sum3A_141 = vector.multi_reduction <add>, %select_n3A_139, %reduce_sum3A_140 [1] : vector<128x2048xf32> to vector<128xf32>
    %broadcast_in_dim3A_142 = vector.shape_cast %reduce_sum3A_141 : vector<128xf32> to vector<128x1xf32>
    %eq3A_143 = arith.constant 6.000000e+00 : f32
    %eq3A_144 = vector.broadcast %eq3A_143 : f32 to vector<128x2048xf32>
    %eq3A_145 = arith.cmpf oeq, %mul3A_97, %eq3A_144 : vector<128x2048xf32>
    %jit3A_146 = arith.constant 0.000000e+00 : f32
    %broadcast_in_dim3A_147 = vector.broadcast %jit3A_146 : f32 to vector<128x2048xf32>
    %select_n3A_148 = arith.select %eq3A_145, %add3A_101, %broadcast_in_dim3A_147 : vector<128x2048xi1>, vector<128x2048xf32>
    %reduce_sum3A_149 = arith.constant dense<0.000000e+00> : vector<128xf32>
    %reduce_sum3A_150 = vector.multi_reduction <add>, %select_n3A_148, %reduce_sum3A_149 [1] : vector<128x2048xf32> to vector<128xf32>
    %broadcast_in_dim3A_151 = vector.shape_cast %reduce_sum3A_150 : vector<128xf32> to vector<128x1xf32>
    %eq3A_152 = arith.constant 7.000000e+00 : f32
    %eq3A_153 = vector.broadcast %eq3A_152 : f32 to vector<128x2048xf32>
    %eq3A_154 = arith.cmpf oeq, %mul3A_97, %eq3A_153 : vector<128x2048xf32>
    %jit3A_155 = arith.constant 0.000000e+00 : f32
    %broadcast_in_dim3A_156 = vector.broadcast %jit3A_155 : f32 to vector<128x2048xf32>
    %select_n3A_157 = arith.select %eq3A_154, %add3A_101, %broadcast_in_dim3A_156 : vector<128x2048xi1>, vector<128x2048xf32>
    %reduce_sum3A_158 = arith.constant dense<0.000000e+00> : vector<128xf32>
    %reduce_sum3A_159 = vector.multi_reduction <add>, %select_n3A_157, %reduce_sum3A_158 [1] : vector<128x2048xf32> to vector<128xf32>
    %broadcast_in_dim3A_160 = vector.shape_cast %reduce_sum3A_159 : vector<128xf32> to vector<128x1xf32>
    %eq3A_161 = arith.constant 8.000000e+00 : f32
    %eq3A_162 = vector.broadcast %eq3A_161 : f32 to vector<128x2048xf32>
    %eq3A_163 = arith.cmpf oeq, %mul3A_97, %eq3A_162 : vector<128x2048xf32>
    %jit3A_164 = arith.constant 0.000000e+00 : f32
    %broadcast_in_dim3A_165 = vector.broadcast %jit3A_164 : f32 to vector<128x2048xf32>
    %select_n3A_166 = arith.select %eq3A_163, %add3A_101, %broadcast_in_dim3A_165 : vector<128x2048xi1>, vector<128x2048xf32>
    %reduce_sum3A_167 = arith.constant dense<0.000000e+00> : vector<128xf32>
    %reduce_sum3A_168 = vector.multi_reduction <add>, %select_n3A_166, %reduce_sum3A_167 [1] : vector<128x2048xf32> to vector<128xf32>
    %broadcast_in_dim3A_169 = vector.shape_cast %reduce_sum3A_168 : vector<128xf32> to vector<128x1xf32>
    %eq3A_170 = arith.constant 9.000000e+00 : f32
    %eq3A_171 = vector.broadcast %eq3A_170 : f32 to vector<128x2048xf32>
    %eq3A_172 = arith.cmpf oeq, %mul3A_97, %eq3A_171 : vector<128x2048xf32>
    %jit3A_173 = arith.constant 0.000000e+00 : f32
    %broadcast_in_dim3A_174 = vector.broadcast %jit3A_173 : f32 to vector<128x2048xf32>
    %select_n3A_175 = arith.select %eq3A_172, %add3A_101, %broadcast_in_dim3A_174 : vector<128x2048xi1>, vector<128x2048xf32>
    %reduce_sum3A_176 = arith.constant dense<0.000000e+00> : vector<128xf32>
    %reduce_sum3A_177 = vector.multi_reduction <add>, %select_n3A_175, %reduce_sum3A_176 [1] : vector<128x2048xf32> to vector<128xf32>
    %broadcast_in_dim3A_178 = vector.shape_cast %reduce_sum3A_177 : vector<128xf32> to vector<128x1xf32>
    %eq3A_179 = arith.constant 1.000000e+01 : f32
    %eq3A_180 = vector.broadcast %eq3A_179 : f32 to vector<128x2048xf32>
    %eq3A_181 = arith.cmpf oeq, %mul3A_97, %eq3A_180 : vector<128x2048xf32>
    %jit3A_182 = arith.constant 0.000000e+00 : f32
    %broadcast_in_dim3A_183 = vector.broadcast %jit3A_182 : f32 to vector<128x2048xf32>
    %select_n3A_184 = arith.select %eq3A_181, %add3A_101, %broadcast_in_dim3A_183 : vector<128x2048xi1>, vector<128x2048xf32>
    %reduce_sum3A_185 = arith.constant dense<0.000000e+00> : vector<128xf32>
    %reduce_sum3A_186 = vector.multi_reduction <add>, %select_n3A_184, %reduce_sum3A_185 [1] : vector<128x2048xf32> to vector<128xf32>
    %broadcast_in_dim3A_187 = vector.shape_cast %reduce_sum3A_186 : vector<128xf32> to vector<128x1xf32>
    %eq3A_188 = arith.constant 1.100000e+01 : f32
    %eq3A_189 = vector.broadcast %eq3A_188 : f32 to vector<128x2048xf32>
    %eq3A_190 = arith.cmpf oeq, %mul3A_97, %eq3A_189 : vector<128x2048xf32>
    %jit3A_191 = arith.constant 0.000000e+00 : f32
    %broadcast_in_dim3A_192 = vector.broadcast %jit3A_191 : f32 to vector<128x2048xf32>
    %select_n3A_193 = arith.select %eq3A_190, %add3A_101, %broadcast_in_dim3A_192 : vector<128x2048xi1>, vector<128x2048xf32>
    %reduce_sum3A_194 = arith.constant dense<0.000000e+00> : vector<128xf32>
    %reduce_sum3A_195 = vector.multi_reduction <add>, %select_n3A_193, %reduce_sum3A_194 [1] : vector<128x2048xf32> to vector<128xf32>
    %broadcast_in_dim3A_196 = vector.shape_cast %reduce_sum3A_195 : vector<128xf32> to vector<128x1xf32>
    %eq3A_197 = arith.constant 1.200000e+01 : f32
    %eq3A_198 = vector.broadcast %eq3A_197 : f32 to vector<128x2048xf32>
    %eq3A_199 = arith.cmpf oeq, %mul3A_97, %eq3A_198 : vector<128x2048xf32>
    %jit3A_200 = arith.constant 0.000000e+00 : f32
    %broadcast_in_dim3A_201 = vector.broadcast %jit3A_200 : f32 to vector<128x2048xf32>
    %select_n3A_202 = arith.select %eq3A_199, %add3A_101, %broadcast_in_dim3A_201 : vector<128x2048xi1>, vector<128x2048xf32>
    %reduce_sum3A_203 = arith.constant dense<0.000000e+00> : vector<128xf32>
    %reduce_sum3A_204 = vector.multi_reduction <add>, %select_n3A_202, %reduce_sum3A_203 [1] : vector<128x2048xf32> to vector<128xf32>
    %broadcast_in_dim3A_205 = vector.shape_cast %reduce_sum3A_204 : vector<128xf32> to vector<128x1xf32>
    %eq3A_206 = arith.constant 1.300000e+01 : f32
    %eq3A_207 = vector.broadcast %eq3A_206 : f32 to vector<128x2048xf32>
    %eq3A_208 = arith.cmpf oeq, %mul3A_97, %eq3A_207 : vector<128x2048xf32>
    %jit3A_209 = arith.constant 0.000000e+00 : f32
    %broadcast_in_dim3A_210 = vector.broadcast %jit3A_209 : f32 to vector<128x2048xf32>
    %select_n3A_211 = arith.select %eq3A_208, %add3A_101, %broadcast_in_dim3A_210 : vector<128x2048xi1>, vector<128x2048xf32>
    %reduce_sum3A_212 = arith.constant dense<0.000000e+00> : vector<128xf32>
    %reduce_sum3A_213 = vector.multi_reduction <add>, %select_n3A_211, %reduce_sum3A_212 [1] : vector<128x2048xf32> to vector<128xf32>
    %broadcast_in_dim3A_214 = vector.shape_cast %reduce_sum3A_213 : vector<128xf32> to vector<128x1xf32>
    %eq3A_215 = arith.constant 1.400000e+01 : f32
    %eq3A_216 = vector.broadcast %eq3A_215 : f32 to vector<128x2048xf32>
    %eq3A_217 = arith.cmpf oeq, %mul3A_97, %eq3A_216 : vector<128x2048xf32>
    %jit3A_218 = arith.constant 0.000000e+00 : f32
    %broadcast_in_dim3A_219 = vector.broadcast %jit3A_218 : f32 to vector<128x2048xf32>
    %select_n3A_220 = arith.select %eq3A_217, %add3A_101, %broadcast_in_dim3A_219 : vector<128x2048xi1>, vector<128x2048xf32>
    %reduce_sum3A_221 = arith.constant dense<0.000000e+00> : vector<128xf32>
    %reduce_sum3A_222 = vector.multi_reduction <add>, %select_n3A_220, %reduce_sum3A_221 [1] : vector<128x2048xf32> to vector<128xf32>
    %broadcast_in_dim3A_223 = vector.shape_cast %reduce_sum3A_222 : vector<128xf32> to vector<128x1xf32>
    %eq3A_224 = arith.constant 1.500000e+01 : f32
    %eq3A_225 = vector.broadcast %eq3A_224 : f32 to vector<128x2048xf32>
    %eq3A_226 = arith.cmpf oeq, %mul3A_97, %eq3A_225 : vector<128x2048xf32>
    %jit3A_227 = arith.constant 0.000000e+00 : f32
    %broadcast_in_dim3A_228 = vector.broadcast %jit3A_227 : f32 to vector<128x2048xf32>
    %select_n3A_229 = arith.select %eq3A_226, %add3A_101, %broadcast_in_dim3A_228 : vector<128x2048xi1>, vector<128x2048xf32>
    %reduce_sum3A_230 = arith.constant dense<0.000000e+00> : vector<128xf32>
    %reduce_sum3A_231 = vector.multi_reduction <add>, %select_n3A_229, %reduce_sum3A_230 [1] : vector<128x2048xf32> to vector<128xf32>
    %broadcast_in_dim3A_232 = vector.shape_cast %reduce_sum3A_231 : vector<128xf32> to vector<128x1xf32>
    %eq3A_233 = arith.constant 1.600000e+01 : f32
    %eq3A_234 = vector.broadcast %eq3A_233 : f32 to vector<128x2048xf32>
    %eq3A_235 = arith.cmpf oeq, %mul3A_97, %eq3A_234 : vector<128x2048xf32>
    %jit3A_236 = arith.constant 0.000000e+00 : f32
    %broadcast_in_dim3A_237 = vector.broadcast %jit3A_236 : f32 to vector<128x2048xf32>
    %select_n3A_238 = arith.select %eq3A_235, %add3A_101, %broadcast_in_dim3A_237 : vector<128x2048xi1>, vector<128x2048xf32>
    %reduce_sum3A_239 = arith.constant dense<0.000000e+00> : vector<128xf32>
    %reduce_sum3A_240 = vector.multi_reduction <add>, %select_n3A_238, %reduce_sum3A_239 [1] : vector<128x2048xf32> to vector<128xf32>
    %broadcast_in_dim3A_241 = vector.shape_cast %reduce_sum3A_240 : vector<128xf32> to vector<128x1xf32>
    %eq3A_242 = arith.constant 1.700000e+01 : f32
    %eq3A_243 = vector.broadcast %eq3A_242 : f32 to vector<128x2048xf32>
    %eq3A_244 = arith.cmpf oeq, %mul3A_97, %eq3A_243 : vector<128x2048xf32>
    %jit3A_245 = arith.constant 0.000000e+00 : f32
    %broadcast_in_dim3A_246 = vector.broadcast %jit3A_245 : f32 to vector<128x2048xf32>
    %select_n3A_247 = arith.select %eq3A_244, %add3A_101, %broadcast_in_dim3A_246 : vector<128x2048xi1>, vector<128x2048xf32>
    %reduce_sum3A_248 = arith.constant dense<0.000000e+00> : vector<128xf32>
    %reduce_sum3A_249 = vector.multi_reduction <add>, %select_n3A_247, %reduce_sum3A_248 [1] : vector<128x2048xf32> to vector<128xf32>
    %broadcast_in_dim3A_250 = vector.shape_cast %reduce_sum3A_249 : vector<128xf32> to vector<128x1xf32>
    %eq3A_251 = arith.constant 1.800000e+01 : f32
    %eq3A_252 = vector.broadcast %eq3A_251 : f32 to vector<128x2048xf32>
    %eq3A_253 = arith.cmpf oeq, %mul3A_97, %eq3A_252 : vector<128x2048xf32>
    %jit3A_254 = arith.constant 0.000000e+00 : f32
    %broadcast_in_dim3A_255 = vector.broadcast %jit3A_254 : f32 to vector<128x2048xf32>
    %select_n3A_256 = arith.select %eq3A_253, %add3A_101, %broadcast_in_dim3A_255 : vector<128x2048xi1>, vector<128x2048xf32>
    %reduce_sum3A_257 = arith.constant dense<0.000000e+00> : vector<128xf32>
    %reduce_sum3A_258 = vector.multi_reduction <add>, %select_n3A_256, %reduce_sum3A_257 [1] : vector<128x2048xf32> to vector<128xf32>
    %broadcast_in_dim3A_259 = vector.shape_cast %reduce_sum3A_258 : vector<128xf32> to vector<128x1xf32>
    %eq3A_260 = arith.constant 1.900000e+01 : f32
    %eq3A_261 = vector.broadcast %eq3A_260 : f32 to vector<128x2048xf32>
    %eq3A_262 = arith.cmpf oeq, %mul3A_97, %eq3A_261 : vector<128x2048xf32>
    %jit3A_263 = arith.constant 0.000000e+00 : f32
    %broadcast_in_dim3A_264 = vector.broadcast %jit3A_263 : f32 to vector<128x2048xf32>
    %select_n3A_265 = arith.select %eq3A_262, %add3A_101, %broadcast_in_dim3A_264 : vector<128x2048xi1>, vector<128x2048xf32>
    %reduce_sum3A_266 = arith.constant dense<0.000000e+00> : vector<128xf32>
    %reduce_sum3A_267 = vector.multi_reduction <add>, %select_n3A_265, %reduce_sum3A_266 [1] : vector<128x2048xf32> to vector<128xf32>
    %broadcast_in_dim3A_268 = vector.shape_cast %reduce_sum3A_267 : vector<128xf32> to vector<128x1xf32>
    %eq3A_269 = arith.constant 2.000000e+01 : f32
    %eq3A_270 = vector.broadcast %eq3A_269 : f32 to vector<128x2048xf32>
    %eq3A_271 = arith.cmpf oeq, %mul3A_97, %eq3A_270 : vector<128x2048xf32>
    %jit3A_272 = arith.constant 0.000000e+00 : f32
    %broadcast_in_dim3A_273 = vector.broadcast %jit3A_272 : f32 to vector<128x2048xf32>
    %select_n3A_274 = arith.select %eq3A_271, %add3A_101, %broadcast_in_dim3A_273 : vector<128x2048xi1>, vector<128x2048xf32>
    %reduce_sum3A_275 = arith.constant dense<0.000000e+00> : vector<128xf32>
    %reduce_sum3A_276 = vector.multi_reduction <add>, %select_n3A_274, %reduce_sum3A_275 [1] : vector<128x2048xf32> to vector<128xf32>
    %broadcast_in_dim3A_277 = vector.shape_cast %reduce_sum3A_276 : vector<128xf32> to vector<128x1xf32>
    %eq3A_278 = arith.constant 2.100000e+01 : f32
    %eq3A_279 = vector.broadcast %eq3A_278 : f32 to vector<128x2048xf32>
    %eq3A_280 = arith.cmpf oeq, %mul3A_97, %eq3A_279 : vector<128x2048xf32>
    %jit3A_281 = arith.constant 0.000000e+00 : f32
    %broadcast_in_dim3A_282 = vector.broadcast %jit3A_281 : f32 to vector<128x2048xf32>
    %select_n3A_283 = arith.select %eq3A_280, %add3A_101, %broadcast_in_dim3A_282 : vector<128x2048xi1>, vector<128x2048xf32>
    %reduce_sum3A_284 = arith.constant dense<0.000000e+00> : vector<128xf32>
    %reduce_sum3A_285 = vector.multi_reduction <add>, %select_n3A_283, %reduce_sum3A_284 [1] : vector<128x2048xf32> to vector<128xf32>
    %broadcast_in_dim3A_286 = vector.shape_cast %reduce_sum3A_285 : vector<128xf32> to vector<128x1xf32>
    %eq3A_287 = arith.constant 2.200000e+01 : f32
    %eq3A_288 = vector.broadcast %eq3A_287 : f32 to vector<128x2048xf32>
    %eq3A_289 = arith.cmpf oeq, %mul3A_97, %eq3A_288 : vector<128x2048xf32>
    %jit3A_290 = arith.constant 0.000000e+00 : f32
    %broadcast_in_dim3A_291 = vector.broadcast %jit3A_290 : f32 to vector<128x2048xf32>
    %select_n3A_292 = arith.select %eq3A_289, %add3A_101, %broadcast_in_dim3A_291 : vector<128x2048xi1>, vector<128x2048xf32>
    %reduce_sum3A_293 = arith.constant dense<0.000000e+00> : vector<128xf32>
    %reduce_sum3A_294 = vector.multi_reduction <add>, %select_n3A_292, %reduce_sum3A_293 [1] : vector<128x2048xf32> to vector<128xf32>
    %broadcast_in_dim3A_295 = vector.shape_cast %reduce_sum3A_294 : vector<128xf32> to vector<128x1xf32>
    %eq3A_296 = arith.constant 2.300000e+01 : f32
    %eq3A_297 = vector.broadcast %eq3A_296 : f32 to vector<128x2048xf32>
    %eq3A_298 = arith.cmpf oeq, %mul3A_97, %eq3A_297 : vector<128x2048xf32>
    %jit3A_299 = arith.constant 0.000000e+00 : f32
    %broadcast_in_dim3A_300 = vector.broadcast %jit3A_299 : f32 to vector<128x2048xf32>
    %select_n3A_301 = arith.select %eq3A_298, %add3A_101, %broadcast_in_dim3A_300 : vector<128x2048xi1>, vector<128x2048xf32>
    %reduce_sum3A_302 = arith.constant dense<0.000000e+00> : vector<128xf32>
    %reduce_sum3A_303 = vector.multi_reduction <add>, %select_n3A_301, %reduce_sum3A_302 [1] : vector<128x2048xf32> to vector<128xf32>
    %broadcast_in_dim3A_304 = vector.shape_cast %reduce_sum3A_303 : vector<128xf32> to vector<128x1xf32>
    %eq3A_305 = arith.constant 2.400000e+01 : f32
    %eq3A_306 = vector.broadcast %eq3A_305 : f32 to vector<128x2048xf32>
    %eq3A_307 = arith.cmpf oeq, %mul3A_97, %eq3A_306 : vector<128x2048xf32>
    %jit3A_308 = arith.constant 0.000000e+00 : f32
    %broadcast_in_dim3A_309 = vector.broadcast %jit3A_308 : f32 to vector<128x2048xf32>
    %select_n3A_310 = arith.select %eq3A_307, %add3A_101, %broadcast_in_dim3A_309 : vector<128x2048xi1>, vector<128x2048xf32>
    %reduce_sum3A_311 = arith.constant dense<0.000000e+00> : vector<128xf32>
    %reduce_sum3A_312 = vector.multi_reduction <add>, %select_n3A_310, %reduce_sum3A_311 [1] : vector<128x2048xf32> to vector<128xf32>
    %broadcast_in_dim3A_313 = vector.shape_cast %reduce_sum3A_312 : vector<128xf32> to vector<128x1xf32>
    %eq3A_314 = arith.constant 2.500000e+01 : f32
    %eq3A_315 = vector.broadcast %eq3A_314 : f32 to vector<128x2048xf32>
    %eq3A_316 = arith.cmpf oeq, %mul3A_97, %eq3A_315 : vector<128x2048xf32>
    %jit3A_317 = arith.constant 0.000000e+00 : f32
    %broadcast_in_dim3A_318 = vector.broadcast %jit3A_317 : f32 to vector<128x2048xf32>
    %select_n3A_319 = arith.select %eq3A_316, %add3A_101, %broadcast_in_dim3A_318 : vector<128x2048xi1>, vector<128x2048xf32>
    %reduce_sum3A_320 = arith.constant dense<0.000000e+00> : vector<128xf32>
    %reduce_sum3A_321 = vector.multi_reduction <add>, %select_n3A_319, %reduce_sum3A_320 [1] : vector<128x2048xf32> to vector<128xf32>
    %broadcast_in_dim3A_322 = vector.shape_cast %reduce_sum3A_321 : vector<128xf32> to vector<128x1xf32>
    %eq3A_323 = arith.constant 2.600000e+01 : f32
    %eq3A_324 = vector.broadcast %eq3A_323 : f32 to vector<128x2048xf32>
    %eq3A_325 = arith.cmpf oeq, %mul3A_97, %eq3A_324 : vector<128x2048xf32>
    %jit3A_326 = arith.constant 0.000000e+00 : f32
    %broadcast_in_dim3A_327 = vector.broadcast %jit3A_326 : f32 to vector<128x2048xf32>
    %select_n3A_328 = arith.select %eq3A_325, %add3A_101, %broadcast_in_dim3A_327 : vector<128x2048xi1>, vector<128x2048xf32>
    %reduce_sum3A_329 = arith.constant dense<0.000000e+00> : vector<128xf32>
    %reduce_sum3A_330 = vector.multi_reduction <add>, %select_n3A_328, %reduce_sum3A_329 [1] : vector<128x2048xf32> to vector<128xf32>
    %broadcast_in_dim3A_331 = vector.shape_cast %reduce_sum3A_330 : vector<128xf32> to vector<128x1xf32>
    %eq3A_332 = arith.constant 2.700000e+01 : f32
    %eq3A_333 = vector.broadcast %eq3A_332 : f32 to vector<128x2048xf32>
    %eq3A_334 = arith.cmpf oeq, %mul3A_97, %eq3A_333 : vector<128x2048xf32>
    %jit3A_335 = arith.constant 0.000000e+00 : f32
    %broadcast_in_dim3A_336 = vector.broadcast %jit3A_335 : f32 to vector<128x2048xf32>
    %select_n3A_337 = arith.select %eq3A_334, %add3A_101, %broadcast_in_dim3A_336 : vector<128x2048xi1>, vector<128x2048xf32>
    %reduce_sum3A_338 = arith.constant dense<0.000000e+00> : vector<128xf32>
    %reduce_sum3A_339 = vector.multi_reduction <add>, %select_n3A_337, %reduce_sum3A_338 [1] : vector<128x2048xf32> to vector<128xf32>
    %broadcast_in_dim3A_340 = vector.shape_cast %reduce_sum3A_339 : vector<128xf32> to vector<128x1xf32>
    %eq3A_341 = arith.constant 2.800000e+01 : f32
    %eq3A_342 = vector.broadcast %eq3A_341 : f32 to vector<128x2048xf32>
    %eq3A_343 = arith.cmpf oeq, %mul3A_97, %eq3A_342 : vector<128x2048xf32>
    %jit3A_344 = arith.constant 0.000000e+00 : f32
    %broadcast_in_dim3A_345 = vector.broadcast %jit3A_344 : f32 to vector<128x2048xf32>
    %select_n3A_346 = arith.select %eq3A_343, %add3A_101, %broadcast_in_dim3A_345 : vector<128x2048xi1>, vector<128x2048xf32>
    %reduce_sum3A_347 = arith.constant dense<0.000000e+00> : vector<128xf32>
    %reduce_sum3A_348 = vector.multi_reduction <add>, %select_n3A_346, %reduce_sum3A_347 [1] : vector<128x2048xf32> to vector<128xf32>
    %broadcast_in_dim3A_349 = vector.shape_cast %reduce_sum3A_348 : vector<128xf32> to vector<128x1xf32>
    %eq3A_350 = arith.constant 2.900000e+01 : f32
    %eq3A_351 = vector.broadcast %eq3A_350 : f32 to vector<128x2048xf32>
    %eq3A_352 = arith.cmpf oeq, %mul3A_97, %eq3A_351 : vector<128x2048xf32>
    %jit3A_353 = arith.constant 0.000000e+00 : f32
    %broadcast_in_dim3A_354 = vector.broadcast %jit3A_353 : f32 to vector<128x2048xf32>
    %select_n3A_355 = arith.select %eq3A_352, %add3A_101, %broadcast_in_dim3A_354 : vector<128x2048xi1>, vector<128x2048xf32>
    %reduce_sum3A_356 = arith.constant dense<0.000000e+00> : vector<128xf32>
    %reduce_sum3A_357 = vector.multi_reduction <add>, %select_n3A_355, %reduce_sum3A_356 [1] : vector<128x2048xf32> to vector<128xf32>
    %broadcast_in_dim3A_358 = vector.shape_cast %reduce_sum3A_357 : vector<128xf32> to vector<128x1xf32>
    %eq3A_359 = arith.constant 3.000000e+01 : f32
    %eq3A_360 = vector.broadcast %eq3A_359 : f32 to vector<128x2048xf32>
    %eq3A_361 = arith.cmpf oeq, %mul3A_97, %eq3A_360 : vector<128x2048xf32>
    %jit3A_362 = arith.constant 0.000000e+00 : f32
    %broadcast_in_dim3A_363 = vector.broadcast %jit3A_362 : f32 to vector<128x2048xf32>
    %select_n3A_364 = arith.select %eq3A_361, %add3A_101, %broadcast_in_dim3A_363 : vector<128x2048xi1>, vector<128x2048xf32>
    %reduce_sum3A_365 = arith.constant dense<0.000000e+00> : vector<128xf32>
    %reduce_sum3A_366 = vector.multi_reduction <add>, %select_n3A_364, %reduce_sum3A_365 [1] : vector<128x2048xf32> to vector<128xf32>
    %broadcast_in_dim3A_367 = vector.shape_cast %reduce_sum3A_366 : vector<128xf32> to vector<128x1xf32>
    %eq3A_368 = arith.constant 3.100000e+01 : f32
    %eq3A_369 = vector.broadcast %eq3A_368 : f32 to vector<128x2048xf32>
    %eq3A_370 = arith.cmpf oeq, %mul3A_97, %eq3A_369 : vector<128x2048xf32>
    %jit3A_371 = arith.constant 0.000000e+00 : f32
    %broadcast_in_dim3A_372 = vector.broadcast %jit3A_371 : f32 to vector<128x2048xf32>
    %select_n3A_373 = arith.select %eq3A_370, %add3A_101, %broadcast_in_dim3A_372 : vector<128x2048xi1>, vector<128x2048xf32>
    %reduce_sum3A_374 = arith.constant dense<0.000000e+00> : vector<128xf32>
    %reduce_sum3A_375 = vector.multi_reduction <add>, %select_n3A_373, %reduce_sum3A_374 [1] : vector<128x2048xf32> to vector<128xf32>
    %broadcast_in_dim3A_376 = vector.shape_cast %reduce_sum3A_375 : vector<128xf32> to vector<128x1xf32>
    %eq3A_377 = arith.constant 3.200000e+01 : f32
    %eq3A_378 = vector.broadcast %eq3A_377 : f32 to vector<128x2048xf32>
    %eq3A_379 = arith.cmpf oeq, %mul3A_97, %eq3A_378 : vector<128x2048xf32>
    %jit3A_380 = arith.constant 0.000000e+00 : f32
    %broadcast_in_dim3A_381 = vector.broadcast %jit3A_380 : f32 to vector<128x2048xf32>
    %select_n3A_382 = arith.select %eq3A_379, %add3A_101, %broadcast_in_dim3A_381 : vector<128x2048xi1>, vector<128x2048xf32>
    %reduce_sum3A_383 = arith.constant dense<0.000000e+00> : vector<128xf32>
    %reduce_sum3A_384 = vector.multi_reduction <add>, %select_n3A_382, %reduce_sum3A_383 [1] : vector<128x2048xf32> to vector<128xf32>
    %broadcast_in_dim3A_385 = vector.shape_cast %reduce_sum3A_384 : vector<128xf32> to vector<128x1xf32>
    %concatenate3A = tpu.concatenate %broadcast_in_dim3A_106, %broadcast_in_dim3A_115, %broadcast_in_dim3A_124, %broadcast_in_dim3A_133, %broadcast_in_dim3A_142, %broadcast_in_dim3A_151, %broadcast_in_dim3A_160, %broadcast_in_dim3A_169, %broadcast_in_dim3A_178, %broadcast_in_dim3A_187, %broadcast_in_dim3A_196, %broadcast_in_dim3A_205, %broadcast_in_dim3A_214, %broadcast_in_dim3A_223, %broadcast_in_dim3A_232, %broadcast_in_dim3A_241, %broadcast_in_dim3A_250, %broadcast_in_dim3A_259, %broadcast_in_dim3A_268, %broadcast_in_dim3A_277, %broadcast_in_dim3A_286, %broadcast_in_dim3A_295, %broadcast_in_dim3A_304, %broadcast_in_dim3A_313, %broadcast_in_dim3A_322, %broadcast_in_dim3A_331, %broadcast_in_dim3A_340, %broadcast_in_dim3A_349, %broadcast_in_dim3A_358, %broadcast_in_dim3A_367, %broadcast_in_dim3A_376, %broadcast_in_dim3A_385 in 1 : vector<128x1xf32>, vector<128x1xf32>, vector<128x1xf32>, vector<128x1xf32>, vector<128x1xf32>, vector<128x1xf32>, vector<128x1xf32>, vector<128x1xf32>, vector<128x1xf32>, vector<128x1xf32>, vector<128x1xf32>, vector<128x1xf32>, vector<128x1xf32>, vector<128x1xf32>, vector<128x1xf32>, vector<128x1xf32>, vector<128x1xf32>, vector<128x1xf32>, vector<128x1xf32>, vector<128x1xf32>, vector<128x1xf32>, vector<128x1xf32>, vector<128x1xf32>, vector<128x1xf32>, vector<128x1xf32>, vector<128x1xf32>, vector<128x1xf32>, vector<128x1xf32>, vector<128x1xf32>, vector<128x1xf32>, vector<128x1xf32>, vector<128x1xf32> -> vector<128x32xf32>
    %slice3A_386 = vector.extract_strided_slice %concatenate3A {offsets = [0, 0], sizes = [128, 1], strides = [1, 1]} : vector<128x32xf32> to vector<128x1xf32>
    %gt3A = arith.constant 5.000000e-01 : f32
    %gt3A_387 = vector.broadcast %gt3A : f32 to vector<128x1xf32>
    %gt3A_388 = arith.cmpf ogt, %slice3A_386, %gt3A_387 : vector<128x1xf32>
    %sub3A = arith.constant 1.000000e+00 : f32
    %sub3A_389 = vector.broadcast %sub3A : f32 to vector<128x1xf32>
    %sub3A_390 = arith.subf %slice3A_386, %sub3A_389 : vector<128x1xf32>
    %jit3A_391 = arith.constant 2.047000e+03 : f32
    %broadcast_in_dim3A_392 = vector.broadcast %jit3A_391 : f32 to vector<128x1xf32>
    %select_n3A_393 = arith.select %gt3A_388, %sub3A_390, %broadcast_in_dim3A_392 : vector<128x1xi1>, vector<128x1xf32>
    %gt3A_394 = arith.constant 5.000000e-01 : f32
    %gt3A_395 = vector.broadcast %gt3A_394 : f32 to vector<128x32xf32>
    %gt3A_396 = arith.cmpf ogt, %concatenate3A, %gt3A_395 : vector<128x32xf32>
    %sub3A_397 = arith.constant 1.000000e+00 : f32
    %sub3A_398 = vector.broadcast %sub3A_397 : f32 to vector<128x32xf32>
    %sub3A_399 = arith.subf %concatenate3A, %sub3A_398 : vector<128x32xf32>
    %broadcast_in_dim3A_400 = vector.shape_cast %select_n3A_393 : vector<128x1xf32> to vector<128x1xf32>
    %broadcast_in_dim3A_401 = vector.broadcast %broadcast_in_dim3A_400 : vector<128x1xf32> to vector<128x32xf32>
    %select_n3A_402 = arith.select %gt3A_396, %sub3A_399, %broadcast_in_dim3A_401 : vector<128x32xi1>, vector<128x32xf32>
    %jit3A_403 = arith.constant 0.000000e+00 : f32
    %jit3A_404 = arith.constant 2.047000e+03 : f32
    %max3A = vector.broadcast %jit3A_403 : f32 to vector<128x32xf32>
    %max3A_405 = arith.maximumf %max3A, %select_n3A_402 : vector<128x32xf32>
    %min3A = vector.broadcast %jit3A_404 : f32 to vector<128x32xf32>
    %min3A_406 = arith.minimumf %min3A, %max3A_405 : vector<128x32xf32>
    %convert_element_type3A_407 = arith.fptosi %min3A_406 : vector<128x32xf32> to vector<128x32xi32>
    %mul3A_408 = arith.constant 2048 : i32
    %mul3A_409 = arith.muli %arg0, %mul3A_408 : i32
    %add3A_410 = vector.broadcast %mul3A_409 : i32 to vector<128x32xi32>
    %add3A_411 = arith.addi %convert_element_type3A_407, %add3A_410 : vector<128x32xi32>
    %swap3A = arith.constant 0 : index
    %swap3A_412 = arith.constant 0 : index
    %swap3A_413 = arith.constant 0 : index
    %swap3A_414 = vector.load %arg4[%swap3A, %swap3A_412, %swap3A_413] : memref<1x128x32xi32, #tpu.memory_space<vmem>>, vector<1x128x32xi32>
    %swap3A_415 = vector.shape_cast %swap3A_414 : vector<1x128x32xi32> to vector<128x32xi32>
    %swap3A_416 = vector.shape_cast %add3A_411 : vector<128x32xi32> to vector<1x128x32xi32>
    tpu.vector_store %arg4[%swap3A, %swap3A_412, %swap3A_413], %swap3A_416 {strides = array<i32>} : memref<1x128x32xi32, #tpu.memory_space<vmem>>, vector<1x128x32xi32>,
    return
  }
  func.func @transform_0(%arg0: i32, %arg1: i32) -> (i32, i32, i32) {
    %c0_i32 = arith.constant 0 : i32
    %c0_i32_0 = arith.constant 0 : i32
    return %arg0, %arg1, %c0_i32 : i32, i32, i32
  }
  func.func @transform_1(%arg0: i32, %arg1: i32) -> (i32, i32, i32) {
    %c0_i32 = arith.constant 0 : i32
    %c0_i32_0 = arith.constant 0 : i32
    %c0_i32_1 = arith.constant 0 : i32
    return %arg0, %c0_i32, %c0_i32_0 : i32, i32, i32
  }
  func.func @transform_2(%arg0: i32, %arg1: i32) -> (i32, i32, i32) {
    %c0_i32 = arith.constant 0 : i32
    %c0_i32_0 = arith.constant 0 : i32
    return %arg0, %arg1, %c0_i32 : i32, i32, i32
  }
}

module attributes {stable_mosaic.version = 14 : i64} {
  func.func @_fps_body(%arg0: memref<16x8x512xf32, #tpu.memory_space<vmem>>, %arg1: memref<128x16x8xf32, #tpu.memory_space<vmem>>) attributes {dimension_semantics = [], scalar_prefetch = 0 : i64, scratch_operands = 0 : i64, tpu.core_type = #tpu.core_type<tc>} {
    %get3A = arith.constant 0 : index
    %get3A_0 = arith.constant 0 : index
    %get3A_1 = arith.constant 0 : index
    %get3A_2 = vector.load %arg0[%get3A, %get3A_0, %get3A_1] : memref<16x8x512xf32, #tpu.memory_space<vmem>>, vector<16x1x512xf32>
    %get3A_3 = vector.shape_cast %get3A_2 : vector<16x1x512xf32> to vector<16x512xf32>
    %get3A_4 = arith.constant 0 : index
    %get3A_5 = arith.constant 1 : index
    %get3A_6 = arith.constant 0 : index
    %get3A_7 = vector.load %arg0[%get3A_4, %get3A_5, %get3A_6] : memref<16x8x512xf32, #tpu.memory_space<vmem>>, vector<16x1x512xf32>
    %get3A_8 = vector.shape_cast %get3A_7 : vector<16x1x512xf32> to vector<16x512xf32>
    %get3A_9 = arith.constant 0 : index
    %get3A_10 = arith.constant 2 : index
    %get3A_11 = arith.constant 0 : index
    %get3A_12 = vector.load %arg0[%get3A_9, %get3A_10, %get3A_11] : memref<16x8x512xf32, #tpu.memory_space<vmem>>, vector<16x1x512xf32>
    %get3A_13 = vector.shape_cast %get3A_12 : vector<16x1x512xf32> to vector<16x512xf32>
    %iota3A = tpu.iota {dimensions = array<i32: 1>} : vector<16x512xi32>
    %broadcast_in_dim3A = arith.constant 0.000000e+00 : f32
    %broadcast_in_dim3A_14 = vector.broadcast %broadcast_in_dim3A : f32 to vector<16x5xf32>
    %broadcast_in_dim3A_15 = arith.constant 1.000000e+10 : f32
    %broadcast_in_dim3A_16 = vector.broadcast %broadcast_in_dim3A_15 : f32 to vector<16x512xf32>
    %broadcast_in_dim3A_17 = arith.constant 0 : i32
    %broadcast_in_dim3A_18 = vector.broadcast %broadcast_in_dim3A_17 : i32 to vector<16x1xi32>
    %scan3A = arith.constant 0 : i32
    %scan3A_19 = arith.constant 128 : i32
    %scan3A_20 = arith.addi %scan3A, %scan3A_19 : i32
    %scan3A_21 = arith.constant 1 : i32
    %scan3A_22:2 = scf.for %scan3A_24 = %scan3A to %scan3A_20 step %scan3A_21 iter_args(%scan3A_25 = %broadcast_in_dim3A_16, %scan3A_26 = %broadcast_in_dim3A_18) -> (vector<16x512xf32>, vector<16x1xi32>)  : i32 {
      %eq3A = vector.broadcast %scan3A_26 : vector<16x1xi32> to vector<16x512xi32>
      %eq3A_27 = arith.cmpi eq, %iota3A, %eq3A : vector<16x512xi32>
      %convert_element_type3A = arith.extui %eq3A_27 : vector<16x512xi1> to vector<16x512xi32>
      %convert_element_type3A_28 = arith.sitofp %convert_element_type3A : vector<16x512xi32> to vector<16x512xf32>
      %mul3A = arith.mulf %convert_element_type3A_28, %get3A_3 : vector<16x512xf32>
      %reduce_sum3A = arith.constant dense<0.000000e+00> : vector<16xf32>
      %reduce_sum3A_29 = vector.multi_reduction <add>, %mul3A, %reduce_sum3A [1] : vector<16x512xf32> to vector<16xf32>
      %broadcast_in_dim3A_30 = vector.shape_cast %reduce_sum3A_29 : vector<16xf32> to vector<16x1xf32>
      %mul3A_31 = arith.mulf %convert_element_type3A_28, %get3A_8 : vector<16x512xf32>
      %reduce_sum3A_32 = arith.constant dense<0.000000e+00> : vector<16xf32>
      %reduce_sum3A_33 = vector.multi_reduction <add>, %mul3A_31, %reduce_sum3A_32 [1] : vector<16x512xf32> to vector<16xf32>
      %broadcast_in_dim3A_34 = vector.shape_cast %reduce_sum3A_33 : vector<16xf32> to vector<16x1xf32>
      %mul3A_35 = arith.mulf %convert_element_type3A_28, %get3A_13 : vector<16x512xf32>
      %reduce_sum3A_36 = arith.constant dense<0.000000e+00> : vector<16xf32>
      %reduce_sum3A_37 = vector.multi_reduction <add>, %mul3A_35, %reduce_sum3A_36 [1] : vector<16x512xf32> to vector<16xf32>
      %broadcast_in_dim3A_38 = vector.shape_cast %reduce_sum3A_37 : vector<16xf32> to vector<16x1xf32>
      %concatenate3A = tpu.concatenate %broadcast_in_dim3A_30, %broadcast_in_dim3A_34, %broadcast_in_dim3A_38, %broadcast_in_dim3A_14 in 1 : vector<16x1xf32>, vector<16x1xf32>, vector<16x1xf32>, vector<16x5xf32> -> vector<16x8xf32>
      %broadcast_in_dim3A_39 = vector.shape_cast %concatenate3A : vector<16x8xf32> to vector<1x16x8xf32>
      %swap3A = arith.index_cast %scan3A_24 : i32 to index
      %swap3A_40 = arith.constant 0 : index
      %swap3A_41 = arith.constant 0 : index
      %swap3A_42 = vector.load %arg1[%swap3A, %swap3A_40, %swap3A_41] : memref<128x16x8xf32, #tpu.memory_space<vmem>>, vector<1x16x8xf32>
      tpu.vector_store %arg1[%swap3A, %swap3A_40, %swap3A_41], %broadcast_in_dim3A_39 {strides = array<i32>} : memref<128x16x8xf32, #tpu.memory_space<vmem>>, vector<1x16x8xf32>,
      %sub3A = vector.broadcast %broadcast_in_dim3A_30 : vector<16x1xf32> to vector<16x512xf32>
      %sub3A_43 = arith.subf %get3A_3, %sub3A : vector<16x512xf32>
      %sub3A_44 = vector.broadcast %broadcast_in_dim3A_34 : vector<16x1xf32> to vector<16x512xf32>
      %sub3A_45 = arith.subf %get3A_8, %sub3A_44 : vector<16x512xf32>
      %sub3A_46 = vector.broadcast %broadcast_in_dim3A_38 : vector<16x1xf32> to vector<16x512xf32>
      %sub3A_47 = arith.subf %get3A_13, %sub3A_46 : vector<16x512xf32>
      %mul3A_48 = arith.mulf %sub3A_43, %sub3A_43 : vector<16x512xf32>
      %mul3A_49 = arith.mulf %sub3A_45, %sub3A_45 : vector<16x512xf32>
      %add3A = arith.addf %mul3A_48, %mul3A_49 : vector<16x512xf32>
      %mul3A_50 = arith.mulf %sub3A_47, %sub3A_47 : vector<16x512xf32>
      %add3A_51 = arith.addf %add3A, %mul3A_50 : vector<16x512xf32>
      %min3A = arith.minimumf %scan3A_25, %add3A_51 : vector<16x512xf32>
      %argmax3A = tpu.reduce_index %min3A {axis = 1 : i32, kind = #tpu.reduction_kind<arg_max>} : vector<16x512xf32> -> vector<16xi32>
      %broadcast_in_dim3A_52 = vector.shape_cast %argmax3A : vector<16xi32> to vector<16x1xi32>
      scf.yield %min3A, %broadcast_in_dim3A_52 : vector<16x512xf32>, vector<16x1xi32>
    }
    %scan3A_23 = arith.constant 128 : i32
    return
  }
}

module attributes {stable_mosaic.version = 14 : i64} {
  func.func @_bq_body(%arg0: i32, %arg1: i32, %arg2: memref<1x128x8xf32, #tpu.memory_space<vmem>>, %arg3: memref<1x8x512xf32, #tpu.memory_space<vmem>>, %arg4: memref<1x128x64xi32, #tpu.memory_space<vmem>>) attributes {dimension_semantics = [#tpu.dimension_semantics<arbitrary>, #tpu.dimension_semantics<arbitrary>], iteration_bounds = array<i64: 16, 1>, scalar_prefetch = 0 : i64, scratch_operands = 0 : i64, tpu.core_type = #tpu.core_type<tc>, window_params = [{transform_indices = @transform_0, window_bounds = array<i64: 1, 128, 8>}, {transform_indices = @transform_1, window_bounds = array<i64: 1, 8, 512>}, {transform_indices = @transform_2, window_bounds = array<i64: 1, 128, 64>}]} {
    %get3A = arith.constant 0 : index
    %get3A_0 = arith.constant 0 : index
    %get3A_1 = arith.constant 0 : index
    %get3A_2 = vector.load %arg2[%get3A, %get3A_0, %get3A_1] : memref<1x128x8xf32, #tpu.memory_space<vmem>>, vector<1x128x8xf32>
    %get3A_3 = vector.shape_cast %get3A_2 : vector<1x128x8xf32> to vector<128x8xf32>
    %get3A_4 = arith.constant 0 : index
    %get3A_5 = arith.constant 0 : index
    %get3A_6 = arith.constant 0 : index
    %get3A_7 = vector.load %arg3[%get3A_4, %get3A_5, %get3A_6] : memref<1x8x512xf32, #tpu.memory_space<vmem>>, vector<1x8x512xf32>
    %get3A_8 = vector.shape_cast %get3A_7 : vector<1x8x512xf32> to vector<8x512xf32>
    %slice3A = vector.extract_strided_slice %get3A_3 {offsets = [0, 0], sizes = [128, 1], strides = [1, 1]} : vector<128x8xf32> to vector<128x1xf32>
    %slice3A_9 = vector.extract_strided_slice %get3A_3 {offsets = [0, 1], sizes = [128, 1], strides = [1, 1]} : vector<128x8xf32> to vector<128x1xf32>
    %slice3A_10 = vector.extract_strided_slice %get3A_3 {offsets = [0, 2], sizes = [128, 1], strides = [1, 1]} : vector<128x8xf32> to vector<128x1xf32>
    %slice3A_11 = vector.extract_strided_slice %get3A_8 {offsets = [0, 0], sizes = [1, 512], strides = [1, 1]} : vector<8x512xf32> to vector<1x512xf32>
    %slice3A_12 = vector.extract_strided_slice %get3A_8 {offsets = [1, 0], sizes = [1, 512], strides = [1, 1]} : vector<8x512xf32> to vector<1x512xf32>
    %slice3A_13 = vector.extract_strided_slice %get3A_8 {offsets = [2, 0], sizes = [1, 512], strides = [1, 1]} : vector<8x512xf32> to vector<1x512xf32>
    %dot_general3A = arith.constant dense<0.000000e+00> : vector<128x512xf32>
    %dot_general3A_14 = tpu.matmul %get3A_3, %get3A_8, %dot_general3A {dimension_numbers = #tpu.dot_dimension_numbers<[1], [0], [0], [1], [0, 0, 1, 1], [], []>, transpose_lhs_hint = false} : vector<128x8xf32>, vector<8x512xf32>, vector<128x512xf32> -> vector<128x512xf32>
    %mul3A = arith.mulf %slice3A, %slice3A : vector<128x1xf32>
    %mul3A_15 = arith.mulf %slice3A_9, %slice3A_9 : vector<128x1xf32>
    %add3A = arith.addf %mul3A, %mul3A_15 : vector<128x1xf32>
    %mul3A_16 = arith.mulf %slice3A_10, %slice3A_10 : vector<128x1xf32>
    %add3A_17 = arith.addf %add3A, %mul3A_16 : vector<128x1xf32>
    %mul3A_18 = arith.mulf %slice3A_11, %slice3A_11 : vector<1x512xf32>
    %mul3A_19 = arith.mulf %slice3A_12, %slice3A_12 : vector<1x512xf32>
    %add3A_20 = arith.addf %mul3A_18, %mul3A_19 : vector<1x512xf32>
    %mul3A_21 = arith.mulf %slice3A_13, %slice3A_13 : vector<1x512xf32>
    %add3A_22 = arith.addf %add3A_20, %mul3A_21 : vector<1x512xf32>
    %mul3A_23 = arith.constant -2.000000e+00 : f32
    %mul3A_24 = vector.broadcast %mul3A_23 : f32 to vector<128x512xf32>
    %mul3A_25 = arith.mulf %mul3A_24, %dot_general3A_14 : vector<128x512xf32>
    %add3A_26 = vector.broadcast %add3A_17 : vector<128x1xf32> to vector<128x512xf32>
    %add3A_27 = arith.addf %mul3A_25, %add3A_26 : vector<128x512xf32>
    %add3A_28 = vector.broadcast %add3A_22 : vector<1x512xf32> to vector<128x512xf32>
    %add3A_29 = arith.addf %add3A_27, %add3A_28 : vector<128x512xf32>
    %le3A = arith.constant 1.600000e-01 : f32
    %le3A_30 = vector.broadcast %le3A : f32 to vector<128x512xf32>
    %le3A_31 = arith.cmpf ole, %add3A_29, %le3A_30 : vector<128x512xf32>
    %convert_element_type3A = arith.extui %le3A_31 : vector<128x512xi1> to vector<128x512xi32>
    %convert_element_type3A_32 = arith.sitofp %convert_element_type3A : vector<128x512xi32> to vector<128x512xf32>
    %jit3A = arith.constant 0 : i32
    %convert_element_type3A_33 = arith.sitofp %jit3A : i32 to f32
    %pad3A = vector.broadcast %convert_element_type3A_33 : f32 to vector<128x1xf32>
    %pad3A_34 = tpu.concatenate %pad3A, %convert_element_type3A_32 in 1 : vector<128x1xf32>, vector<128x512xf32> -> vector<128x513xf32>
    %slice3A_35 = vector.extract_strided_slice %pad3A_34 {offsets = [0, 0], sizes = [128, 512], strides = [1, 1]} : vector<128x513xf32> to vector<128x512xf32>
    %add3A_36 = arith.addf %convert_element_type3A_32, %slice3A_35 : vector<128x512xf32>
    %jit3A_37 = arith.constant 0 : i32
    %convert_element_type3A_38 = arith.sitofp %jit3A_37 : i32 to f32
    %pad3A_39 = vector.broadcast %convert_element_type3A_38 : f32 to vector<128x2xf32>
    %pad3A_40 = tpu.concatenate %pad3A_39, %add3A_36 in 1 : vector<128x2xf32>, vector<128x512xf32> -> vector<128x514xf32>
    %slice3A_41 = vector.extract_strided_slice %pad3A_40 {offsets = [0, 0], sizes = [128, 512], strides = [1, 1]} : vector<128x514xf32> to vector<128x512xf32>
    %add3A_42 = arith.addf %add3A_36, %slice3A_41 : vector<128x512xf32>
    %jit3A_43 = arith.constant 0 : i32
    %convert_element_type3A_44 = arith.sitofp %jit3A_43 : i32 to f32
    %pad3A_45 = vector.broadcast %convert_element_type3A_44 : f32 to vector<128x4xf32>
    %pad3A_46 = tpu.concatenate %pad3A_45, %add3A_42 in 1 : vector<128x4xf32>, vector<128x512xf32> -> vector<128x516xf32>
    %slice3A_47 = vector.extract_strided_slice %pad3A_46 {offsets = [0, 0], sizes = [128, 512], strides = [1, 1]} : vector<128x516xf32> to vector<128x512xf32>
    %add3A_48 = arith.addf %add3A_42, %slice3A_47 : vector<128x512xf32>
    %jit3A_49 = arith.constant 0 : i32
    %convert_element_type3A_50 = arith.sitofp %jit3A_49 : i32 to f32
    %pad3A_51 = vector.broadcast %convert_element_type3A_50 : f32 to vector<128x8xf32>
    %pad3A_52 = tpu.concatenate %pad3A_51, %add3A_48 in 1 : vector<128x8xf32>, vector<128x512xf32> -> vector<128x520xf32>
    %slice3A_53 = vector.extract_strided_slice %pad3A_52 {offsets = [0, 0], sizes = [128, 512], strides = [1, 1]} : vector<128x520xf32> to vector<128x512xf32>
    %add3A_54 = arith.addf %add3A_48, %slice3A_53 : vector<128x512xf32>
    %jit3A_55 = arith.constant 0 : i32
    %convert_element_type3A_56 = arith.sitofp %jit3A_55 : i32 to f32
    %pad3A_57 = vector.broadcast %convert_element_type3A_56 : f32 to vector<128x16xf32>
    %pad3A_58 = tpu.concatenate %pad3A_57, %add3A_54 in 1 : vector<128x16xf32>, vector<128x512xf32> -> vector<128x528xf32>
    %slice3A_59 = vector.extract_strided_slice %pad3A_58 {offsets = [0, 0], sizes = [128, 512], strides = [1, 1]} : vector<128x528xf32> to vector<128x512xf32>
    %add3A_60 = arith.addf %add3A_54, %slice3A_59 : vector<128x512xf32>
    %jit3A_61 = arith.constant 0 : i32
    %convert_element_type3A_62 = arith.sitofp %jit3A_61 : i32 to f32
    %pad3A_63 = vector.broadcast %convert_element_type3A_62 : f32 to vector<128x32xf32>
    %pad3A_64 = tpu.concatenate %pad3A_63, %add3A_60 in 1 : vector<128x32xf32>, vector<128x512xf32> -> vector<128x544xf32>
    %slice3A_65 = vector.extract_strided_slice %pad3A_64 {offsets = [0, 0], sizes = [128, 512], strides = [1, 1]} : vector<128x544xf32> to vector<128x512xf32>
    %add3A_66 = arith.addf %add3A_60, %slice3A_65 : vector<128x512xf32>
    %jit3A_67 = arith.constant 0 : i32
    %convert_element_type3A_68 = arith.sitofp %jit3A_67 : i32 to f32
    %pad3A_69 = vector.broadcast %convert_element_type3A_68 : f32 to vector<128x64xf32>
    %pad3A_70 = tpu.concatenate %pad3A_69, %add3A_66 in 1 : vector<128x64xf32>, vector<128x512xf32> -> vector<128x576xf32>
    %slice3A_71 = vector.extract_strided_slice %pad3A_70 {offsets = [0, 0], sizes = [128, 512], strides = [1, 1]} : vector<128x576xf32> to vector<128x512xf32>
    %add3A_72 = arith.addf %add3A_66, %slice3A_71 : vector<128x512xf32>
    %jit3A_73 = arith.constant 0 : i32
    %convert_element_type3A_74 = arith.sitofp %jit3A_73 : i32 to f32
    %pad3A_75 = vector.broadcast %convert_element_type3A_74 : f32 to vector<128x128xf32>
    %pad3A_76 = tpu.concatenate %pad3A_75, %add3A_72 in 1 : vector<128x128xf32>, vector<128x512xf32> -> vector<128x640xf32>
    %slice3A_77 = vector.extract_strided_slice %pad3A_76 {offsets = [0, 0], sizes = [128, 512], strides = [1, 1]} : vector<128x640xf32> to vector<128x512xf32>
    %add3A_78 = arith.addf %add3A_72, %slice3A_77 : vector<128x512xf32>
    %jit3A_79 = arith.constant 0 : i32
    %convert_element_type3A_80 = arith.sitofp %jit3A_79 : i32 to f32
    %pad3A_81 = vector.broadcast %convert_element_type3A_80 : f32 to vector<128x256xf32>
    %pad3A_82 = tpu.concatenate %pad3A_81, %add3A_78 in 1 : vector<128x256xf32>, vector<128x512xf32> -> vector<128x768xf32>
    %slice3A_83 = vector.extract_strided_slice %pad3A_82 {offsets = [0, 0], sizes = [128, 512], strides = [1, 1]} : vector<128x768xf32> to vector<128x512xf32>
    %add3A_84 = arith.addf %add3A_78, %slice3A_83 : vector<128x512xf32>
    %mul3A_85 = arith.mulf %convert_element_type3A_32, %add3A_84 : vector<128x512xf32>
    %iota3A = tpu.iota {dimensions = array<i32: 1>} : vector<128x512xi32>
    %convert_element_type3A_86 = arith.sitofp %iota3A : vector<128x512xi32> to vector<128x512xf32>
    %add3A_87 = arith.constant 1.000000e+00 : f32
    %add3A_88 = vector.broadcast %add3A_87 : f32 to vector<128x512xf32>
    %add3A_89 = arith.addf %convert_element_type3A_86, %add3A_88 : vector<128x512xf32>
    %eq3A = arith.constant 1.000000e+00 : f32
    %eq3A_90 = vector.broadcast %eq3A : f32 to vector<128x512xf32>
    %eq3A_91 = arith.cmpf oeq, %mul3A_85, %eq3A_90 : vector<128x512xf32>
    %jit3A_92 = arith.constant 0.000000e+00 : f32
    %broadcast_in_dim3A = vector.broadcast %jit3A_92 : f32 to vector<128x512xf32>
    %select_n3A = arith.select %eq3A_91, %add3A_89, %broadcast_in_dim3A : vector<128x512xi1>, vector<128x512xf32>
    %reduce_sum3A = arith.constant dense<0.000000e+00> : vector<128xf32>
    %reduce_sum3A_93 = vector.multi_reduction <add>, %select_n3A, %reduce_sum3A [1] : vector<128x512xf32> to vector<128xf32>
    %broadcast_in_dim3A_94 = vector.shape_cast %reduce_sum3A_93 : vector<128xf32> to vector<128x1xf32>
    %eq3A_95 = arith.constant 2.000000e+00 : f32
    %eq3A_96 = vector.broadcast %eq3A_95 : f32 to vector<128x512xf32>
    %eq3A_97 = arith.cmpf oeq, %mul3A_85, %eq3A_96 : vector<128x512xf32>
    %jit3A_98 = arith.constant 0.000000e+00 : f32
    %broadcast_in_dim3A_99 = vector.broadcast %jit3A_98 : f32 to vector<128x512xf32>
    %select_n3A_100 = arith.select %eq3A_97, %add3A_89, %broadcast_in_dim3A_99 : vector<128x512xi1>, vector<128x512xf32>
    %reduce_sum3A_101 = arith.constant dense<0.000000e+00> : vector<128xf32>
    %reduce_sum3A_102 = vector.multi_reduction <add>, %select_n3A_100, %reduce_sum3A_101 [1] : vector<128x512xf32> to vector<128xf32>
    %broadcast_in_dim3A_103 = vector.shape_cast %reduce_sum3A_102 : vector<128xf32> to vector<128x1xf32>
    %eq3A_104 = arith.constant 3.000000e+00 : f32
    %eq3A_105 = vector.broadcast %eq3A_104 : f32 to vector<128x512xf32>
    %eq3A_106 = arith.cmpf oeq, %mul3A_85, %eq3A_105 : vector<128x512xf32>
    %jit3A_107 = arith.constant 0.000000e+00 : f32
    %broadcast_in_dim3A_108 = vector.broadcast %jit3A_107 : f32 to vector<128x512xf32>
    %select_n3A_109 = arith.select %eq3A_106, %add3A_89, %broadcast_in_dim3A_108 : vector<128x512xi1>, vector<128x512xf32>
    %reduce_sum3A_110 = arith.constant dense<0.000000e+00> : vector<128xf32>
    %reduce_sum3A_111 = vector.multi_reduction <add>, %select_n3A_109, %reduce_sum3A_110 [1] : vector<128x512xf32> to vector<128xf32>
    %broadcast_in_dim3A_112 = vector.shape_cast %reduce_sum3A_111 : vector<128xf32> to vector<128x1xf32>
    %eq3A_113 = arith.constant 4.000000e+00 : f32
    %eq3A_114 = vector.broadcast %eq3A_113 : f32 to vector<128x512xf32>
    %eq3A_115 = arith.cmpf oeq, %mul3A_85, %eq3A_114 : vector<128x512xf32>
    %jit3A_116 = arith.constant 0.000000e+00 : f32
    %broadcast_in_dim3A_117 = vector.broadcast %jit3A_116 : f32 to vector<128x512xf32>
    %select_n3A_118 = arith.select %eq3A_115, %add3A_89, %broadcast_in_dim3A_117 : vector<128x512xi1>, vector<128x512xf32>
    %reduce_sum3A_119 = arith.constant dense<0.000000e+00> : vector<128xf32>
    %reduce_sum3A_120 = vector.multi_reduction <add>, %select_n3A_118, %reduce_sum3A_119 [1] : vector<128x512xf32> to vector<128xf32>
    %broadcast_in_dim3A_121 = vector.shape_cast %reduce_sum3A_120 : vector<128xf32> to vector<128x1xf32>
    %eq3A_122 = arith.constant 5.000000e+00 : f32
    %eq3A_123 = vector.broadcast %eq3A_122 : f32 to vector<128x512xf32>
    %eq3A_124 = arith.cmpf oeq, %mul3A_85, %eq3A_123 : vector<128x512xf32>
    %jit3A_125 = arith.constant 0.000000e+00 : f32
    %broadcast_in_dim3A_126 = vector.broadcast %jit3A_125 : f32 to vector<128x512xf32>
    %select_n3A_127 = arith.select %eq3A_124, %add3A_89, %broadcast_in_dim3A_126 : vector<128x512xi1>, vector<128x512xf32>
    %reduce_sum3A_128 = arith.constant dense<0.000000e+00> : vector<128xf32>
    %reduce_sum3A_129 = vector.multi_reduction <add>, %select_n3A_127, %reduce_sum3A_128 [1] : vector<128x512xf32> to vector<128xf32>
    %broadcast_in_dim3A_130 = vector.shape_cast %reduce_sum3A_129 : vector<128xf32> to vector<128x1xf32>
    %eq3A_131 = arith.constant 6.000000e+00 : f32
    %eq3A_132 = vector.broadcast %eq3A_131 : f32 to vector<128x512xf32>
    %eq3A_133 = arith.cmpf oeq, %mul3A_85, %eq3A_132 : vector<128x512xf32>
    %jit3A_134 = arith.constant 0.000000e+00 : f32
    %broadcast_in_dim3A_135 = vector.broadcast %jit3A_134 : f32 to vector<128x512xf32>
    %select_n3A_136 = arith.select %eq3A_133, %add3A_89, %broadcast_in_dim3A_135 : vector<128x512xi1>, vector<128x512xf32>
    %reduce_sum3A_137 = arith.constant dense<0.000000e+00> : vector<128xf32>
    %reduce_sum3A_138 = vector.multi_reduction <add>, %select_n3A_136, %reduce_sum3A_137 [1] : vector<128x512xf32> to vector<128xf32>
    %broadcast_in_dim3A_139 = vector.shape_cast %reduce_sum3A_138 : vector<128xf32> to vector<128x1xf32>
    %eq3A_140 = arith.constant 7.000000e+00 : f32
    %eq3A_141 = vector.broadcast %eq3A_140 : f32 to vector<128x512xf32>
    %eq3A_142 = arith.cmpf oeq, %mul3A_85, %eq3A_141 : vector<128x512xf32>
    %jit3A_143 = arith.constant 0.000000e+00 : f32
    %broadcast_in_dim3A_144 = vector.broadcast %jit3A_143 : f32 to vector<128x512xf32>
    %select_n3A_145 = arith.select %eq3A_142, %add3A_89, %broadcast_in_dim3A_144 : vector<128x512xi1>, vector<128x512xf32>
    %reduce_sum3A_146 = arith.constant dense<0.000000e+00> : vector<128xf32>
    %reduce_sum3A_147 = vector.multi_reduction <add>, %select_n3A_145, %reduce_sum3A_146 [1] : vector<128x512xf32> to vector<128xf32>
    %broadcast_in_dim3A_148 = vector.shape_cast %reduce_sum3A_147 : vector<128xf32> to vector<128x1xf32>
    %eq3A_149 = arith.constant 8.000000e+00 : f32
    %eq3A_150 = vector.broadcast %eq3A_149 : f32 to vector<128x512xf32>
    %eq3A_151 = arith.cmpf oeq, %mul3A_85, %eq3A_150 : vector<128x512xf32>
    %jit3A_152 = arith.constant 0.000000e+00 : f32
    %broadcast_in_dim3A_153 = vector.broadcast %jit3A_152 : f32 to vector<128x512xf32>
    %select_n3A_154 = arith.select %eq3A_151, %add3A_89, %broadcast_in_dim3A_153 : vector<128x512xi1>, vector<128x512xf32>
    %reduce_sum3A_155 = arith.constant dense<0.000000e+00> : vector<128xf32>
    %reduce_sum3A_156 = vector.multi_reduction <add>, %select_n3A_154, %reduce_sum3A_155 [1] : vector<128x512xf32> to vector<128xf32>
    %broadcast_in_dim3A_157 = vector.shape_cast %reduce_sum3A_156 : vector<128xf32> to vector<128x1xf32>
    %eq3A_158 = arith.constant 9.000000e+00 : f32
    %eq3A_159 = vector.broadcast %eq3A_158 : f32 to vector<128x512xf32>
    %eq3A_160 = arith.cmpf oeq, %mul3A_85, %eq3A_159 : vector<128x512xf32>
    %jit3A_161 = arith.constant 0.000000e+00 : f32
    %broadcast_in_dim3A_162 = vector.broadcast %jit3A_161 : f32 to vector<128x512xf32>
    %select_n3A_163 = arith.select %eq3A_160, %add3A_89, %broadcast_in_dim3A_162 : vector<128x512xi1>, vector<128x512xf32>
    %reduce_sum3A_164 = arith.constant dense<0.000000e+00> : vector<128xf32>
    %reduce_sum3A_165 = vector.multi_reduction <add>, %select_n3A_163, %reduce_sum3A_164 [1] : vector<128x512xf32> to vector<128xf32>
    %broadcast_in_dim3A_166 = vector.shape_cast %reduce_sum3A_165 : vector<128xf32> to vector<128x1xf32>
    %eq3A_167 = arith.constant 1.000000e+01 : f32
    %eq3A_168 = vector.broadcast %eq3A_167 : f32 to vector<128x512xf32>
    %eq3A_169 = arith.cmpf oeq, %mul3A_85, %eq3A_168 : vector<128x512xf32>
    %jit3A_170 = arith.constant 0.000000e+00 : f32
    %broadcast_in_dim3A_171 = vector.broadcast %jit3A_170 : f32 to vector<128x512xf32>
    %select_n3A_172 = arith.select %eq3A_169, %add3A_89, %broadcast_in_dim3A_171 : vector<128x512xi1>, vector<128x512xf32>
    %reduce_sum3A_173 = arith.constant dense<0.000000e+00> : vector<128xf32>
    %reduce_sum3A_174 = vector.multi_reduction <add>, %select_n3A_172, %reduce_sum3A_173 [1] : vector<128x512xf32> to vector<128xf32>
    %broadcast_in_dim3A_175 = vector.shape_cast %reduce_sum3A_174 : vector<128xf32> to vector<128x1xf32>
    %eq3A_176 = arith.constant 1.100000e+01 : f32
    %eq3A_177 = vector.broadcast %eq3A_176 : f32 to vector<128x512xf32>
    %eq3A_178 = arith.cmpf oeq, %mul3A_85, %eq3A_177 : vector<128x512xf32>
    %jit3A_179 = arith.constant 0.000000e+00 : f32
    %broadcast_in_dim3A_180 = vector.broadcast %jit3A_179 : f32 to vector<128x512xf32>
    %select_n3A_181 = arith.select %eq3A_178, %add3A_89, %broadcast_in_dim3A_180 : vector<128x512xi1>, vector<128x512xf32>
    %reduce_sum3A_182 = arith.constant dense<0.000000e+00> : vector<128xf32>
    %reduce_sum3A_183 = vector.multi_reduction <add>, %select_n3A_181, %reduce_sum3A_182 [1] : vector<128x512xf32> to vector<128xf32>
    %broadcast_in_dim3A_184 = vector.shape_cast %reduce_sum3A_183 : vector<128xf32> to vector<128x1xf32>
    %eq3A_185 = arith.constant 1.200000e+01 : f32
    %eq3A_186 = vector.broadcast %eq3A_185 : f32 to vector<128x512xf32>
    %eq3A_187 = arith.cmpf oeq, %mul3A_85, %eq3A_186 : vector<128x512xf32>
    %jit3A_188 = arith.constant 0.000000e+00 : f32
    %broadcast_in_dim3A_189 = vector.broadcast %jit3A_188 : f32 to vector<128x512xf32>
    %select_n3A_190 = arith.select %eq3A_187, %add3A_89, %broadcast_in_dim3A_189 : vector<128x512xi1>, vector<128x512xf32>
    %reduce_sum3A_191 = arith.constant dense<0.000000e+00> : vector<128xf32>
    %reduce_sum3A_192 = vector.multi_reduction <add>, %select_n3A_190, %reduce_sum3A_191 [1] : vector<128x512xf32> to vector<128xf32>
    %broadcast_in_dim3A_193 = vector.shape_cast %reduce_sum3A_192 : vector<128xf32> to vector<128x1xf32>
    %eq3A_194 = arith.constant 1.300000e+01 : f32
    %eq3A_195 = vector.broadcast %eq3A_194 : f32 to vector<128x512xf32>
    %eq3A_196 = arith.cmpf oeq, %mul3A_85, %eq3A_195 : vector<128x512xf32>
    %jit3A_197 = arith.constant 0.000000e+00 : f32
    %broadcast_in_dim3A_198 = vector.broadcast %jit3A_197 : f32 to vector<128x512xf32>
    %select_n3A_199 = arith.select %eq3A_196, %add3A_89, %broadcast_in_dim3A_198 : vector<128x512xi1>, vector<128x512xf32>
    %reduce_sum3A_200 = arith.constant dense<0.000000e+00> : vector<128xf32>
    %reduce_sum3A_201 = vector.multi_reduction <add>, %select_n3A_199, %reduce_sum3A_200 [1] : vector<128x512xf32> to vector<128xf32>
    %broadcast_in_dim3A_202 = vector.shape_cast %reduce_sum3A_201 : vector<128xf32> to vector<128x1xf32>
    %eq3A_203 = arith.constant 1.400000e+01 : f32
    %eq3A_204 = vector.broadcast %eq3A_203 : f32 to vector<128x512xf32>
    %eq3A_205 = arith.cmpf oeq, %mul3A_85, %eq3A_204 : vector<128x512xf32>
    %jit3A_206 = arith.constant 0.000000e+00 : f32
    %broadcast_in_dim3A_207 = vector.broadcast %jit3A_206 : f32 to vector<128x512xf32>
    %select_n3A_208 = arith.select %eq3A_205, %add3A_89, %broadcast_in_dim3A_207 : vector<128x512xi1>, vector<128x512xf32>
    %reduce_sum3A_209 = arith.constant dense<0.000000e+00> : vector<128xf32>
    %reduce_sum3A_210 = vector.multi_reduction <add>, %select_n3A_208, %reduce_sum3A_209 [1] : vector<128x512xf32> to vector<128xf32>
    %broadcast_in_dim3A_211 = vector.shape_cast %reduce_sum3A_210 : vector<128xf32> to vector<128x1xf32>
    %eq3A_212 = arith.constant 1.500000e+01 : f32
    %eq3A_213 = vector.broadcast %eq3A_212 : f32 to vector<128x512xf32>
    %eq3A_214 = arith.cmpf oeq, %mul3A_85, %eq3A_213 : vector<128x512xf32>
    %jit3A_215 = arith.constant 0.000000e+00 : f32
    %broadcast_in_dim3A_216 = vector.broadcast %jit3A_215 : f32 to vector<128x512xf32>
    %select_n3A_217 = arith.select %eq3A_214, %add3A_89, %broadcast_in_dim3A_216 : vector<128x512xi1>, vector<128x512xf32>
    %reduce_sum3A_218 = arith.constant dense<0.000000e+00> : vector<128xf32>
    %reduce_sum3A_219 = vector.multi_reduction <add>, %select_n3A_217, %reduce_sum3A_218 [1] : vector<128x512xf32> to vector<128xf32>
    %broadcast_in_dim3A_220 = vector.shape_cast %reduce_sum3A_219 : vector<128xf32> to vector<128x1xf32>
    %eq3A_221 = arith.constant 1.600000e+01 : f32
    %eq3A_222 = vector.broadcast %eq3A_221 : f32 to vector<128x512xf32>
    %eq3A_223 = arith.cmpf oeq, %mul3A_85, %eq3A_222 : vector<128x512xf32>
    %jit3A_224 = arith.constant 0.000000e+00 : f32
    %broadcast_in_dim3A_225 = vector.broadcast %jit3A_224 : f32 to vector<128x512xf32>
    %select_n3A_226 = arith.select %eq3A_223, %add3A_89, %broadcast_in_dim3A_225 : vector<128x512xi1>, vector<128x512xf32>
    %reduce_sum3A_227 = arith.constant dense<0.000000e+00> : vector<128xf32>
    %reduce_sum3A_228 = vector.multi_reduction <add>, %select_n3A_226, %reduce_sum3A_227 [1] : vector<128x512xf32> to vector<128xf32>
    %broadcast_in_dim3A_229 = vector.shape_cast %reduce_sum3A_228 : vector<128xf32> to vector<128x1xf32>
    %eq3A_230 = arith.constant 1.700000e+01 : f32
    %eq3A_231 = vector.broadcast %eq3A_230 : f32 to vector<128x512xf32>
    %eq3A_232 = arith.cmpf oeq, %mul3A_85, %eq3A_231 : vector<128x512xf32>
    %jit3A_233 = arith.constant 0.000000e+00 : f32
    %broadcast_in_dim3A_234 = vector.broadcast %jit3A_233 : f32 to vector<128x512xf32>
    %select_n3A_235 = arith.select %eq3A_232, %add3A_89, %broadcast_in_dim3A_234 : vector<128x512xi1>, vector<128x512xf32>
    %reduce_sum3A_236 = arith.constant dense<0.000000e+00> : vector<128xf32>
    %reduce_sum3A_237 = vector.multi_reduction <add>, %select_n3A_235, %reduce_sum3A_236 [1] : vector<128x512xf32> to vector<128xf32>
    %broadcast_in_dim3A_238 = vector.shape_cast %reduce_sum3A_237 : vector<128xf32> to vector<128x1xf32>
    %eq3A_239 = arith.constant 1.800000e+01 : f32
    %eq3A_240 = vector.broadcast %eq3A_239 : f32 to vector<128x512xf32>
    %eq3A_241 = arith.cmpf oeq, %mul3A_85, %eq3A_240 : vector<128x512xf32>
    %jit3A_242 = arith.constant 0.000000e+00 : f32
    %broadcast_in_dim3A_243 = vector.broadcast %jit3A_242 : f32 to vector<128x512xf32>
    %select_n3A_244 = arith.select %eq3A_241, %add3A_89, %broadcast_in_dim3A_243 : vector<128x512xi1>, vector<128x512xf32>
    %reduce_sum3A_245 = arith.constant dense<0.000000e+00> : vector<128xf32>
    %reduce_sum3A_246 = vector.multi_reduction <add>, %select_n3A_244, %reduce_sum3A_245 [1] : vector<128x512xf32> to vector<128xf32>
    %broadcast_in_dim3A_247 = vector.shape_cast %reduce_sum3A_246 : vector<128xf32> to vector<128x1xf32>
    %eq3A_248 = arith.constant 1.900000e+01 : f32
    %eq3A_249 = vector.broadcast %eq3A_248 : f32 to vector<128x512xf32>
    %eq3A_250 = arith.cmpf oeq, %mul3A_85, %eq3A_249 : vector<128x512xf32>
    %jit3A_251 = arith.constant 0.000000e+00 : f32
    %broadcast_in_dim3A_252 = vector.broadcast %jit3A_251 : f32 to vector<128x512xf32>
    %select_n3A_253 = arith.select %eq3A_250, %add3A_89, %broadcast_in_dim3A_252 : vector<128x512xi1>, vector<128x512xf32>
    %reduce_sum3A_254 = arith.constant dense<0.000000e+00> : vector<128xf32>
    %reduce_sum3A_255 = vector.multi_reduction <add>, %select_n3A_253, %reduce_sum3A_254 [1] : vector<128x512xf32> to vector<128xf32>
    %broadcast_in_dim3A_256 = vector.shape_cast %reduce_sum3A_255 : vector<128xf32> to vector<128x1xf32>
    %eq3A_257 = arith.constant 2.000000e+01 : f32
    %eq3A_258 = vector.broadcast %eq3A_257 : f32 to vector<128x512xf32>
    %eq3A_259 = arith.cmpf oeq, %mul3A_85, %eq3A_258 : vector<128x512xf32>
    %jit3A_260 = arith.constant 0.000000e+00 : f32
    %broadcast_in_dim3A_261 = vector.broadcast %jit3A_260 : f32 to vector<128x512xf32>
    %select_n3A_262 = arith.select %eq3A_259, %add3A_89, %broadcast_in_dim3A_261 : vector<128x512xi1>, vector<128x512xf32>
    %reduce_sum3A_263 = arith.constant dense<0.000000e+00> : vector<128xf32>
    %reduce_sum3A_264 = vector.multi_reduction <add>, %select_n3A_262, %reduce_sum3A_263 [1] : vector<128x512xf32> to vector<128xf32>
    %broadcast_in_dim3A_265 = vector.shape_cast %reduce_sum3A_264 : vector<128xf32> to vector<128x1xf32>
    %eq3A_266 = arith.constant 2.100000e+01 : f32
    %eq3A_267 = vector.broadcast %eq3A_266 : f32 to vector<128x512xf32>
    %eq3A_268 = arith.cmpf oeq, %mul3A_85, %eq3A_267 : vector<128x512xf32>
    %jit3A_269 = arith.constant 0.000000e+00 : f32
    %broadcast_in_dim3A_270 = vector.broadcast %jit3A_269 : f32 to vector<128x512xf32>
    %select_n3A_271 = arith.select %eq3A_268, %add3A_89, %broadcast_in_dim3A_270 : vector<128x512xi1>, vector<128x512xf32>
    %reduce_sum3A_272 = arith.constant dense<0.000000e+00> : vector<128xf32>
    %reduce_sum3A_273 = vector.multi_reduction <add>, %select_n3A_271, %reduce_sum3A_272 [1] : vector<128x512xf32> to vector<128xf32>
    %broadcast_in_dim3A_274 = vector.shape_cast %reduce_sum3A_273 : vector<128xf32> to vector<128x1xf32>
    %eq3A_275 = arith.constant 2.200000e+01 : f32
    %eq3A_276 = vector.broadcast %eq3A_275 : f32 to vector<128x512xf32>
    %eq3A_277 = arith.cmpf oeq, %mul3A_85, %eq3A_276 : vector<128x512xf32>
    %jit3A_278 = arith.constant 0.000000e+00 : f32
    %broadcast_in_dim3A_279 = vector.broadcast %jit3A_278 : f32 to vector<128x512xf32>
    %select_n3A_280 = arith.select %eq3A_277, %add3A_89, %broadcast_in_dim3A_279 : vector<128x512xi1>, vector<128x512xf32>
    %reduce_sum3A_281 = arith.constant dense<0.000000e+00> : vector<128xf32>
    %reduce_sum3A_282 = vector.multi_reduction <add>, %select_n3A_280, %reduce_sum3A_281 [1] : vector<128x512xf32> to vector<128xf32>
    %broadcast_in_dim3A_283 = vector.shape_cast %reduce_sum3A_282 : vector<128xf32> to vector<128x1xf32>
    %eq3A_284 = arith.constant 2.300000e+01 : f32
    %eq3A_285 = vector.broadcast %eq3A_284 : f32 to vector<128x512xf32>
    %eq3A_286 = arith.cmpf oeq, %mul3A_85, %eq3A_285 : vector<128x512xf32>
    %jit3A_287 = arith.constant 0.000000e+00 : f32
    %broadcast_in_dim3A_288 = vector.broadcast %jit3A_287 : f32 to vector<128x512xf32>
    %select_n3A_289 = arith.select %eq3A_286, %add3A_89, %broadcast_in_dim3A_288 : vector<128x512xi1>, vector<128x512xf32>
    %reduce_sum3A_290 = arith.constant dense<0.000000e+00> : vector<128xf32>
    %reduce_sum3A_291 = vector.multi_reduction <add>, %select_n3A_289, %reduce_sum3A_290 [1] : vector<128x512xf32> to vector<128xf32>
    %broadcast_in_dim3A_292 = vector.shape_cast %reduce_sum3A_291 : vector<128xf32> to vector<128x1xf32>
    %eq3A_293 = arith.constant 2.400000e+01 : f32
    %eq3A_294 = vector.broadcast %eq3A_293 : f32 to vector<128x512xf32>
    %eq3A_295 = arith.cmpf oeq, %mul3A_85, %eq3A_294 : vector<128x512xf32>
    %jit3A_296 = arith.constant 0.000000e+00 : f32
    %broadcast_in_dim3A_297 = vector.broadcast %jit3A_296 : f32 to vector<128x512xf32>
    %select_n3A_298 = arith.select %eq3A_295, %add3A_89, %broadcast_in_dim3A_297 : vector<128x512xi1>, vector<128x512xf32>
    %reduce_sum3A_299 = arith.constant dense<0.000000e+00> : vector<128xf32>
    %reduce_sum3A_300 = vector.multi_reduction <add>, %select_n3A_298, %reduce_sum3A_299 [1] : vector<128x512xf32> to vector<128xf32>
    %broadcast_in_dim3A_301 = vector.shape_cast %reduce_sum3A_300 : vector<128xf32> to vector<128x1xf32>
    %eq3A_302 = arith.constant 2.500000e+01 : f32
    %eq3A_303 = vector.broadcast %eq3A_302 : f32 to vector<128x512xf32>
    %eq3A_304 = arith.cmpf oeq, %mul3A_85, %eq3A_303 : vector<128x512xf32>
    %jit3A_305 = arith.constant 0.000000e+00 : f32
    %broadcast_in_dim3A_306 = vector.broadcast %jit3A_305 : f32 to vector<128x512xf32>
    %select_n3A_307 = arith.select %eq3A_304, %add3A_89, %broadcast_in_dim3A_306 : vector<128x512xi1>, vector<128x512xf32>
    %reduce_sum3A_308 = arith.constant dense<0.000000e+00> : vector<128xf32>
    %reduce_sum3A_309 = vector.multi_reduction <add>, %select_n3A_307, %reduce_sum3A_308 [1] : vector<128x512xf32> to vector<128xf32>
    %broadcast_in_dim3A_310 = vector.shape_cast %reduce_sum3A_309 : vector<128xf32> to vector<128x1xf32>
    %eq3A_311 = arith.constant 2.600000e+01 : f32
    %eq3A_312 = vector.broadcast %eq3A_311 : f32 to vector<128x512xf32>
    %eq3A_313 = arith.cmpf oeq, %mul3A_85, %eq3A_312 : vector<128x512xf32>
    %jit3A_314 = arith.constant 0.000000e+00 : f32
    %broadcast_in_dim3A_315 = vector.broadcast %jit3A_314 : f32 to vector<128x512xf32>
    %select_n3A_316 = arith.select %eq3A_313, %add3A_89, %broadcast_in_dim3A_315 : vector<128x512xi1>, vector<128x512xf32>
    %reduce_sum3A_317 = arith.constant dense<0.000000e+00> : vector<128xf32>
    %reduce_sum3A_318 = vector.multi_reduction <add>, %select_n3A_316, %reduce_sum3A_317 [1] : vector<128x512xf32> to vector<128xf32>
    %broadcast_in_dim3A_319 = vector.shape_cast %reduce_sum3A_318 : vector<128xf32> to vector<128x1xf32>
    %eq3A_320 = arith.constant 2.700000e+01 : f32
    %eq3A_321 = vector.broadcast %eq3A_320 : f32 to vector<128x512xf32>
    %eq3A_322 = arith.cmpf oeq, %mul3A_85, %eq3A_321 : vector<128x512xf32>
    %jit3A_323 = arith.constant 0.000000e+00 : f32
    %broadcast_in_dim3A_324 = vector.broadcast %jit3A_323 : f32 to vector<128x512xf32>
    %select_n3A_325 = arith.select %eq3A_322, %add3A_89, %broadcast_in_dim3A_324 : vector<128x512xi1>, vector<128x512xf32>
    %reduce_sum3A_326 = arith.constant dense<0.000000e+00> : vector<128xf32>
    %reduce_sum3A_327 = vector.multi_reduction <add>, %select_n3A_325, %reduce_sum3A_326 [1] : vector<128x512xf32> to vector<128xf32>
    %broadcast_in_dim3A_328 = vector.shape_cast %reduce_sum3A_327 : vector<128xf32> to vector<128x1xf32>
    %eq3A_329 = arith.constant 2.800000e+01 : f32
    %eq3A_330 = vector.broadcast %eq3A_329 : f32 to vector<128x512xf32>
    %eq3A_331 = arith.cmpf oeq, %mul3A_85, %eq3A_330 : vector<128x512xf32>
    %jit3A_332 = arith.constant 0.000000e+00 : f32
    %broadcast_in_dim3A_333 = vector.broadcast %jit3A_332 : f32 to vector<128x512xf32>
    %select_n3A_334 = arith.select %eq3A_331, %add3A_89, %broadcast_in_dim3A_333 : vector<128x512xi1>, vector<128x512xf32>
    %reduce_sum3A_335 = arith.constant dense<0.000000e+00> : vector<128xf32>
    %reduce_sum3A_336 = vector.multi_reduction <add>, %select_n3A_334, %reduce_sum3A_335 [1] : vector<128x512xf32> to vector<128xf32>
    %broadcast_in_dim3A_337 = vector.shape_cast %reduce_sum3A_336 : vector<128xf32> to vector<128x1xf32>
    %eq3A_338 = arith.constant 2.900000e+01 : f32
    %eq3A_339 = vector.broadcast %eq3A_338 : f32 to vector<128x512xf32>
    %eq3A_340 = arith.cmpf oeq, %mul3A_85, %eq3A_339 : vector<128x512xf32>
    %jit3A_341 = arith.constant 0.000000e+00 : f32
    %broadcast_in_dim3A_342 = vector.broadcast %jit3A_341 : f32 to vector<128x512xf32>
    %select_n3A_343 = arith.select %eq3A_340, %add3A_89, %broadcast_in_dim3A_342 : vector<128x512xi1>, vector<128x512xf32>
    %reduce_sum3A_344 = arith.constant dense<0.000000e+00> : vector<128xf32>
    %reduce_sum3A_345 = vector.multi_reduction <add>, %select_n3A_343, %reduce_sum3A_344 [1] : vector<128x512xf32> to vector<128xf32>
    %broadcast_in_dim3A_346 = vector.shape_cast %reduce_sum3A_345 : vector<128xf32> to vector<128x1xf32>
    %eq3A_347 = arith.constant 3.000000e+01 : f32
    %eq3A_348 = vector.broadcast %eq3A_347 : f32 to vector<128x512xf32>
    %eq3A_349 = arith.cmpf oeq, %mul3A_85, %eq3A_348 : vector<128x512xf32>
    %jit3A_350 = arith.constant 0.000000e+00 : f32
    %broadcast_in_dim3A_351 = vector.broadcast %jit3A_350 : f32 to vector<128x512xf32>
    %select_n3A_352 = arith.select %eq3A_349, %add3A_89, %broadcast_in_dim3A_351 : vector<128x512xi1>, vector<128x512xf32>
    %reduce_sum3A_353 = arith.constant dense<0.000000e+00> : vector<128xf32>
    %reduce_sum3A_354 = vector.multi_reduction <add>, %select_n3A_352, %reduce_sum3A_353 [1] : vector<128x512xf32> to vector<128xf32>
    %broadcast_in_dim3A_355 = vector.shape_cast %reduce_sum3A_354 : vector<128xf32> to vector<128x1xf32>
    %eq3A_356 = arith.constant 3.100000e+01 : f32
    %eq3A_357 = vector.broadcast %eq3A_356 : f32 to vector<128x512xf32>
    %eq3A_358 = arith.cmpf oeq, %mul3A_85, %eq3A_357 : vector<128x512xf32>
    %jit3A_359 = arith.constant 0.000000e+00 : f32
    %broadcast_in_dim3A_360 = vector.broadcast %jit3A_359 : f32 to vector<128x512xf32>
    %select_n3A_361 = arith.select %eq3A_358, %add3A_89, %broadcast_in_dim3A_360 : vector<128x512xi1>, vector<128x512xf32>
    %reduce_sum3A_362 = arith.constant dense<0.000000e+00> : vector<128xf32>
    %reduce_sum3A_363 = vector.multi_reduction <add>, %select_n3A_361, %reduce_sum3A_362 [1] : vector<128x512xf32> to vector<128xf32>
    %broadcast_in_dim3A_364 = vector.shape_cast %reduce_sum3A_363 : vector<128xf32> to vector<128x1xf32>
    %eq3A_365 = arith.constant 3.200000e+01 : f32
    %eq3A_366 = vector.broadcast %eq3A_365 : f32 to vector<128x512xf32>
    %eq3A_367 = arith.cmpf oeq, %mul3A_85, %eq3A_366 : vector<128x512xf32>
    %jit3A_368 = arith.constant 0.000000e+00 : f32
    %broadcast_in_dim3A_369 = vector.broadcast %jit3A_368 : f32 to vector<128x512xf32>
    %select_n3A_370 = arith.select %eq3A_367, %add3A_89, %broadcast_in_dim3A_369 : vector<128x512xi1>, vector<128x512xf32>
    %reduce_sum3A_371 = arith.constant dense<0.000000e+00> : vector<128xf32>
    %reduce_sum3A_372 = vector.multi_reduction <add>, %select_n3A_370, %reduce_sum3A_371 [1] : vector<128x512xf32> to vector<128xf32>
    %broadcast_in_dim3A_373 = vector.shape_cast %reduce_sum3A_372 : vector<128xf32> to vector<128x1xf32>
    %eq3A_374 = arith.constant 3.300000e+01 : f32
    %eq3A_375 = vector.broadcast %eq3A_374 : f32 to vector<128x512xf32>
    %eq3A_376 = arith.cmpf oeq, %mul3A_85, %eq3A_375 : vector<128x512xf32>
    %jit3A_377 = arith.constant 0.000000e+00 : f32
    %broadcast_in_dim3A_378 = vector.broadcast %jit3A_377 : f32 to vector<128x512xf32>
    %select_n3A_379 = arith.select %eq3A_376, %add3A_89, %broadcast_in_dim3A_378 : vector<128x512xi1>, vector<128x512xf32>
    %reduce_sum3A_380 = arith.constant dense<0.000000e+00> : vector<128xf32>
    %reduce_sum3A_381 = vector.multi_reduction <add>, %select_n3A_379, %reduce_sum3A_380 [1] : vector<128x512xf32> to vector<128xf32>
    %broadcast_in_dim3A_382 = vector.shape_cast %reduce_sum3A_381 : vector<128xf32> to vector<128x1xf32>
    %eq3A_383 = arith.constant 3.400000e+01 : f32
    %eq3A_384 = vector.broadcast %eq3A_383 : f32 to vector<128x512xf32>
    %eq3A_385 = arith.cmpf oeq, %mul3A_85, %eq3A_384 : vector<128x512xf32>
    %jit3A_386 = arith.constant 0.000000e+00 : f32
    %broadcast_in_dim3A_387 = vector.broadcast %jit3A_386 : f32 to vector<128x512xf32>
    %select_n3A_388 = arith.select %eq3A_385, %add3A_89, %broadcast_in_dim3A_387 : vector<128x512xi1>, vector<128x512xf32>
    %reduce_sum3A_389 = arith.constant dense<0.000000e+00> : vector<128xf32>
    %reduce_sum3A_390 = vector.multi_reduction <add>, %select_n3A_388, %reduce_sum3A_389 [1] : vector<128x512xf32> to vector<128xf32>
    %broadcast_in_dim3A_391 = vector.shape_cast %reduce_sum3A_390 : vector<128xf32> to vector<128x1xf32>
    %eq3A_392 = arith.constant 3.500000e+01 : f32
    %eq3A_393 = vector.broadcast %eq3A_392 : f32 to vector<128x512xf32>
    %eq3A_394 = arith.cmpf oeq, %mul3A_85, %eq3A_393 : vector<128x512xf32>
    %jit3A_395 = arith.constant 0.000000e+00 : f32
    %broadcast_in_dim3A_396 = vector.broadcast %jit3A_395 : f32 to vector<128x512xf32>
    %select_n3A_397 = arith.select %eq3A_394, %add3A_89, %broadcast_in_dim3A_396 : vector<128x512xi1>, vector<128x512xf32>
    %reduce_sum3A_398 = arith.constant dense<0.000000e+00> : vector<128xf32>
    %reduce_sum3A_399 = vector.multi_reduction <add>, %select_n3A_397, %reduce_sum3A_398 [1] : vector<128x512xf32> to vector<128xf32>
    %broadcast_in_dim3A_400 = vector.shape_cast %reduce_sum3A_399 : vector<128xf32> to vector<128x1xf32>
    %eq3A_401 = arith.constant 3.600000e+01 : f32
    %eq3A_402 = vector.broadcast %eq3A_401 : f32 to vector<128x512xf32>
    %eq3A_403 = arith.cmpf oeq, %mul3A_85, %eq3A_402 : vector<128x512xf32>
    %jit3A_404 = arith.constant 0.000000e+00 : f32
    %broadcast_in_dim3A_405 = vector.broadcast %jit3A_404 : f32 to vector<128x512xf32>
    %select_n3A_406 = arith.select %eq3A_403, %add3A_89, %broadcast_in_dim3A_405 : vector<128x512xi1>, vector<128x512xf32>
    %reduce_sum3A_407 = arith.constant dense<0.000000e+00> : vector<128xf32>
    %reduce_sum3A_408 = vector.multi_reduction <add>, %select_n3A_406, %reduce_sum3A_407 [1] : vector<128x512xf32> to vector<128xf32>
    %broadcast_in_dim3A_409 = vector.shape_cast %reduce_sum3A_408 : vector<128xf32> to vector<128x1xf32>
    %eq3A_410 = arith.constant 3.700000e+01 : f32
    %eq3A_411 = vector.broadcast %eq3A_410 : f32 to vector<128x512xf32>
    %eq3A_412 = arith.cmpf oeq, %mul3A_85, %eq3A_411 : vector<128x512xf32>
    %jit3A_413 = arith.constant 0.000000e+00 : f32
    %broadcast_in_dim3A_414 = vector.broadcast %jit3A_413 : f32 to vector<128x512xf32>
    %select_n3A_415 = arith.select %eq3A_412, %add3A_89, %broadcast_in_dim3A_414 : vector<128x512xi1>, vector<128x512xf32>
    %reduce_sum3A_416 = arith.constant dense<0.000000e+00> : vector<128xf32>
    %reduce_sum3A_417 = vector.multi_reduction <add>, %select_n3A_415, %reduce_sum3A_416 [1] : vector<128x512xf32> to vector<128xf32>
    %broadcast_in_dim3A_418 = vector.shape_cast %reduce_sum3A_417 : vector<128xf32> to vector<128x1xf32>
    %eq3A_419 = arith.constant 3.800000e+01 : f32
    %eq3A_420 = vector.broadcast %eq3A_419 : f32 to vector<128x512xf32>
    %eq3A_421 = arith.cmpf oeq, %mul3A_85, %eq3A_420 : vector<128x512xf32>
    %jit3A_422 = arith.constant 0.000000e+00 : f32
    %broadcast_in_dim3A_423 = vector.broadcast %jit3A_422 : f32 to vector<128x512xf32>
    %select_n3A_424 = arith.select %eq3A_421, %add3A_89, %broadcast_in_dim3A_423 : vector<128x512xi1>, vector<128x512xf32>
    %reduce_sum3A_425 = arith.constant dense<0.000000e+00> : vector<128xf32>
    %reduce_sum3A_426 = vector.multi_reduction <add>, %select_n3A_424, %reduce_sum3A_425 [1] : vector<128x512xf32> to vector<128xf32>
    %broadcast_in_dim3A_427 = vector.shape_cast %reduce_sum3A_426 : vector<128xf32> to vector<128x1xf32>
    %eq3A_428 = arith.constant 3.900000e+01 : f32
    %eq3A_429 = vector.broadcast %eq3A_428 : f32 to vector<128x512xf32>
    %eq3A_430 = arith.cmpf oeq, %mul3A_85, %eq3A_429 : vector<128x512xf32>
    %jit3A_431 = arith.constant 0.000000e+00 : f32
    %broadcast_in_dim3A_432 = vector.broadcast %jit3A_431 : f32 to vector<128x512xf32>
    %select_n3A_433 = arith.select %eq3A_430, %add3A_89, %broadcast_in_dim3A_432 : vector<128x512xi1>, vector<128x512xf32>
    %reduce_sum3A_434 = arith.constant dense<0.000000e+00> : vector<128xf32>
    %reduce_sum3A_435 = vector.multi_reduction <add>, %select_n3A_433, %reduce_sum3A_434 [1] : vector<128x512xf32> to vector<128xf32>
    %broadcast_in_dim3A_436 = vector.shape_cast %reduce_sum3A_435 : vector<128xf32> to vector<128x1xf32>
    %eq3A_437 = arith.constant 4.000000e+01 : f32
    %eq3A_438 = vector.broadcast %eq3A_437 : f32 to vector<128x512xf32>
    %eq3A_439 = arith.cmpf oeq, %mul3A_85, %eq3A_438 : vector<128x512xf32>
    %jit3A_440 = arith.constant 0.000000e+00 : f32
    %broadcast_in_dim3A_441 = vector.broadcast %jit3A_440 : f32 to vector<128x512xf32>
    %select_n3A_442 = arith.select %eq3A_439, %add3A_89, %broadcast_in_dim3A_441 : vector<128x512xi1>, vector<128x512xf32>
    %reduce_sum3A_443 = arith.constant dense<0.000000e+00> : vector<128xf32>
    %reduce_sum3A_444 = vector.multi_reduction <add>, %select_n3A_442, %reduce_sum3A_443 [1] : vector<128x512xf32> to vector<128xf32>
    %broadcast_in_dim3A_445 = vector.shape_cast %reduce_sum3A_444 : vector<128xf32> to vector<128x1xf32>
    %eq3A_446 = arith.constant 4.100000e+01 : f32
    %eq3A_447 = vector.broadcast %eq3A_446 : f32 to vector<128x512xf32>
    %eq3A_448 = arith.cmpf oeq, %mul3A_85, %eq3A_447 : vector<128x512xf32>
    %jit3A_449 = arith.constant 0.000000e+00 : f32
    %broadcast_in_dim3A_450 = vector.broadcast %jit3A_449 : f32 to vector<128x512xf32>
    %select_n3A_451 = arith.select %eq3A_448, %add3A_89, %broadcast_in_dim3A_450 : vector<128x512xi1>, vector<128x512xf32>
    %reduce_sum3A_452 = arith.constant dense<0.000000e+00> : vector<128xf32>
    %reduce_sum3A_453 = vector.multi_reduction <add>, %select_n3A_451, %reduce_sum3A_452 [1] : vector<128x512xf32> to vector<128xf32>
    %broadcast_in_dim3A_454 = vector.shape_cast %reduce_sum3A_453 : vector<128xf32> to vector<128x1xf32>
    %eq3A_455 = arith.constant 4.200000e+01 : f32
    %eq3A_456 = vector.broadcast %eq3A_455 : f32 to vector<128x512xf32>
    %eq3A_457 = arith.cmpf oeq, %mul3A_85, %eq3A_456 : vector<128x512xf32>
    %jit3A_458 = arith.constant 0.000000e+00 : f32
    %broadcast_in_dim3A_459 = vector.broadcast %jit3A_458 : f32 to vector<128x512xf32>
    %select_n3A_460 = arith.select %eq3A_457, %add3A_89, %broadcast_in_dim3A_459 : vector<128x512xi1>, vector<128x512xf32>
    %reduce_sum3A_461 = arith.constant dense<0.000000e+00> : vector<128xf32>
    %reduce_sum3A_462 = vector.multi_reduction <add>, %select_n3A_460, %reduce_sum3A_461 [1] : vector<128x512xf32> to vector<128xf32>
    %broadcast_in_dim3A_463 = vector.shape_cast %reduce_sum3A_462 : vector<128xf32> to vector<128x1xf32>
    %eq3A_464 = arith.constant 4.300000e+01 : f32
    %eq3A_465 = vector.broadcast %eq3A_464 : f32 to vector<128x512xf32>
    %eq3A_466 = arith.cmpf oeq, %mul3A_85, %eq3A_465 : vector<128x512xf32>
    %jit3A_467 = arith.constant 0.000000e+00 : f32
    %broadcast_in_dim3A_468 = vector.broadcast %jit3A_467 : f32 to vector<128x512xf32>
    %select_n3A_469 = arith.select %eq3A_466, %add3A_89, %broadcast_in_dim3A_468 : vector<128x512xi1>, vector<128x512xf32>
    %reduce_sum3A_470 = arith.constant dense<0.000000e+00> : vector<128xf32>
    %reduce_sum3A_471 = vector.multi_reduction <add>, %select_n3A_469, %reduce_sum3A_470 [1] : vector<128x512xf32> to vector<128xf32>
    %broadcast_in_dim3A_472 = vector.shape_cast %reduce_sum3A_471 : vector<128xf32> to vector<128x1xf32>
    %eq3A_473 = arith.constant 4.400000e+01 : f32
    %eq3A_474 = vector.broadcast %eq3A_473 : f32 to vector<128x512xf32>
    %eq3A_475 = arith.cmpf oeq, %mul3A_85, %eq3A_474 : vector<128x512xf32>
    %jit3A_476 = arith.constant 0.000000e+00 : f32
    %broadcast_in_dim3A_477 = vector.broadcast %jit3A_476 : f32 to vector<128x512xf32>
    %select_n3A_478 = arith.select %eq3A_475, %add3A_89, %broadcast_in_dim3A_477 : vector<128x512xi1>, vector<128x512xf32>
    %reduce_sum3A_479 = arith.constant dense<0.000000e+00> : vector<128xf32>
    %reduce_sum3A_480 = vector.multi_reduction <add>, %select_n3A_478, %reduce_sum3A_479 [1] : vector<128x512xf32> to vector<128xf32>
    %broadcast_in_dim3A_481 = vector.shape_cast %reduce_sum3A_480 : vector<128xf32> to vector<128x1xf32>
    %eq3A_482 = arith.constant 4.500000e+01 : f32
    %eq3A_483 = vector.broadcast %eq3A_482 : f32 to vector<128x512xf32>
    %eq3A_484 = arith.cmpf oeq, %mul3A_85, %eq3A_483 : vector<128x512xf32>
    %jit3A_485 = arith.constant 0.000000e+00 : f32
    %broadcast_in_dim3A_486 = vector.broadcast %jit3A_485 : f32 to vector<128x512xf32>
    %select_n3A_487 = arith.select %eq3A_484, %add3A_89, %broadcast_in_dim3A_486 : vector<128x512xi1>, vector<128x512xf32>
    %reduce_sum3A_488 = arith.constant dense<0.000000e+00> : vector<128xf32>
    %reduce_sum3A_489 = vector.multi_reduction <add>, %select_n3A_487, %reduce_sum3A_488 [1] : vector<128x512xf32> to vector<128xf32>
    %broadcast_in_dim3A_490 = vector.shape_cast %reduce_sum3A_489 : vector<128xf32> to vector<128x1xf32>
    %eq3A_491 = arith.constant 4.600000e+01 : f32
    %eq3A_492 = vector.broadcast %eq3A_491 : f32 to vector<128x512xf32>
    %eq3A_493 = arith.cmpf oeq, %mul3A_85, %eq3A_492 : vector<128x512xf32>
    %jit3A_494 = arith.constant 0.000000e+00 : f32
    %broadcast_in_dim3A_495 = vector.broadcast %jit3A_494 : f32 to vector<128x512xf32>
    %select_n3A_496 = arith.select %eq3A_493, %add3A_89, %broadcast_in_dim3A_495 : vector<128x512xi1>, vector<128x512xf32>
    %reduce_sum3A_497 = arith.constant dense<0.000000e+00> : vector<128xf32>
    %reduce_sum3A_498 = vector.multi_reduction <add>, %select_n3A_496, %reduce_sum3A_497 [1] : vector<128x512xf32> to vector<128xf32>
    %broadcast_in_dim3A_499 = vector.shape_cast %reduce_sum3A_498 : vector<128xf32> to vector<128x1xf32>
    %eq3A_500 = arith.constant 4.700000e+01 : f32
    %eq3A_501 = vector.broadcast %eq3A_500 : f32 to vector<128x512xf32>
    %eq3A_502 = arith.cmpf oeq, %mul3A_85, %eq3A_501 : vector<128x512xf32>
    %jit3A_503 = arith.constant 0.000000e+00 : f32
    %broadcast_in_dim3A_504 = vector.broadcast %jit3A_503 : f32 to vector<128x512xf32>
    %select_n3A_505 = arith.select %eq3A_502, %add3A_89, %broadcast_in_dim3A_504 : vector<128x512xi1>, vector<128x512xf32>
    %reduce_sum3A_506 = arith.constant dense<0.000000e+00> : vector<128xf32>
    %reduce_sum3A_507 = vector.multi_reduction <add>, %select_n3A_505, %reduce_sum3A_506 [1] : vector<128x512xf32> to vector<128xf32>
    %broadcast_in_dim3A_508 = vector.shape_cast %reduce_sum3A_507 : vector<128xf32> to vector<128x1xf32>
    %eq3A_509 = arith.constant 4.800000e+01 : f32
    %eq3A_510 = vector.broadcast %eq3A_509 : f32 to vector<128x512xf32>
    %eq3A_511 = arith.cmpf oeq, %mul3A_85, %eq3A_510 : vector<128x512xf32>
    %jit3A_512 = arith.constant 0.000000e+00 : f32
    %broadcast_in_dim3A_513 = vector.broadcast %jit3A_512 : f32 to vector<128x512xf32>
    %select_n3A_514 = arith.select %eq3A_511, %add3A_89, %broadcast_in_dim3A_513 : vector<128x512xi1>, vector<128x512xf32>
    %reduce_sum3A_515 = arith.constant dense<0.000000e+00> : vector<128xf32>
    %reduce_sum3A_516 = vector.multi_reduction <add>, %select_n3A_514, %reduce_sum3A_515 [1] : vector<128x512xf32> to vector<128xf32>
    %broadcast_in_dim3A_517 = vector.shape_cast %reduce_sum3A_516 : vector<128xf32> to vector<128x1xf32>
    %eq3A_518 = arith.constant 4.900000e+01 : f32
    %eq3A_519 = vector.broadcast %eq3A_518 : f32 to vector<128x512xf32>
    %eq3A_520 = arith.cmpf oeq, %mul3A_85, %eq3A_519 : vector<128x512xf32>
    %jit3A_521 = arith.constant 0.000000e+00 : f32
    %broadcast_in_dim3A_522 = vector.broadcast %jit3A_521 : f32 to vector<128x512xf32>
    %select_n3A_523 = arith.select %eq3A_520, %add3A_89, %broadcast_in_dim3A_522 : vector<128x512xi1>, vector<128x512xf32>
    %reduce_sum3A_524 = arith.constant dense<0.000000e+00> : vector<128xf32>
    %reduce_sum3A_525 = vector.multi_reduction <add>, %select_n3A_523, %reduce_sum3A_524 [1] : vector<128x512xf32> to vector<128xf32>
    %broadcast_in_dim3A_526 = vector.shape_cast %reduce_sum3A_525 : vector<128xf32> to vector<128x1xf32>
    %eq3A_527 = arith.constant 5.000000e+01 : f32
    %eq3A_528 = vector.broadcast %eq3A_527 : f32 to vector<128x512xf32>
    %eq3A_529 = arith.cmpf oeq, %mul3A_85, %eq3A_528 : vector<128x512xf32>
    %jit3A_530 = arith.constant 0.000000e+00 : f32
    %broadcast_in_dim3A_531 = vector.broadcast %jit3A_530 : f32 to vector<128x512xf32>
    %select_n3A_532 = arith.select %eq3A_529, %add3A_89, %broadcast_in_dim3A_531 : vector<128x512xi1>, vector<128x512xf32>
    %reduce_sum3A_533 = arith.constant dense<0.000000e+00> : vector<128xf32>
    %reduce_sum3A_534 = vector.multi_reduction <add>, %select_n3A_532, %reduce_sum3A_533 [1] : vector<128x512xf32> to vector<128xf32>
    %broadcast_in_dim3A_535 = vector.shape_cast %reduce_sum3A_534 : vector<128xf32> to vector<128x1xf32>
    %eq3A_536 = arith.constant 5.100000e+01 : f32
    %eq3A_537 = vector.broadcast %eq3A_536 : f32 to vector<128x512xf32>
    %eq3A_538 = arith.cmpf oeq, %mul3A_85, %eq3A_537 : vector<128x512xf32>
    %jit3A_539 = arith.constant 0.000000e+00 : f32
    %broadcast_in_dim3A_540 = vector.broadcast %jit3A_539 : f32 to vector<128x512xf32>
    %select_n3A_541 = arith.select %eq3A_538, %add3A_89, %broadcast_in_dim3A_540 : vector<128x512xi1>, vector<128x512xf32>
    %reduce_sum3A_542 = arith.constant dense<0.000000e+00> : vector<128xf32>
    %reduce_sum3A_543 = vector.multi_reduction <add>, %select_n3A_541, %reduce_sum3A_542 [1] : vector<128x512xf32> to vector<128xf32>
    %broadcast_in_dim3A_544 = vector.shape_cast %reduce_sum3A_543 : vector<128xf32> to vector<128x1xf32>
    %eq3A_545 = arith.constant 5.200000e+01 : f32
    %eq3A_546 = vector.broadcast %eq3A_545 : f32 to vector<128x512xf32>
    %eq3A_547 = arith.cmpf oeq, %mul3A_85, %eq3A_546 : vector<128x512xf32>
    %jit3A_548 = arith.constant 0.000000e+00 : f32
    %broadcast_in_dim3A_549 = vector.broadcast %jit3A_548 : f32 to vector<128x512xf32>
    %select_n3A_550 = arith.select %eq3A_547, %add3A_89, %broadcast_in_dim3A_549 : vector<128x512xi1>, vector<128x512xf32>
    %reduce_sum3A_551 = arith.constant dense<0.000000e+00> : vector<128xf32>
    %reduce_sum3A_552 = vector.multi_reduction <add>, %select_n3A_550, %reduce_sum3A_551 [1] : vector<128x512xf32> to vector<128xf32>
    %broadcast_in_dim3A_553 = vector.shape_cast %reduce_sum3A_552 : vector<128xf32> to vector<128x1xf32>
    %eq3A_554 = arith.constant 5.300000e+01 : f32
    %eq3A_555 = vector.broadcast %eq3A_554 : f32 to vector<128x512xf32>
    %eq3A_556 = arith.cmpf oeq, %mul3A_85, %eq3A_555 : vector<128x512xf32>
    %jit3A_557 = arith.constant 0.000000e+00 : f32
    %broadcast_in_dim3A_558 = vector.broadcast %jit3A_557 : f32 to vector<128x512xf32>
    %select_n3A_559 = arith.select %eq3A_556, %add3A_89, %broadcast_in_dim3A_558 : vector<128x512xi1>, vector<128x512xf32>
    %reduce_sum3A_560 = arith.constant dense<0.000000e+00> : vector<128xf32>
    %reduce_sum3A_561 = vector.multi_reduction <add>, %select_n3A_559, %reduce_sum3A_560 [1] : vector<128x512xf32> to vector<128xf32>
    %broadcast_in_dim3A_562 = vector.shape_cast %reduce_sum3A_561 : vector<128xf32> to vector<128x1xf32>
    %eq3A_563 = arith.constant 5.400000e+01 : f32
    %eq3A_564 = vector.broadcast %eq3A_563 : f32 to vector<128x512xf32>
    %eq3A_565 = arith.cmpf oeq, %mul3A_85, %eq3A_564 : vector<128x512xf32>
    %jit3A_566 = arith.constant 0.000000e+00 : f32
    %broadcast_in_dim3A_567 = vector.broadcast %jit3A_566 : f32 to vector<128x512xf32>
    %select_n3A_568 = arith.select %eq3A_565, %add3A_89, %broadcast_in_dim3A_567 : vector<128x512xi1>, vector<128x512xf32>
    %reduce_sum3A_569 = arith.constant dense<0.000000e+00> : vector<128xf32>
    %reduce_sum3A_570 = vector.multi_reduction <add>, %select_n3A_568, %reduce_sum3A_569 [1] : vector<128x512xf32> to vector<128xf32>
    %broadcast_in_dim3A_571 = vector.shape_cast %reduce_sum3A_570 : vector<128xf32> to vector<128x1xf32>
    %eq3A_572 = arith.constant 5.500000e+01 : f32
    %eq3A_573 = vector.broadcast %eq3A_572 : f32 to vector<128x512xf32>
    %eq3A_574 = arith.cmpf oeq, %mul3A_85, %eq3A_573 : vector<128x512xf32>
    %jit3A_575 = arith.constant 0.000000e+00 : f32
    %broadcast_in_dim3A_576 = vector.broadcast %jit3A_575 : f32 to vector<128x512xf32>
    %select_n3A_577 = arith.select %eq3A_574, %add3A_89, %broadcast_in_dim3A_576 : vector<128x512xi1>, vector<128x512xf32>
    %reduce_sum3A_578 = arith.constant dense<0.000000e+00> : vector<128xf32>
    %reduce_sum3A_579 = vector.multi_reduction <add>, %select_n3A_577, %reduce_sum3A_578 [1] : vector<128x512xf32> to vector<128xf32>
    %broadcast_in_dim3A_580 = vector.shape_cast %reduce_sum3A_579 : vector<128xf32> to vector<128x1xf32>
    %eq3A_581 = arith.constant 5.600000e+01 : f32
    %eq3A_582 = vector.broadcast %eq3A_581 : f32 to vector<128x512xf32>
    %eq3A_583 = arith.cmpf oeq, %mul3A_85, %eq3A_582 : vector<128x512xf32>
    %jit3A_584 = arith.constant 0.000000e+00 : f32
    %broadcast_in_dim3A_585 = vector.broadcast %jit3A_584 : f32 to vector<128x512xf32>
    %select_n3A_586 = arith.select %eq3A_583, %add3A_89, %broadcast_in_dim3A_585 : vector<128x512xi1>, vector<128x512xf32>
    %reduce_sum3A_587 = arith.constant dense<0.000000e+00> : vector<128xf32>
    %reduce_sum3A_588 = vector.multi_reduction <add>, %select_n3A_586, %reduce_sum3A_587 [1] : vector<128x512xf32> to vector<128xf32>
    %broadcast_in_dim3A_589 = vector.shape_cast %reduce_sum3A_588 : vector<128xf32> to vector<128x1xf32>
    %eq3A_590 = arith.constant 5.700000e+01 : f32
    %eq3A_591 = vector.broadcast %eq3A_590 : f32 to vector<128x512xf32>
    %eq3A_592 = arith.cmpf oeq, %mul3A_85, %eq3A_591 : vector<128x512xf32>
    %jit3A_593 = arith.constant 0.000000e+00 : f32
    %broadcast_in_dim3A_594 = vector.broadcast %jit3A_593 : f32 to vector<128x512xf32>
    %select_n3A_595 = arith.select %eq3A_592, %add3A_89, %broadcast_in_dim3A_594 : vector<128x512xi1>, vector<128x512xf32>
    %reduce_sum3A_596 = arith.constant dense<0.000000e+00> : vector<128xf32>
    %reduce_sum3A_597 = vector.multi_reduction <add>, %select_n3A_595, %reduce_sum3A_596 [1] : vector<128x512xf32> to vector<128xf32>
    %broadcast_in_dim3A_598 = vector.shape_cast %reduce_sum3A_597 : vector<128xf32> to vector<128x1xf32>
    %eq3A_599 = arith.constant 5.800000e+01 : f32
    %eq3A_600 = vector.broadcast %eq3A_599 : f32 to vector<128x512xf32>
    %eq3A_601 = arith.cmpf oeq, %mul3A_85, %eq3A_600 : vector<128x512xf32>
    %jit3A_602 = arith.constant 0.000000e+00 : f32
    %broadcast_in_dim3A_603 = vector.broadcast %jit3A_602 : f32 to vector<128x512xf32>
    %select_n3A_604 = arith.select %eq3A_601, %add3A_89, %broadcast_in_dim3A_603 : vector<128x512xi1>, vector<128x512xf32>
    %reduce_sum3A_605 = arith.constant dense<0.000000e+00> : vector<128xf32>
    %reduce_sum3A_606 = vector.multi_reduction <add>, %select_n3A_604, %reduce_sum3A_605 [1] : vector<128x512xf32> to vector<128xf32>
    %broadcast_in_dim3A_607 = vector.shape_cast %reduce_sum3A_606 : vector<128xf32> to vector<128x1xf32>
    %eq3A_608 = arith.constant 5.900000e+01 : f32
    %eq3A_609 = vector.broadcast %eq3A_608 : f32 to vector<128x512xf32>
    %eq3A_610 = arith.cmpf oeq, %mul3A_85, %eq3A_609 : vector<128x512xf32>
    %jit3A_611 = arith.constant 0.000000e+00 : f32
    %broadcast_in_dim3A_612 = vector.broadcast %jit3A_611 : f32 to vector<128x512xf32>
    %select_n3A_613 = arith.select %eq3A_610, %add3A_89, %broadcast_in_dim3A_612 : vector<128x512xi1>, vector<128x512xf32>
    %reduce_sum3A_614 = arith.constant dense<0.000000e+00> : vector<128xf32>
    %reduce_sum3A_615 = vector.multi_reduction <add>, %select_n3A_613, %reduce_sum3A_614 [1] : vector<128x512xf32> to vector<128xf32>
    %broadcast_in_dim3A_616 = vector.shape_cast %reduce_sum3A_615 : vector<128xf32> to vector<128x1xf32>
    %eq3A_617 = arith.constant 6.000000e+01 : f32
    %eq3A_618 = vector.broadcast %eq3A_617 : f32 to vector<128x512xf32>
    %eq3A_619 = arith.cmpf oeq, %mul3A_85, %eq3A_618 : vector<128x512xf32>
    %jit3A_620 = arith.constant 0.000000e+00 : f32
    %broadcast_in_dim3A_621 = vector.broadcast %jit3A_620 : f32 to vector<128x512xf32>
    %select_n3A_622 = arith.select %eq3A_619, %add3A_89, %broadcast_in_dim3A_621 : vector<128x512xi1>, vector<128x512xf32>
    %reduce_sum3A_623 = arith.constant dense<0.000000e+00> : vector<128xf32>
    %reduce_sum3A_624 = vector.multi_reduction <add>, %select_n3A_622, %reduce_sum3A_623 [1] : vector<128x512xf32> to vector<128xf32>
    %broadcast_in_dim3A_625 = vector.shape_cast %reduce_sum3A_624 : vector<128xf32> to vector<128x1xf32>
    %eq3A_626 = arith.constant 6.100000e+01 : f32
    %eq3A_627 = vector.broadcast %eq3A_626 : f32 to vector<128x512xf32>
    %eq3A_628 = arith.cmpf oeq, %mul3A_85, %eq3A_627 : vector<128x512xf32>
    %jit3A_629 = arith.constant 0.000000e+00 : f32
    %broadcast_in_dim3A_630 = vector.broadcast %jit3A_629 : f32 to vector<128x512xf32>
    %select_n3A_631 = arith.select %eq3A_628, %add3A_89, %broadcast_in_dim3A_630 : vector<128x512xi1>, vector<128x512xf32>
    %reduce_sum3A_632 = arith.constant dense<0.000000e+00> : vector<128xf32>
    %reduce_sum3A_633 = vector.multi_reduction <add>, %select_n3A_631, %reduce_sum3A_632 [1] : vector<128x512xf32> to vector<128xf32>
    %broadcast_in_dim3A_634 = vector.shape_cast %reduce_sum3A_633 : vector<128xf32> to vector<128x1xf32>
    %eq3A_635 = arith.constant 6.200000e+01 : f32
    %eq3A_636 = vector.broadcast %eq3A_635 : f32 to vector<128x512xf32>
    %eq3A_637 = arith.cmpf oeq, %mul3A_85, %eq3A_636 : vector<128x512xf32>
    %jit3A_638 = arith.constant 0.000000e+00 : f32
    %broadcast_in_dim3A_639 = vector.broadcast %jit3A_638 : f32 to vector<128x512xf32>
    %select_n3A_640 = arith.select %eq3A_637, %add3A_89, %broadcast_in_dim3A_639 : vector<128x512xi1>, vector<128x512xf32>
    %reduce_sum3A_641 = arith.constant dense<0.000000e+00> : vector<128xf32>
    %reduce_sum3A_642 = vector.multi_reduction <add>, %select_n3A_640, %reduce_sum3A_641 [1] : vector<128x512xf32> to vector<128xf32>
    %broadcast_in_dim3A_643 = vector.shape_cast %reduce_sum3A_642 : vector<128xf32> to vector<128x1xf32>
    %eq3A_644 = arith.constant 6.300000e+01 : f32
    %eq3A_645 = vector.broadcast %eq3A_644 : f32 to vector<128x512xf32>
    %eq3A_646 = arith.cmpf oeq, %mul3A_85, %eq3A_645 : vector<128x512xf32>
    %jit3A_647 = arith.constant 0.000000e+00 : f32
    %broadcast_in_dim3A_648 = vector.broadcast %jit3A_647 : f32 to vector<128x512xf32>
    %select_n3A_649 = arith.select %eq3A_646, %add3A_89, %broadcast_in_dim3A_648 : vector<128x512xi1>, vector<128x512xf32>
    %reduce_sum3A_650 = arith.constant dense<0.000000e+00> : vector<128xf32>
    %reduce_sum3A_651 = vector.multi_reduction <add>, %select_n3A_649, %reduce_sum3A_650 [1] : vector<128x512xf32> to vector<128xf32>
    %broadcast_in_dim3A_652 = vector.shape_cast %reduce_sum3A_651 : vector<128xf32> to vector<128x1xf32>
    %eq3A_653 = arith.constant 6.400000e+01 : f32
    %eq3A_654 = vector.broadcast %eq3A_653 : f32 to vector<128x512xf32>
    %eq3A_655 = arith.cmpf oeq, %mul3A_85, %eq3A_654 : vector<128x512xf32>
    %jit3A_656 = arith.constant 0.000000e+00 : f32
    %broadcast_in_dim3A_657 = vector.broadcast %jit3A_656 : f32 to vector<128x512xf32>
    %select_n3A_658 = arith.select %eq3A_655, %add3A_89, %broadcast_in_dim3A_657 : vector<128x512xi1>, vector<128x512xf32>
    %reduce_sum3A_659 = arith.constant dense<0.000000e+00> : vector<128xf32>
    %reduce_sum3A_660 = vector.multi_reduction <add>, %select_n3A_658, %reduce_sum3A_659 [1] : vector<128x512xf32> to vector<128xf32>
    %broadcast_in_dim3A_661 = vector.shape_cast %reduce_sum3A_660 : vector<128xf32> to vector<128x1xf32>
    %concatenate3A = tpu.concatenate %broadcast_in_dim3A_94, %broadcast_in_dim3A_103, %broadcast_in_dim3A_112, %broadcast_in_dim3A_121, %broadcast_in_dim3A_130, %broadcast_in_dim3A_139, %broadcast_in_dim3A_148, %broadcast_in_dim3A_157, %broadcast_in_dim3A_166, %broadcast_in_dim3A_175, %broadcast_in_dim3A_184, %broadcast_in_dim3A_193, %broadcast_in_dim3A_202, %broadcast_in_dim3A_211, %broadcast_in_dim3A_220, %broadcast_in_dim3A_229, %broadcast_in_dim3A_238, %broadcast_in_dim3A_247, %broadcast_in_dim3A_256, %broadcast_in_dim3A_265, %broadcast_in_dim3A_274, %broadcast_in_dim3A_283, %broadcast_in_dim3A_292, %broadcast_in_dim3A_301, %broadcast_in_dim3A_310, %broadcast_in_dim3A_319, %broadcast_in_dim3A_328, %broadcast_in_dim3A_337, %broadcast_in_dim3A_346, %broadcast_in_dim3A_355, %broadcast_in_dim3A_364, %broadcast_in_dim3A_373, %broadcast_in_dim3A_382, %broadcast_in_dim3A_391, %broadcast_in_dim3A_400, %broadcast_in_dim3A_409, %broadcast_in_dim3A_418, %broadcast_in_dim3A_427, %broadcast_in_dim3A_436, %broadcast_in_dim3A_445, %broadcast_in_dim3A_454, %broadcast_in_dim3A_463, %broadcast_in_dim3A_472, %broadcast_in_dim3A_481, %broadcast_in_dim3A_490, %broadcast_in_dim3A_499, %broadcast_in_dim3A_508, %broadcast_in_dim3A_517, %broadcast_in_dim3A_526, %broadcast_in_dim3A_535, %broadcast_in_dim3A_544, %broadcast_in_dim3A_553, %broadcast_in_dim3A_562, %broadcast_in_dim3A_571, %broadcast_in_dim3A_580, %broadcast_in_dim3A_589, %broadcast_in_dim3A_598, %broadcast_in_dim3A_607, %broadcast_in_dim3A_616, %broadcast_in_dim3A_625, %broadcast_in_dim3A_634, %broadcast_in_dim3A_643, %broadcast_in_dim3A_652, %broadcast_in_dim3A_661 in 1 : vector<128x1xf32>, vector<128x1xf32>, vector<128x1xf32>, vector<128x1xf32>, vector<128x1xf32>, vector<128x1xf32>, vector<128x1xf32>, vector<128x1xf32>, vector<128x1xf32>, vector<128x1xf32>, vector<128x1xf32>, vector<128x1xf32>, vector<128x1xf32>, vector<128x1xf32>, vector<128x1xf32>, vector<128x1xf32>, vector<128x1xf32>, vector<128x1xf32>, vector<128x1xf32>, vector<128x1xf32>, vector<128x1xf32>, vector<128x1xf32>, vector<128x1xf32>, vector<128x1xf32>, vector<128x1xf32>, vector<128x1xf32>, vector<128x1xf32>, vector<128x1xf32>, vector<128x1xf32>, vector<128x1xf32>, vector<128x1xf32>, vector<128x1xf32>, vector<128x1xf32>, vector<128x1xf32>, vector<128x1xf32>, vector<128x1xf32>, vector<128x1xf32>, vector<128x1xf32>, vector<128x1xf32>, vector<128x1xf32>, vector<128x1xf32>, vector<128x1xf32>, vector<128x1xf32>, vector<128x1xf32>, vector<128x1xf32>, vector<128x1xf32>, vector<128x1xf32>, vector<128x1xf32>, vector<128x1xf32>, vector<128x1xf32>, vector<128x1xf32>, vector<128x1xf32>, vector<128x1xf32>, vector<128x1xf32>, vector<128x1xf32>, vector<128x1xf32>, vector<128x1xf32>, vector<128x1xf32>, vector<128x1xf32>, vector<128x1xf32>, vector<128x1xf32>, vector<128x1xf32>, vector<128x1xf32>, vector<128x1xf32> -> vector<128x64xf32>
    %slice3A_662 = vector.extract_strided_slice %concatenate3A {offsets = [0, 0], sizes = [128, 1], strides = [1, 1]} : vector<128x64xf32> to vector<128x1xf32>
    %gt3A = arith.constant 5.000000e-01 : f32
    %gt3A_663 = vector.broadcast %gt3A : f32 to vector<128x1xf32>
    %gt3A_664 = arith.cmpf ogt, %slice3A_662, %gt3A_663 : vector<128x1xf32>
    %sub3A = arith.constant 1.000000e+00 : f32
    %sub3A_665 = vector.broadcast %sub3A : f32 to vector<128x1xf32>
    %sub3A_666 = arith.subf %slice3A_662, %sub3A_665 : vector<128x1xf32>
    %jit3A_667 = arith.constant 5.110000e+02 : f32
    %broadcast_in_dim3A_668 = vector.broadcast %jit3A_667 : f32 to vector<128x1xf32>
    %select_n3A_669 = arith.select %gt3A_664, %sub3A_666, %broadcast_in_dim3A_668 : vector<128x1xi1>, vector<128x1xf32>
    %gt3A_670 = arith.constant 5.000000e-01 : f32
    %gt3A_671 = vector.broadcast %gt3A_670 : f32 to vector<128x64xf32>
    %gt3A_672 = arith.cmpf ogt, %concatenate3A, %gt3A_671 : vector<128x64xf32>
    %sub3A_673 = arith.constant 1.000000e+00 : f32
    %sub3A_674 = vector.broadcast %sub3A_673 : f32 to vector<128x64xf32>
    %sub3A_675 = arith.subf %concatenate3A, %sub3A_674 : vector<128x64xf32>
    %broadcast_in_dim3A_676 = vector.shape_cast %select_n3A_669 : vector<128x1xf32> to vector<128x1xf32>
    %broadcast_in_dim3A_677 = vector.broadcast %broadcast_in_dim3A_676 : vector<128x1xf32> to vector<128x64xf32>
    %select_n3A_678 = arith.select %gt3A_672, %sub3A_675, %broadcast_in_dim3A_677 : vector<128x64xi1>, vector<128x64xf32>
    %jit3A_679 = arith.constant 0.000000e+00 : f32
    %jit3A_680 = arith.constant 5.110000e+02 : f32
    %max3A = vector.broadcast %jit3A_679 : f32 to vector<128x64xf32>
    %max3A_681 = arith.maximumf %max3A, %select_n3A_678 : vector<128x64xf32>
    %min3A = vector.broadcast %jit3A_680 : f32 to vector<128x64xf32>
    %min3A_682 = arith.minimumf %min3A, %max3A_681 : vector<128x64xf32>
    %convert_element_type3A_683 = arith.fptosi %min3A_682 : vector<128x64xf32> to vector<128x64xi32>
    %mul3A_684 = arith.constant 512 : i32
    %mul3A_685 = arith.muli %arg0, %mul3A_684 : i32
    %add3A_686 = vector.broadcast %mul3A_685 : i32 to vector<128x64xi32>
    %add3A_687 = arith.addi %convert_element_type3A_683, %add3A_686 : vector<128x64xi32>
    %swap3A = arith.constant 0 : index
    %swap3A_688 = arith.constant 0 : index
    %swap3A_689 = arith.constant 0 : index
    %swap3A_690 = vector.load %arg4[%swap3A, %swap3A_688, %swap3A_689] : memref<1x128x64xi32, #tpu.memory_space<vmem>>, vector<1x128x64xi32>
    %swap3A_691 = vector.shape_cast %swap3A_690 : vector<1x128x64xi32> to vector<128x64xi32>
    %swap3A_692 = vector.shape_cast %add3A_687 : vector<128x64xi32> to vector<1x128x64xi32>
    tpu.vector_store %arg4[%swap3A, %swap3A_688, %swap3A_689], %swap3A_692 {strides = array<i32>} : memref<1x128x64xi32, #tpu.memory_space<vmem>>, vector<1x128x64xi32>,
    return
  }
  func.func @transform_0(%arg0: i32, %arg1: i32) -> (i32, i32, i32) {
    %c0_i32 = arith.constant 0 : i32
    %c0_i32_0 = arith.constant 0 : i32
    return %arg0, %arg1, %c0_i32 : i32, i32, i32
  }
  func.func @transform_1(%arg0: i32, %arg1: i32) -> (i32, i32, i32) {
    %c0_i32 = arith.constant 0 : i32
    %c0_i32_0 = arith.constant 0 : i32
    %c0_i32_1 = arith.constant 0 : i32
    return %arg0, %c0_i32, %c0_i32_0 : i32, i32, i32
  }
  func.func @transform_2(%arg0: i32, %arg1: i32) -> (i32, i32, i32) {
    %c0_i32 = arith.constant 0 : i32
    %c0_i32_0 = arith.constant 0 : i32
    return %arg0, %arg1, %c0_i32 : i32, i32, i32
  }
}

module attributes {stable_mosaic.version = 14 : i64} {
  func.func @_lin_body(%arg0: i32, %arg1: memref<2048x128xf32, #tpu.memory_space<vmem>>, %arg2: memref<128x64xf32, #tpu.memory_space<vmem>>, %arg3: memref<1x64xf32, #tpu.memory_space<vmem>>, %arg4: memref<64x128xf32, #tpu.memory_space<vmem>>, %arg5: memref<2048x64xf32, #tpu.memory_space<vmem>>) attributes {dimension_semantics = [#tpu.dimension_semantics<arbitrary>], iteration_bounds = array<i64: 128>, scalar_prefetch = 0 : i64, scratch_operands = 0 : i64, tpu.core_type = #tpu.core_type<tc>, window_params = [{transform_indices = @transform_0, window_bounds = array<i64: 2048, 128>}, {pipeline_mode = #tpu.pipeline_mode<synchronous>, transform_indices = @transform_1, window_bounds = array<i64: 128, 64>}, {pipeline_mode = #tpu.pipeline_mode<synchronous>, transform_indices = @transform_2, window_bounds = array<i64: 1, 64>}, {transform_indices = @transform_3, window_bounds = array<i64: 64, 128>}, {transform_indices = @transform_4, window_bounds = array<i64: 2048, 64>}]} {
    %get3A = arith.constant 0 : index
    %get3A_0 = arith.constant 0 : index
    %get3A_1 = vector.load %arg1[%get3A, %get3A_0] : memref<2048x128xf32, #tpu.memory_space<vmem>>, vector<2048x128xf32>
    %get3A_2 = arith.constant 0 : index
    %get3A_3 = arith.constant 0 : index
    %get3A_4 = vector.load %arg4[%get3A_2, %get3A_3] : memref<64x128xf32, #tpu.memory_space<vmem>>, vector<64x128xf32>
    %broadcast_in_dim3A = vector.shape_cast %get3A_4 : vector<64x128xf32> to vector<64x1x128xf32>
    %broadcast_in_dim3A_5 = vector.shape_cast %broadcast_in_dim3A : vector<64x1x128xf32> to vector<64x1x128xf32>
    %broadcast_in_dim3A_6 = vector.broadcast %broadcast_in_dim3A_5 : vector<64x1x128xf32> to vector<64x32x128xf32>
    %reshape3A = vector.shape_cast %broadcast_in_dim3A_6 : vector<64x32x128xf32> to vector<2048x128xf32>
    %sub3A = arith.subf %get3A_1, %reshape3A : vector<2048x128xf32>
    %get3A_7 = arith.constant 0 : index
    %get3A_8 = arith.constant 0 : index
    %get3A_9 = vector.load %arg2[%get3A_7, %get3A_8] : memref<128x64xf32, #tpu.memory_space<vmem>>, vector<128x64xf32>
    %dot_general3A = arith.constant dense<0.000000e+00> : vector<2048x64xf32>
    %dot_general3A_10 = tpu.matmul %sub3A, %get3A_9, %dot_general3A {dimension_numbers = #tpu.dot_dimension_numbers<[1], [0], [0], [1], [0, 0, 1, 1], [], []>, transpose_lhs_hint = false} : vector<2048x128xf32>, vector<128x64xf32>, vector<2048x64xf32> -> vector<2048x64xf32>
    %get3A_11 = arith.constant 0 : index
    %get3A_12 = arith.constant 0 : index
    %get3A_13 = vector.load %arg3[%get3A_11, %get3A_12] : memref<1x64xf32, #tpu.memory_space<vmem>>, vector<1x64xf32>
    %add3A = vector.broadcast %get3A_13 : vector<1x64xf32> to vector<2048x64xf32>
    %add3A_14 = arith.addf %dot_general3A_10, %add3A : vector<2048x64xf32>
    %swap3A = arith.constant 0 : index
    %swap3A_15 = arith.constant 0 : index
    %swap3A_16 = vector.load %arg5[%swap3A, %swap3A_15] : memref<2048x64xf32, #tpu.memory_space<vmem>>, vector<2048x64xf32>
    tpu.vector_store %arg5[%swap3A, %swap3A_15], %add3A_14 {strides = array<i32>} : memref<2048x64xf32, #tpu.memory_space<vmem>>, vector<2048x64xf32>,
    return
  }
  func.func @transform_0(%arg0: i32) -> (i32, i32) {
    %c0_i32 = arith.constant 0 : i32
    %c0_i32_0 = arith.constant 0 : i32
    return %arg0, %c0_i32 : i32, i32
  }
  func.func @transform_1(%arg0: i32) -> (i32, i32) {
    %c0_i32 = arith.constant 0 : i32
    %c0_i32_0 = arith.constant 0 : i32
    %c0_i32_1 = arith.constant 0 : i32
    return %c0_i32, %c0_i32_0 : i32, i32
  }
  func.func @transform_2(%arg0: i32) -> (i32, i32) {
    %c0_i32 = arith.constant 0 : i32
    %c0_i32_0 = arith.constant 0 : i32
    %c0_i32_1 = arith.constant 0 : i32
    return %c0_i32, %c0_i32_0 : i32, i32
  }
  func.func @transform_3(%arg0: i32) -> (i32, i32) {
    %c0_i32 = arith.constant 0 : i32
    %c0_i32_0 = arith.constant 0 : i32
    return %arg0, %c0_i32 : i32, i32
  }
  func.func @transform_4(%arg0: i32) -> (i32, i32) {
    %c0_i32 = arith.constant 0 : i32
    %c0_i32_0 = arith.constant 0 : i32
    return %arg0, %c0_i32 : i32, i32
  }
}

module attributes {stable_mosaic.version = 14 : i64} {
  func.func @_lin_body(%arg0: i32, %arg1: memref<2048x64xf32, #tpu.memory_space<vmem>>, %arg2: memref<64x64xf32, #tpu.memory_space<vmem>>, %arg3: memref<1x64xf32, #tpu.memory_space<vmem>>, %arg4: memref<8x64xf32, #tpu.memory_space<vmem>>, %arg5: memref<2048x64xf32, #tpu.memory_space<vmem>>) attributes {dimension_semantics = [#tpu.dimension_semantics<arbitrary>], iteration_bounds = array<i64: 128>, scalar_prefetch = 0 : i64, scratch_operands = 0 : i64, tpu.core_type = #tpu.core_type<tc>, window_params = [{transform_indices = @transform_0, window_bounds = array<i64: 2048, 64>}, {pipeline_mode = #tpu.pipeline_mode<synchronous>, transform_indices = @transform_1, window_bounds = array<i64: 64, 64>}, {pipeline_mode = #tpu.pipeline_mode<synchronous>, transform_indices = @transform_2, window_bounds = array<i64: 1, 64>}, {pipeline_mode = #tpu.pipeline_mode<synchronous>, transform_indices = @transform_3, window_bounds = array<i64: 8, 64>}, {transform_indices = @transform_4, window_bounds = array<i64: 2048, 64>}]} {
    %get3A = arith.constant 0 : index
    %get3A_0 = arith.constant 0 : index
    %get3A_1 = vector.load %arg1[%get3A, %get3A_0] : memref<2048x64xf32, #tpu.memory_space<vmem>>, vector<2048x64xf32>
    %get3A_2 = arith.constant 0 : index
    %get3A_3 = arith.constant 0 : index
    %get3A_4 = vector.load %arg4[%get3A_2, %get3A_3] : memref<8x64xf32, #tpu.memory_space<vmem>>, vector<1x64xf32>
    %sub3A = vector.broadcast %get3A_4 : vector<1x64xf32> to vector<2048x64xf32>
    %sub3A_5 = arith.subf %get3A_1, %sub3A : vector<2048x64xf32>
    %get3A_6 = arith.constant 1 : index
    %get3A_7 = arith.constant 0 : index
    %get3A_8 = vector.load %arg4[%get3A_6, %get3A_7] : memref<8x64xf32, #tpu.memory_space<vmem>>, vector<1x64xf32>
    %div3A = vector.broadcast %get3A_8 : vector<1x64xf32> to vector<2048x64xf32>
    %div3A_9 = arith.divf %sub3A_5, %div3A : vector<2048x64xf32>
    %get3A_10 = arith.constant 2 : index
    %get3A_11 = arith.constant 0 : index
    %get3A_12 = vector.load %arg4[%get3A_10, %get3A_11] : memref<8x64xf32, #tpu.memory_space<vmem>>, vector<1x64xf32>
    %mul3A = vector.broadcast %get3A_12 : vector<1x64xf32> to vector<2048x64xf32>
    %mul3A_13 = arith.mulf %div3A_9, %mul3A : vector<2048x64xf32>
    %get3A_14 = arith.constant 3 : index
    %get3A_15 = arith.constant 0 : index
    %get3A_16 = vector.load %arg4[%get3A_14, %get3A_15] : memref<8x64xf32, #tpu.memory_space<vmem>>, vector<1x64xf32>
    %add3A = vector.broadcast %get3A_16 : vector<1x64xf32> to vector<2048x64xf32>
    %add3A_17 = arith.addf %mul3A_13, %add3A : vector<2048x64xf32>
    %max3A = arith.constant 0.000000e+00 : f32
    %max3A_18 = vector.broadcast %max3A : f32 to vector<2048x64xf32>
    %max3A_19 = arith.maximumf %add3A_17, %max3A_18 : vector<2048x64xf32>
    %get3A_20 = arith.constant 0 : index
    %get3A_21 = arith.constant 0 : index
    %get3A_22 = vector.load %arg2[%get3A_20, %get3A_21] : memref<64x64xf32, #tpu.memory_space<vmem>>, vector<64x64xf32>
    %dot_general3A = arith.constant dense<0.000000e+00> : vector<2048x64xf32>
    %dot_general3A_23 = tpu.matmul %max3A_19, %get3A_22, %dot_general3A {dimension_numbers = #tpu.dot_dimension_numbers<[1], [0], [0], [1], [0, 0, 1, 1], [], []>, transpose_lhs_hint = false} : vector<2048x64xf32>, vector<64x64xf32>, vector<2048x64xf32> -> vector<2048x64xf32>
    %get3A_24 = arith.constant 0 : index
    %get3A_25 = arith.constant 0 : index
    %get3A_26 = vector.load %arg3[%get3A_24, %get3A_25] : memref<1x64xf32, #tpu.memory_space<vmem>>, vector<1x64xf32>
    %add3A_27 = vector.broadcast %get3A_26 : vector<1x64xf32> to vector<2048x64xf32>
    %add3A_28 = arith.addf %dot_general3A_23, %add3A_27 : vector<2048x64xf32>
    %swap3A = arith.constant 0 : index
    %swap3A_29 = arith.constant 0 : index
    %swap3A_30 = vector.load %arg5[%swap3A, %swap3A_29] : memref<2048x64xf32, #tpu.memory_space<vmem>>, vector<2048x64xf32>
    tpu.vector_store %arg5[%swap3A, %swap3A_29], %add3A_28 {strides = array<i32>} : memref<2048x64xf32, #tpu.memory_space<vmem>>, vector<2048x64xf32>,
    return
  }
  func.func @transform_0(%arg0: i32) -> (i32, i32) {
    %c0_i32 = arith.constant 0 : i32
    %c0_i32_0 = arith.constant 0 : i32
    return %arg0, %c0_i32 : i32, i32
  }
  func.func @transform_1(%arg0: i32) -> (i32, i32) {
    %c0_i32 = arith.constant 0 : i32
    %c0_i32_0 = arith.constant 0 : i32
    %c0_i32_1 = arith.constant 0 : i32
    return %c0_i32, %c0_i32_0 : i32, i32
  }
  func.func @transform_2(%arg0: i32) -> (i32, i32) {
    %c0_i32 = arith.constant 0 : i32
    %c0_i32_0 = arith.constant 0 : i32
    %c0_i32_1 = arith.constant 0 : i32
    return %c0_i32, %c0_i32_0 : i32, i32
  }
  func.func @transform_3(%arg0: i32) -> (i32, i32) {
    %c0_i32 = arith.constant 0 : i32
    %c0_i32_0 = arith.constant 0 : i32
    %c0_i32_1 = arith.constant 0 : i32
    return %c0_i32, %c0_i32_0 : i32, i32
  }
  func.func @transform_4(%arg0: i32) -> (i32, i32) {
    %c0_i32 = arith.constant 0 : i32
    %c0_i32_0 = arith.constant 0 : i32
    return %arg0, %c0_i32 : i32, i32
  }
}

module attributes {stable_mosaic.version = 14 : i64} {
  func.func @_lin_body(%arg0: i32, %arg1: memref<2048x64xf32, #tpu.memory_space<vmem>>, %arg2: memref<64x128xf32, #tpu.memory_space<vmem>>, %arg3: memref<1x128xf32, #tpu.memory_space<vmem>>, %arg4: memref<8x64xf32, #tpu.memory_space<vmem>>, %arg5: memref<2048x128xf32, #tpu.memory_space<vmem>>) attributes {dimension_semantics = [#tpu.dimension_semantics<arbitrary>], iteration_bounds = array<i64: 128>, scalar_prefetch = 0 : i64, scratch_operands = 0 : i64, tpu.core_type = #tpu.core_type<tc>, window_params = [{transform_indices = @transform_0, window_bounds = array<i64: 2048, 64>}, {pipeline_mode = #tpu.pipeline_mode<synchronous>, transform_indices = @transform_1, window_bounds = array<i64: 64, 128>}, {pipeline_mode = #tpu.pipeline_mode<synchronous>, transform_indices = @transform_2, window_bounds = array<i64: 1, 128>}, {pipeline_mode = #tpu.pipeline_mode<synchronous>, transform_indices = @transform_3, window_bounds = array<i64: 8, 64>}, {transform_indices = @transform_4, window_bounds = array<i64: 2048, 128>}]} {
    %get3A = arith.constant 0 : index
    %get3A_0 = arith.constant 0 : index
    %get3A_1 = vector.load %arg1[%get3A, %get3A_0] : memref<2048x64xf32, #tpu.memory_space<vmem>>, vector<2048x64xf32>
    %get3A_2 = arith.constant 0 : index
    %get3A_3 = arith.constant 0 : index
    %get3A_4 = vector.load %arg4[%get3A_2, %get3A_3] : memref<8x64xf32, #tpu.memory_space<vmem>>, vector<1x64xf32>
    %sub3A = vector.broadcast %get3A_4 : vector<1x64xf32> to vector<2048x64xf32>
    %sub3A_5 = arith.subf %get3A_1, %sub3A : vector<2048x64xf32>
    %get3A_6 = arith.constant 1 : index
    %get3A_7 = arith.constant 0 : index
    %get3A_8 = vector.load %arg4[%get3A_6, %get3A_7] : memref<8x64xf32, #tpu.memory_space<vmem>>, vector<1x64xf32>
    %div3A = vector.broadcast %get3A_8 : vector<1x64xf32> to vector<2048x64xf32>
    %div3A_9 = arith.divf %sub3A_5, %div3A : vector<2048x64xf32>
    %get3A_10 = arith.constant 2 : index
    %get3A_11 = arith.constant 0 : index
    %get3A_12 = vector.load %arg4[%get3A_10, %get3A_11] : memref<8x64xf32, #tpu.memory_space<vmem>>, vector<1x64xf32>
    %mul3A = vector.broadcast %get3A_12 : vector<1x64xf32> to vector<2048x64xf32>
    %mul3A_13 = arith.mulf %div3A_9, %mul3A : vector<2048x64xf32>
    %get3A_14 = arith.constant 3 : index
    %get3A_15 = arith.constant 0 : index
    %get3A_16 = vector.load %arg4[%get3A_14, %get3A_15] : memref<8x64xf32, #tpu.memory_space<vmem>>, vector<1x64xf32>
    %add3A = vector.broadcast %get3A_16 : vector<1x64xf32> to vector<2048x64xf32>
    %add3A_17 = arith.addf %mul3A_13, %add3A : vector<2048x64xf32>
    %max3A = arith.constant 0.000000e+00 : f32
    %max3A_18 = vector.broadcast %max3A : f32 to vector<2048x64xf32>
    %max3A_19 = arith.maximumf %add3A_17, %max3A_18 : vector<2048x64xf32>
    %get3A_20 = arith.constant 0 : index
    %get3A_21 = arith.constant 0 : index
    %get3A_22 = vector.load %arg2[%get3A_20, %get3A_21] : memref<64x128xf32, #tpu.memory_space<vmem>>, vector<64x128xf32>
    %dot_general3A = arith.constant dense<0.000000e+00> : vector<2048x128xf32>
    %dot_general3A_23 = tpu.matmul %max3A_19, %get3A_22, %dot_general3A {dimension_numbers = #tpu.dot_dimension_numbers<[1], [0], [0], [1], [0, 0, 1, 1], [], []>, transpose_lhs_hint = false} : vector<2048x64xf32>, vector<64x128xf32>, vector<2048x128xf32> -> vector<2048x128xf32>
    %get3A_24 = arith.constant 0 : index
    %get3A_25 = arith.constant 0 : index
    %get3A_26 = vector.load %arg3[%get3A_24, %get3A_25] : memref<1x128xf32, #tpu.memory_space<vmem>>, vector<1x128xf32>
    %add3A_27 = vector.broadcast %get3A_26 : vector<1x128xf32> to vector<2048x128xf32>
    %add3A_28 = arith.addf %dot_general3A_23, %add3A_27 : vector<2048x128xf32>
    %swap3A = arith.constant 0 : index
    %swap3A_29 = arith.constant 0 : index
    %swap3A_30 = vector.load %arg5[%swap3A, %swap3A_29] : memref<2048x128xf32, #tpu.memory_space<vmem>>, vector<2048x128xf32>
    tpu.vector_store %arg5[%swap3A, %swap3A_29], %add3A_28 {strides = array<i32>} : memref<2048x128xf32, #tpu.memory_space<vmem>>, vector<2048x128xf32>,
    return
  }
  func.func @transform_0(%arg0: i32) -> (i32, i32) {
    %c0_i32 = arith.constant 0 : i32
    %c0_i32_0 = arith.constant 0 : i32
    return %arg0, %c0_i32 : i32, i32
  }
  func.func @transform_1(%arg0: i32) -> (i32, i32) {
    %c0_i32 = arith.constant 0 : i32
    %c0_i32_0 = arith.constant 0 : i32
    %c0_i32_1 = arith.constant 0 : i32
    return %c0_i32, %c0_i32_0 : i32, i32
  }
  func.func @transform_2(%arg0: i32) -> (i32, i32) {
    %c0_i32 = arith.constant 0 : i32
    %c0_i32_0 = arith.constant 0 : i32
    %c0_i32_1 = arith.constant 0 : i32
    return %c0_i32, %c0_i32_0 : i32, i32
  }
  func.func @transform_3(%arg0: i32) -> (i32, i32) {
    %c0_i32 = arith.constant 0 : i32
    %c0_i32_0 = arith.constant 0 : i32
    %c0_i32_1 = arith.constant 0 : i32
    return %c0_i32, %c0_i32_0 : i32, i32
  }
  func.func @transform_4(%arg0: i32) -> (i32, i32) {
    %c0_i32 = arith.constant 0 : i32
    %c0_i32_0 = arith.constant 0 : i32
    return %arg0, %c0_i32 : i32, i32
  }
}

module attributes {stable_mosaic.version = 14 : i64} {
  func.func @_maxpool_body(%arg0: i32, %arg1: memref<128x32x128xf32, #tpu.memory_space<vmem>>, %arg2: memref<8x128xf32, #tpu.memory_space<vmem>>, %arg3: memref<128x128xf32, #tpu.memory_space<vmem>>) attributes {dimension_semantics = [#tpu.dimension_semantics<arbitrary>], iteration_bounds = array<i64: 64>, scalar_prefetch = 0 : i64, scratch_operands = 0 : i64, tpu.core_type = #tpu.core_type<tc>, window_params = [{transform_indices = @transform_0, window_bounds = array<i64: 128, 32, 128>}, {pipeline_mode = #tpu.pipeline_mode<synchronous>, transform_indices = @transform_1, window_bounds = array<i64: 8, 128>}, {transform_indices = @transform_2, window_bounds = array<i64: 128, 128>}]} {
    %get3A = arith.constant 0 : index
    %get3A_0 = arith.constant 0 : index
    %get3A_1 = arith.constant 0 : index
    %get3A_2 = vector.load %arg1[%get3A, %get3A_0, %get3A_1] : memref<128x32x128xf32, #tpu.memory_space<vmem>>, vector<128x32x128xf32>
    %get3A_3 = arith.constant 0 : index
    %get3A_4 = arith.constant 0 : index
    %get3A_5 = vector.load %arg2[%get3A_3, %get3A_4] : memref<8x128xf32, #tpu.memory_space<vmem>>, vector<1x128xf32>
    %broadcast_in_dim3A = vector.shape_cast %get3A_5 : vector<1x128xf32> to vector<1x1x128xf32>
    %get3A_6 = arith.constant 1 : index
    %get3A_7 = arith.constant 0 : index
    %get3A_8 = vector.load %arg2[%get3A_6, %get3A_7] : memref<8x128xf32, #tpu.memory_space<vmem>>, vector<1x128xf32>
    %broadcast_in_dim3A_9 = vector.shape_cast %get3A_8 : vector<1x128xf32> to vector<1x1x128xf32>
    %get3A_10 = arith.constant 2 : index
    %get3A_11 = arith.constant 0 : index
    %get3A_12 = vector.load %arg2[%get3A_10, %get3A_11] : memref<8x128xf32, #tpu.memory_space<vmem>>, vector<1x128xf32>
    %broadcast_in_dim3A_13 = vector.shape_cast %get3A_12 : vector<1x128xf32> to vector<1x1x128xf32>
    %get3A_14 = arith.constant 3 : index
    %get3A_15 = arith.constant 0 : index
    %get3A_16 = vector.load %arg2[%get3A_14, %get3A_15] : memref<8x128xf32, #tpu.memory_space<vmem>>, vector<1x128xf32>
    %broadcast_in_dim3A_17 = vector.shape_cast %get3A_16 : vector<1x128xf32> to vector<1x1x128xf32>
    %sub3A = vector.broadcast %broadcast_in_dim3A : vector<1x1x128xf32> to vector<128x32x128xf32>
    %sub3A_18 = arith.subf %get3A_2, %sub3A : vector<128x32x128xf32>
    %div3A = vector.broadcast %broadcast_in_dim3A_9 : vector<1x1x128xf32> to vector<128x32x128xf32>
    %div3A_19 = arith.divf %sub3A_18, %div3A : vector<128x32x128xf32>
    %mul3A = vector.broadcast %broadcast_in_dim3A_13 : vector<1x1x128xf32> to vector<128x32x128xf32>
    %mul3A_20 = arith.mulf %div3A_19, %mul3A : vector<128x32x128xf32>
    %add3A = vector.broadcast %broadcast_in_dim3A_17 : vector<1x1x128xf32> to vector<128x32x128xf32>
    %add3A_21 = arith.addf %mul3A_20, %add3A : vector<128x32x128xf32>
    %max3A = arith.constant 0.000000e+00 : f32
    %max3A_22 = vector.broadcast %max3A : f32 to vector<128x32x128xf32>
    %max3A_23 = arith.maximumf %add3A_21, %max3A_22 : vector<128x32x128xf32>
    %reduce_max3A = arith.constant dense<0xFF800000> : vector<128x128xf32>
    %reduce_max3A_24 = vector.multi_reduction <maximumf>, %max3A_23, %reduce_max3A [1] : vector<128x32x128xf32> to vector<128x128xf32>
    %swap3A = arith.constant 0 : index
    %swap3A_25 = arith.constant 0 : index
    %swap3A_26 = vector.load %arg3[%swap3A, %swap3A_25] : memref<128x128xf32, #tpu.memory_space<vmem>>, vector<128x128xf32>
    tpu.vector_store %arg3[%swap3A, %swap3A_25], %reduce_max3A_24 {strides = array<i32>} : memref<128x128xf32, #tpu.memory_space<vmem>>, vector<128x128xf32>,
    return
  }
  func.func @transform_0(%arg0: i32) -> (i32, i32, i32) {
    %c0_i32 = arith.constant 0 : i32
    %c0_i32_0 = arith.constant 0 : i32
    %c0_i32_1 = arith.constant 0 : i32
    return %arg0, %c0_i32, %c0_i32_0 : i32, i32, i32
  }
  func.func @transform_1(%arg0: i32) -> (i32, i32) {
    %c0_i32 = arith.constant 0 : i32
    %c0_i32_0 = arith.constant 0 : i32
    %c0_i32_1 = arith.constant 0 : i32
    return %c0_i32, %c0_i32_0 : i32, i32
  }
  func.func @transform_2(%arg0: i32) -> (i32, i32) {
    %c0_i32 = arith.constant 0 : i32
    %c0_i32_0 = arith.constant 0 : i32
    return %arg0, %c0_i32 : i32, i32
  }
}

module attributes {stable_mosaic.version = 14 : i64} {
  func.func @_lin_body(%arg0: i32, %arg1: memref<2048x256xf32, #tpu.memory_space<vmem>>, %arg2: memref<256x128xf32, #tpu.memory_space<vmem>>, %arg3: memref<1x128xf32, #tpu.memory_space<vmem>>, %arg4: memref<32x256xf32, #tpu.memory_space<vmem>>, %arg5: memref<2048x128xf32, #tpu.memory_space<vmem>>) attributes {dimension_semantics = [#tpu.dimension_semantics<arbitrary>], iteration_bounds = array<i64: 64>, scalar_prefetch = 0 : i64, scratch_operands = 0 : i64, tpu.core_type = #tpu.core_type<tc>, window_params = [{transform_indices = @transform_0, window_bounds = array<i64: 2048, 256>}, {pipeline_mode = #tpu.pipeline_mode<synchronous>, transform_indices = @transform_1, window_bounds = array<i64: 256, 128>}, {pipeline_mode = #tpu.pipeline_mode<synchronous>, transform_indices = @transform_2, window_bounds = array<i64: 1, 128>}, {transform_indices = @transform_3, window_bounds = array<i64: 32, 256>}, {transform_indices = @transform_4, window_bounds = array<i64: 2048, 128>}]} {
    %get3A = arith.constant 0 : index
    %get3A_0 = arith.constant 0 : index
    %get3A_1 = vector.load %arg1[%get3A, %get3A_0] : memref<2048x256xf32, #tpu.memory_space<vmem>>, vector<2048x256xf32>
    %get3A_2 = arith.constant 0 : index
    %get3A_3 = arith.constant 0 : index
    %get3A_4 = vector.load %arg4[%get3A_2, %get3A_3] : memref<32x256xf32, #tpu.memory_space<vmem>>, vector<32x256xf32>
    %broadcast_in_dim3A = vector.shape_cast %get3A_4 : vector<32x256xf32> to vector<32x1x256xf32>
    %broadcast_in_dim3A_5 = vector.shape_cast %broadcast_in_dim3A : vector<32x1x256xf32> to vector<32x1x256xf32>
    %broadcast_in_dim3A_6 = vector.broadcast %broadcast_in_dim3A_5 : vector<32x1x256xf32> to vector<32x64x256xf32>
    %reshape3A = vector.shape_cast %broadcast_in_dim3A_6 : vector<32x64x256xf32> to vector<2048x256xf32>
    %sub3A = arith.subf %get3A_1, %reshape3A : vector<2048x256xf32>
    %get3A_7 = arith.constant 0 : index
    %get3A_8 = arith.constant 0 : index
    %get3A_9 = vector.load %arg2[%get3A_7, %get3A_8] : memref<256x128xf32, #tpu.memory_space<vmem>>, vector<256x128xf32>
    %dot_general3A = arith.constant dense<0.000000e+00> : vector<2048x128xf32>
    %dot_general3A_10 = tpu.matmul %sub3A, %get3A_9, %dot_general3A {dimension_numbers = #tpu.dot_dimension_numbers<[1], [0], [0], [1], [0, 0, 1, 1], [], []>, transpose_lhs_hint = false} : vector<2048x256xf32>, vector<256x128xf32>, vector<2048x128xf32> -> vector<2048x128xf32>
    %get3A_11 = arith.constant 0 : index
    %get3A_12 = arith.constant 0 : index
    %get3A_13 = vector.load %arg3[%get3A_11, %get3A_12] : memref<1x128xf32, #tpu.memory_space<vmem>>, vector<1x128xf32>
    %add3A = vector.broadcast %get3A_13 : vector<1x128xf32> to vector<2048x128xf32>
    %add3A_14 = arith.addf %dot_general3A_10, %add3A : vector<2048x128xf32>
    %swap3A = arith.constant 0 : index
    %swap3A_15 = arith.constant 0 : index
    %swap3A_16 = vector.load %arg5[%swap3A, %swap3A_15] : memref<2048x128xf32, #tpu.memory_space<vmem>>, vector<2048x128xf32>
    tpu.vector_store %arg5[%swap3A, %swap3A_15], %add3A_14 {strides = array<i32>} : memref<2048x128xf32, #tpu.memory_space<vmem>>, vector<2048x128xf32>,
    return
  }
  func.func @transform_0(%arg0: i32) -> (i32, i32) {
    %c0_i32 = arith.constant 0 : i32
    %c0_i32_0 = arith.constant 0 : i32
    return %arg0, %c0_i32 : i32, i32
  }
  func.func @transform_1(%arg0: i32) -> (i32, i32) {
    %c0_i32 = arith.constant 0 : i32
    %c0_i32_0 = arith.constant 0 : i32
    %c0_i32_1 = arith.constant 0 : i32
    return %c0_i32, %c0_i32_0 : i32, i32
  }
  func.func @transform_2(%arg0: i32) -> (i32, i32) {
    %c0_i32 = arith.constant 0 : i32
    %c0_i32_0 = arith.constant 0 : i32
    %c0_i32_1 = arith.constant 0 : i32
    return %c0_i32, %c0_i32_0 : i32, i32
  }
  func.func @transform_3(%arg0: i32) -> (i32, i32) {
    %c0_i32 = arith.constant 0 : i32
    %c0_i32_0 = arith.constant 0 : i32
    return %arg0, %c0_i32 : i32, i32
  }
  func.func @transform_4(%arg0: i32) -> (i32, i32) {
    %c0_i32 = arith.constant 0 : i32
    %c0_i32_0 = arith.constant 0 : i32
    return %arg0, %c0_i32 : i32, i32
  }
}

module attributes {stable_mosaic.version = 14 : i64} {
  func.func @_lin_body(%arg0: i32, %arg1: memref<2048x128xf32, #tpu.memory_space<vmem>>, %arg2: memref<128x128xf32, #tpu.memory_space<vmem>>, %arg3: memref<1x128xf32, #tpu.memory_space<vmem>>, %arg4: memref<8x128xf32, #tpu.memory_space<vmem>>, %arg5: memref<2048x128xf32, #tpu.memory_space<vmem>>) attributes {dimension_semantics = [#tpu.dimension_semantics<arbitrary>], iteration_bounds = array<i64: 64>, scalar_prefetch = 0 : i64, scratch_operands = 0 : i64, tpu.core_type = #tpu.core_type<tc>, window_params = [{transform_indices = @transform_0, window_bounds = array<i64: 2048, 128>}, {pipeline_mode = #tpu.pipeline_mode<synchronous>, transform_indices = @transform_1, window_bounds = array<i64: 128, 128>}, {pipeline_mode = #tpu.pipeline_mode<synchronous>, transform_indices = @transform_2, window_bounds = array<i64: 1, 128>}, {pipeline_mode = #tpu.pipeline_mode<synchronous>, transform_indices = @transform_3, window_bounds = array<i64: 8, 128>}, {transform_indices = @transform_4, window_bounds = array<i64: 2048, 128>}]} {
    %get3A = arith.constant 0 : index
    %get3A_0 = arith.constant 0 : index
    %get3A_1 = vector.load %arg1[%get3A, %get3A_0] : memref<2048x128xf32, #tpu.memory_space<vmem>>, vector<2048x128xf32>
    %get3A_2 = arith.constant 0 : index
    %get3A_3 = arith.constant 0 : index
    %get3A_4 = vector.load %arg4[%get3A_2, %get3A_3] : memref<8x128xf32, #tpu.memory_space<vmem>>, vector<1x128xf32>
    %sub3A = vector.broadcast %get3A_4 : vector<1x128xf32> to vector<2048x128xf32>
    %sub3A_5 = arith.subf %get3A_1, %sub3A : vector<2048x128xf32>
    %get3A_6 = arith.constant 1 : index
    %get3A_7 = arith.constant 0 : index
    %get3A_8 = vector.load %arg4[%get3A_6, %get3A_7] : memref<8x128xf32, #tpu.memory_space<vmem>>, vector<1x128xf32>
    %div3A = vector.broadcast %get3A_8 : vector<1x128xf32> to vector<2048x128xf32>
    %div3A_9 = arith.divf %sub3A_5, %div3A : vector<2048x128xf32>
    %get3A_10 = arith.constant 2 : index
    %get3A_11 = arith.constant 0 : index
    %get3A_12 = vector.load %arg4[%get3A_10, %get3A_11] : memref<8x128xf32, #tpu.memory_space<vmem>>, vector<1x128xf32>
    %mul3A = vector.broadcast %get3A_12 : vector<1x128xf32> to vector<2048x128xf32>
    %mul3A_13 = arith.mulf %div3A_9, %mul3A : vector<2048x128xf32>
    %get3A_14 = arith.constant 3 : index
    %get3A_15 = arith.constant 0 : index
    %get3A_16 = vector.load %arg4[%get3A_14, %get3A_15] : memref<8x128xf32, #tpu.memory_space<vmem>>, vector<1x128xf32>
    %add3A = vector.broadcast %get3A_16 : vector<1x128xf32> to vector<2048x128xf32>
    %add3A_17 = arith.addf %mul3A_13, %add3A : vector<2048x128xf32>
    %max3A = arith.constant 0.000000e+00 : f32
    %max3A_18 = vector.broadcast %max3A : f32 to vector<2048x128xf32>
    %max3A_19 = arith.maximumf %add3A_17, %max3A_18 : vector<2048x128xf32>
    %get3A_20 = arith.constant 0 : index
    %get3A_21 = arith.constant 0 : index
    %get3A_22 = vector.load %arg2[%get3A_20, %get3A_21] : memref<128x128xf32, #tpu.memory_space<vmem>>, vector<128x128xf32>
    %dot_general3A = arith.constant dense<0.000000e+00> : vector<2048x128xf32>
    %dot_general3A_23 = tpu.matmul %max3A_19, %get3A_22, %dot_general3A {dimension_numbers = #tpu.dot_dimension_numbers<[1], [0], [0], [1], [0, 0, 1, 1], [], []>, transpose_lhs_hint = false} : vector<2048x128xf32>, vector<128x128xf32>, vector<2048x128xf32> -> vector<2048x128xf32>
    %get3A_24 = arith.constant 0 : index
    %get3A_25 = arith.constant 0 : index
    %get3A_26 = vector.load %arg3[%get3A_24, %get3A_25] : memref<1x128xf32, #tpu.memory_space<vmem>>, vector<1x128xf32>
    %add3A_27 = vector.broadcast %get3A_26 : vector<1x128xf32> to vector<2048x128xf32>
    %add3A_28 = arith.addf %dot_general3A_23, %add3A_27 : vector<2048x128xf32>
    %swap3A = arith.constant 0 : index
    %swap3A_29 = arith.constant 0 : index
    %swap3A_30 = vector.load %arg5[%swap3A, %swap3A_29] : memref<2048x128xf32, #tpu.memory_space<vmem>>, vector<2048x128xf32>
    tpu.vector_store %arg5[%swap3A, %swap3A_29], %add3A_28 {strides = array<i32>} : memref<2048x128xf32, #tpu.memory_space<vmem>>, vector<2048x128xf32>,
    return
  }
  func.func @transform_0(%arg0: i32) -> (i32, i32) {
    %c0_i32 = arith.constant 0 : i32
    %c0_i32_0 = arith.constant 0 : i32
    return %arg0, %c0_i32 : i32, i32
  }
  func.func @transform_1(%arg0: i32) -> (i32, i32) {
    %c0_i32 = arith.constant 0 : i32
    %c0_i32_0 = arith.constant 0 : i32
    %c0_i32_1 = arith.constant 0 : i32
    return %c0_i32, %c0_i32_0 : i32, i32
  }
  func.func @transform_2(%arg0: i32) -> (i32, i32) {
    %c0_i32 = arith.constant 0 : i32
    %c0_i32_0 = arith.constant 0 : i32
    %c0_i32_1 = arith.constant 0 : i32
    return %c0_i32, %c0_i32_0 : i32, i32
  }
  func.func @transform_3(%arg0: i32) -> (i32, i32) {
    %c0_i32 = arith.constant 0 : i32
    %c0_i32_0 = arith.constant 0 : i32
    %c0_i32_1 = arith.constant 0 : i32
    return %c0_i32, %c0_i32_0 : i32, i32
  }
  func.func @transform_4(%arg0: i32) -> (i32, i32) {
    %c0_i32 = arith.constant 0 : i32
    %c0_i32_0 = arith.constant 0 : i32
    return %arg0, %c0_i32 : i32, i32
  }
}

module attributes {stable_mosaic.version = 14 : i64} {
  func.func @_lin_body(%arg0: i32, %arg1: memref<2048x128xf32, #tpu.memory_space<vmem>>, %arg2: memref<128x256xf32, #tpu.memory_space<vmem>>, %arg3: memref<1x256xf32, #tpu.memory_space<vmem>>, %arg4: memref<8x128xf32, #tpu.memory_space<vmem>>, %arg5: memref<2048x256xf32, #tpu.memory_space<vmem>>) attributes {dimension_semantics = [#tpu.dimension_semantics<arbitrary>], iteration_bounds = array<i64: 64>, scalar_prefetch = 0 : i64, scratch_operands = 0 : i64, tpu.core_type = #tpu.core_type<tc>, window_params = [{transform_indices = @transform_0, window_bounds = array<i64: 2048, 128>}, {pipeline_mode = #tpu.pipeline_mode<synchronous>, transform_indices = @transform_1, window_bounds = array<i64: 128, 256>}, {pipeline_mode = #tpu.pipeline_mode<synchronous>, transform_indices = @transform_2, window_bounds = array<i64: 1, 256>}, {pipeline_mode = #tpu.pipeline_mode<synchronous>, transform_indices = @transform_3, window_bounds = array<i64: 8, 128>}, {transform_indices = @transform_4, window_bounds = array<i64: 2048, 256>}]} {
    %get3A = arith.constant 0 : index
    %get3A_0 = arith.constant 0 : index
    %get3A_1 = vector.load %arg1[%get3A, %get3A_0] : memref<2048x128xf32, #tpu.memory_space<vmem>>, vector<2048x128xf32>
    %get3A_2 = arith.constant 0 : index
    %get3A_3 = arith.constant 0 : index
    %get3A_4 = vector.load %arg4[%get3A_2, %get3A_3] : memref<8x128xf32, #tpu.memory_space<vmem>>, vector<1x128xf32>
    %sub3A = vector.broadcast %get3A_4 : vector<1x128xf32> to vector<2048x128xf32>
    %sub3A_5 = arith.subf %get3A_1, %sub3A : vector<2048x128xf32>
    %get3A_6 = arith.constant 1 : index
    %get3A_7 = arith.constant 0 : index
    %get3A_8 = vector.load %arg4[%get3A_6, %get3A_7] : memref<8x128xf32, #tpu.memory_space<vmem>>, vector<1x128xf32>
    %div3A = vector.broadcast %get3A_8 : vector<1x128xf32> to vector<2048x128xf32>
    %div3A_9 = arith.divf %sub3A_5, %div3A : vector<2048x128xf32>
    %get3A_10 = arith.constant 2 : index
    %get3A_11 = arith.constant 0 : index
    %get3A_12 = vector.load %arg4[%get3A_10, %get3A_11] : memref<8x128xf32, #tpu.memory_space<vmem>>, vector<1x128xf32>
    %mul3A = vector.broadcast %get3A_12 : vector<1x128xf32> to vector<2048x128xf32>
    %mul3A_13 = arith.mulf %div3A_9, %mul3A : vector<2048x128xf32>
    %get3A_14 = arith.constant 3 : index
    %get3A_15 = arith.constant 0 : index
    %get3A_16 = vector.load %arg4[%get3A_14, %get3A_15] : memref<8x128xf32, #tpu.memory_space<vmem>>, vector<1x128xf32>
    %add3A = vector.broadcast %get3A_16 : vector<1x128xf32> to vector<2048x128xf32>
    %add3A_17 = arith.addf %mul3A_13, %add3A : vector<2048x128xf32>
    %max3A = arith.constant 0.000000e+00 : f32
    %max3A_18 = vector.broadcast %max3A : f32 to vector<2048x128xf32>
    %max3A_19 = arith.maximumf %add3A_17, %max3A_18 : vector<2048x128xf32>
    %get3A_20 = arith.constant 0 : index
    %get3A_21 = arith.constant 0 : index
    %get3A_22 = vector.load %arg2[%get3A_20, %get3A_21] : memref<128x256xf32, #tpu.memory_space<vmem>>, vector<128x256xf32>
    %dot_general3A = arith.constant dense<0.000000e+00> : vector<2048x256xf32>
    %dot_general3A_23 = tpu.matmul %max3A_19, %get3A_22, %dot_general3A {dimension_numbers = #tpu.dot_dimension_numbers<[1], [0], [0], [1], [0, 0, 1, 1], [], []>, transpose_lhs_hint = false} : vector<2048x128xf32>, vector<128x256xf32>, vector<2048x256xf32> -> vector<2048x256xf32>
    %get3A_24 = arith.constant 0 : index
    %get3A_25 = arith.constant 0 : index
    %get3A_26 = vector.load %arg3[%get3A_24, %get3A_25] : memref<1x256xf32, #tpu.memory_space<vmem>>, vector<1x256xf32>
    %add3A_27 = vector.broadcast %get3A_26 : vector<1x256xf32> to vector<2048x256xf32>
    %add3A_28 = arith.addf %dot_general3A_23, %add3A_27 : vector<2048x256xf32>
    %swap3A = arith.constant 0 : index
    %swap3A_29 = arith.constant 0 : index
    %swap3A_30 = vector.load %arg5[%swap3A, %swap3A_29] : memref<2048x256xf32, #tpu.memory_space<vmem>>, vector<2048x256xf32>
    tpu.vector_store %arg5[%swap3A, %swap3A_29], %add3A_28 {strides = array<i32>} : memref<2048x256xf32, #tpu.memory_space<vmem>>, vector<2048x256xf32>,
    return
  }
  func.func @transform_0(%arg0: i32) -> (i32, i32) {
    %c0_i32 = arith.constant 0 : i32
    %c0_i32_0 = arith.constant 0 : i32
    return %arg0, %c0_i32 : i32, i32
  }
  func.func @transform_1(%arg0: i32) -> (i32, i32) {
    %c0_i32 = arith.constant 0 : i32
    %c0_i32_0 = arith.constant 0 : i32
    %c0_i32_1 = arith.constant 0 : i32
    return %c0_i32, %c0_i32_0 : i32, i32
  }
  func.func @transform_2(%arg0: i32) -> (i32, i32) {
    %c0_i32 = arith.constant 0 : i32
    %c0_i32_0 = arith.constant 0 : i32
    %c0_i32_1 = arith.constant 0 : i32
    return %c0_i32, %c0_i32_0 : i32, i32
  }
  func.func @transform_3(%arg0: i32) -> (i32, i32) {
    %c0_i32 = arith.constant 0 : i32
    %c0_i32_0 = arith.constant 0 : i32
    %c0_i32_1 = arith.constant 0 : i32
    return %c0_i32, %c0_i32_0 : i32, i32
  }
  func.func @transform_4(%arg0: i32) -> (i32, i32) {
    %c0_i32 = arith.constant 0 : i32
    %c0_i32_0 = arith.constant 0 : i32
    return %arg0, %c0_i32 : i32, i32
  }
}

module attributes {stable_mosaic.version = 14 : i64} {
  func.func @_maxpool_body(%arg0: i32, %arg1: memref<32x64x256xf32, #tpu.memory_space<vmem>>, %arg2: memref<8x256xf32, #tpu.memory_space<vmem>>, %arg3: memref<32x256xf32, #tpu.memory_space<vmem>>) attributes {dimension_semantics = [#tpu.dimension_semantics<arbitrary>], iteration_bounds = array<i64: 64>, scalar_prefetch = 0 : i64, scratch_operands = 0 : i64, tpu.core_type = #tpu.core_type<tc>, window_params = [{transform_indices = @transform_0, window_bounds = array<i64: 32, 64, 256>}, {pipeline_mode = #tpu.pipeline_mode<synchronous>, transform_indices = @transform_1, window_bounds = array<i64: 8, 256>}, {transform_indices = @transform_2, window_bounds = array<i64: 32, 256>}]} {
    %get3A = arith.constant 0 : index
    %get3A_0 = arith.constant 0 : index
    %get3A_1 = arith.constant 0 : index
    %get3A_2 = vector.load %arg1[%get3A, %get3A_0, %get3A_1] : memref<32x64x256xf32, #tpu.memory_space<vmem>>, vector<32x64x256xf32>
    %get3A_3 = arith.constant 0 : index
    %get3A_4 = arith.constant 0 : index
    %get3A_5 = vector.load %arg2[%get3A_3, %get3A_4] : memref<8x256xf32, #tpu.memory_space<vmem>>, vector<1x256xf32>
    %broadcast_in_dim3A = vector.shape_cast %get3A_5 : vector<1x256xf32> to vector<1x1x256xf32>
    %get3A_6 = arith.constant 1 : index
    %get3A_7 = arith.constant 0 : index
    %get3A_8 = vector.load %arg2[%get3A_6, %get3A_7] : memref<8x256xf32, #tpu.memory_space<vmem>>, vector<1x256xf32>
    %broadcast_in_dim3A_9 = vector.shape_cast %get3A_8 : vector<1x256xf32> to vector<1x1x256xf32>
    %get3A_10 = arith.constant 2 : index
    %get3A_11 = arith.constant 0 : index
    %get3A_12 = vector.load %arg2[%get3A_10, %get3A_11] : memref<8x256xf32, #tpu.memory_space<vmem>>, vector<1x256xf32>
    %broadcast_in_dim3A_13 = vector.shape_cast %get3A_12 : vector<1x256xf32> to vector<1x1x256xf32>
    %get3A_14 = arith.constant 3 : index
    %get3A_15 = arith.constant 0 : index
    %get3A_16 = vector.load %arg2[%get3A_14, %get3A_15] : memref<8x256xf32, #tpu.memory_space<vmem>>, vector<1x256xf32>
    %broadcast_in_dim3A_17 = vector.shape_cast %get3A_16 : vector<1x256xf32> to vector<1x1x256xf32>
    %sub3A = vector.broadcast %broadcast_in_dim3A : vector<1x1x256xf32> to vector<32x64x256xf32>
    %sub3A_18 = arith.subf %get3A_2, %sub3A : vector<32x64x256xf32>
    %div3A = vector.broadcast %broadcast_in_dim3A_9 : vector<1x1x256xf32> to vector<32x64x256xf32>
    %div3A_19 = arith.divf %sub3A_18, %div3A : vector<32x64x256xf32>
    %mul3A = vector.broadcast %broadcast_in_dim3A_13 : vector<1x1x256xf32> to vector<32x64x256xf32>
    %mul3A_20 = arith.mulf %div3A_19, %mul3A : vector<32x64x256xf32>
    %add3A = vector.broadcast %broadcast_in_dim3A_17 : vector<1x1x256xf32> to vector<32x64x256xf32>
    %add3A_21 = arith.addf %mul3A_20, %add3A : vector<32x64x256xf32>
    %max3A = arith.constant 0.000000e+00 : f32
    %max3A_22 = vector.broadcast %max3A : f32 to vector<32x64x256xf32>
    %max3A_23 = arith.maximumf %add3A_21, %max3A_22 : vector<32x64x256xf32>
    %reduce_max3A = arith.constant dense<0xFF800000> : vector<32x256xf32>
    %reduce_max3A_24 = vector.multi_reduction <maximumf>, %max3A_23, %reduce_max3A [1] : vector<32x64x256xf32> to vector<32x256xf32>
    %swap3A = arith.constant 0 : index
    %swap3A_25 = arith.constant 0 : index
    %swap3A_26 = vector.load %arg3[%swap3A, %swap3A_25] : memref<32x256xf32, #tpu.memory_space<vmem>>, vector<32x256xf32>
    tpu.vector_store %arg3[%swap3A, %swap3A_25], %reduce_max3A_24 {strides = array<i32>} : memref<32x256xf32, #tpu.memory_space<vmem>>, vector<32x256xf32>,
    return
  }
  func.func @transform_0(%arg0: i32) -> (i32, i32, i32) {
    %c0_i32 = arith.constant 0 : i32
    %c0_i32_0 = arith.constant 0 : i32
    %c0_i32_1 = arith.constant 0 : i32
    return %arg0, %c0_i32, %c0_i32_0 : i32, i32, i32
  }
  func.func @transform_1(%arg0: i32) -> (i32, i32) {
    %c0_i32 = arith.constant 0 : i32
    %c0_i32_0 = arith.constant 0 : i32
    %c0_i32_1 = arith.constant 0 : i32
    return %c0_i32, %c0_i32_0 : i32, i32
  }
  func.func @transform_2(%arg0: i32) -> (i32, i32) {
    %c0_i32 = arith.constant 0 : i32
    %c0_i32_0 = arith.constant 0 : i32
    return %arg0, %c0_i32 : i32, i32
  }
}

module attributes {stable_mosaic.version = 14 : i64} {
  func.func @_lin_body(%arg0: i32, %arg1: memref<512x384xf32, #tpu.memory_space<vmem>>, %arg2: memref<384x256xf32, #tpu.memory_space<vmem>>, %arg3: memref<1x256xf32, #tpu.memory_space<vmem>>, %arg4: memref<512x256xf32, #tpu.memory_space<vmem>>) attributes {dimension_semantics = [#tpu.dimension_semantics<arbitrary>], iteration_bounds = array<i64: 4>, scalar_prefetch = 0 : i64, scratch_operands = 0 : i64, tpu.core_type = #tpu.core_type<tc>, window_params = [{transform_indices = @transform_0, window_bounds = array<i64: 512, 384>}, {pipeline_mode = #tpu.pipeline_mode<synchronous>, transform_indices = @transform_1, window_bounds = array<i64: 384, 256>}, {pipeline_mode = #tpu.pipeline_mode<synchronous>, transform_indices = @transform_2, window_bounds = array<i64: 1, 256>}, {transform_indices = @transform_3, window_bounds = array<i64: 512, 256>}]} {
    %get3A = arith.constant 0 : index
    %get3A_0 = arith.constant 0 : index
    %get3A_1 = vector.load %arg1[%get3A, %get3A_0] : memref<512x384xf32, #tpu.memory_space<vmem>>, vector<512x384xf32>
    %get3A_2 = arith.constant 0 : index
    %get3A_3 = arith.constant 0 : index
    %get3A_4 = vector.load %arg2[%get3A_2, %get3A_3] : memref<384x256xf32, #tpu.memory_space<vmem>>, vector<384x256xf32>
    %dot_general3A = arith.constant dense<0.000000e+00> : vector<512x256xf32>
    %dot_general3A_5 = tpu.matmul %get3A_1, %get3A_4, %dot_general3A {dimension_numbers = #tpu.dot_dimension_numbers<[1], [0], [0], [1], [0, 0, 1, 1], [], []>, transpose_lhs_hint = false} : vector<512x384xf32>, vector<384x256xf32>, vector<512x256xf32> -> vector<512x256xf32>
    %get3A_6 = arith.constant 0 : index
    %get3A_7 = arith.constant 0 : index
    %get3A_8 = vector.load %arg3[%get3A_6, %get3A_7] : memref<1x256xf32, #tpu.memory_space<vmem>>, vector<1x256xf32>
    %add3A = vector.broadcast %get3A_8 : vector<1x256xf32> to vector<512x256xf32>
    %add3A_9 = arith.addf %dot_general3A_5, %add3A : vector<512x256xf32>
    %swap3A = arith.constant 0 : index
    %swap3A_10 = arith.constant 0 : index
    %swap3A_11 = vector.load %arg4[%swap3A, %swap3A_10] : memref<512x256xf32, #tpu.memory_space<vmem>>, vector<512x256xf32>
    tpu.vector_store %arg4[%swap3A, %swap3A_10], %add3A_9 {strides = array<i32>} : memref<512x256xf32, #tpu.memory_space<vmem>>, vector<512x256xf32>,
    return
  }
  func.func @transform_0(%arg0: i32) -> (i32, i32) {
    %c0_i32 = arith.constant 0 : i32
    %c0_i32_0 = arith.constant 0 : i32
    return %arg0, %c0_i32 : i32, i32
  }
  func.func @transform_1(%arg0: i32) -> (i32, i32) {
    %c0_i32 = arith.constant 0 : i32
    %c0_i32_0 = arith.constant 0 : i32
    %c0_i32_1 = arith.constant 0 : i32
    return %c0_i32, %c0_i32_0 : i32, i32
  }
  func.func @transform_2(%arg0: i32) -> (i32, i32) {
    %c0_i32 = arith.constant 0 : i32
    %c0_i32_0 = arith.constant 0 : i32
    %c0_i32_1 = arith.constant 0 : i32
    return %c0_i32, %c0_i32_0 : i32, i32
  }
  func.func @transform_3(%arg0: i32) -> (i32, i32) {
    %c0_i32 = arith.constant 0 : i32
    %c0_i32_0 = arith.constant 0 : i32
    return %arg0, %c0_i32 : i32, i32
  }
}

module attributes {stable_mosaic.version = 14 : i64} {
  func.func @_lin_body(%arg0: i32, %arg1: memref<512x256xf32, #tpu.memory_space<vmem>>, %arg2: memref<256x512xf32, #tpu.memory_space<vmem>>, %arg3: memref<1x512xf32, #tpu.memory_space<vmem>>, %arg4: memref<8x256xf32, #tpu.memory_space<vmem>>, %arg5: memref<512x512xf32, #tpu.memory_space<vmem>>) attributes {dimension_semantics = [#tpu.dimension_semantics<arbitrary>], iteration_bounds = array<i64: 4>, scalar_prefetch = 0 : i64, scratch_operands = 0 : i64, tpu.core_type = #tpu.core_type<tc>, window_params = [{transform_indices = @transform_0, window_bounds = array<i64: 512, 256>}, {pipeline_mode = #tpu.pipeline_mode<synchronous>, transform_indices = @transform_1, window_bounds = array<i64: 256, 512>}, {pipeline_mode = #tpu.pipeline_mode<synchronous>, transform_indices = @transform_2, window_bounds = array<i64: 1, 512>}, {pipeline_mode = #tpu.pipeline_mode<synchronous>, transform_indices = @transform_3, window_bounds = array<i64: 8, 256>}, {transform_indices = @transform_4, window_bounds = array<i64: 512, 512>}]} {
    %get3A = arith.constant 0 : index
    %get3A_0 = arith.constant 0 : index
    %get3A_1 = vector.load %arg1[%get3A, %get3A_0] : memref<512x256xf32, #tpu.memory_space<vmem>>, vector<512x256xf32>
    %get3A_2 = arith.constant 0 : index
    %get3A_3 = arith.constant 0 : index
    %get3A_4 = vector.load %arg4[%get3A_2, %get3A_3] : memref<8x256xf32, #tpu.memory_space<vmem>>, vector<1x256xf32>
    %sub3A = vector.broadcast %get3A_4 : vector<1x256xf32> to vector<512x256xf32>
    %sub3A_5 = arith.subf %get3A_1, %sub3A : vector<512x256xf32>
    %get3A_6 = arith.constant 1 : index
    %get3A_7 = arith.constant 0 : index
    %get3A_8 = vector.load %arg4[%get3A_6, %get3A_7] : memref<8x256xf32, #tpu.memory_space<vmem>>, vector<1x256xf32>
    %div3A = vector.broadcast %get3A_8 : vector<1x256xf32> to vector<512x256xf32>
    %div3A_9 = arith.divf %sub3A_5, %div3A : vector<512x256xf32>
    %get3A_10 = arith.constant 2 : index
    %get3A_11 = arith.constant 0 : index
    %get3A_12 = vector.load %arg4[%get3A_10, %get3A_11] : memref<8x256xf32, #tpu.memory_space<vmem>>, vector<1x256xf32>
    %mul3A = vector.broadcast %get3A_12 : vector<1x256xf32> to vector<512x256xf32>
    %mul3A_13 = arith.mulf %div3A_9, %mul3A : vector<512x256xf32>
    %get3A_14 = arith.constant 3 : index
    %get3A_15 = arith.constant 0 : index
    %get3A_16 = vector.load %arg4[%get3A_14, %get3A_15] : memref<8x256xf32, #tpu.memory_space<vmem>>, vector<1x256xf32>
    %add3A = vector.broadcast %get3A_16 : vector<1x256xf32> to vector<512x256xf32>
    %add3A_17 = arith.addf %mul3A_13, %add3A : vector<512x256xf32>
    %max3A = arith.constant 0.000000e+00 : f32
    %max3A_18 = vector.broadcast %max3A : f32 to vector<512x256xf32>
    %max3A_19 = arith.maximumf %add3A_17, %max3A_18 : vector<512x256xf32>
    %get3A_20 = arith.constant 0 : index
    %get3A_21 = arith.constant 0 : index
    %get3A_22 = vector.load %arg2[%get3A_20, %get3A_21] : memref<256x512xf32, #tpu.memory_space<vmem>>, vector<256x512xf32>
    %dot_general3A = arith.constant dense<0.000000e+00> : vector<512x512xf32>
    %dot_general3A_23 = tpu.matmul %max3A_19, %get3A_22, %dot_general3A {dimension_numbers = #tpu.dot_dimension_numbers<[1], [0], [0], [1], [0, 0, 1, 1], [], []>, transpose_lhs_hint = false} : vector<512x256xf32>, vector<256x512xf32>, vector<512x512xf32> -> vector<512x512xf32>
    %get3A_24 = arith.constant 0 : index
    %get3A_25 = arith.constant 0 : index
    %get3A_26 = vector.load %arg3[%get3A_24, %get3A_25] : memref<1x512xf32, #tpu.memory_space<vmem>>, vector<1x512xf32>
    %add3A_27 = vector.broadcast %get3A_26 : vector<1x512xf32> to vector<512x512xf32>
    %add3A_28 = arith.addf %dot_general3A_23, %add3A_27 : vector<512x512xf32>
    %swap3A = arith.constant 0 : index
    %swap3A_29 = arith.constant 0 : index
    %swap3A_30 = vector.load %arg5[%swap3A, %swap3A_29] : memref<512x512xf32, #tpu.memory_space<vmem>>, vector<512x512xf32>
    tpu.vector_store %arg5[%swap3A, %swap3A_29], %add3A_28 {strides = array<i32>} : memref<512x512xf32, #tpu.memory_space<vmem>>, vector<512x512xf32>,
    return
  }
  func.func @transform_0(%arg0: i32) -> (i32, i32) {
    %c0_i32 = arith.constant 0 : i32
    %c0_i32_0 = arith.constant 0 : i32
    return %arg0, %c0_i32 : i32, i32
  }
  func.func @transform_1(%arg0: i32) -> (i32, i32) {
    %c0_i32 = arith.constant 0 : i32
    %c0_i32_0 = arith.constant 0 : i32
    %c0_i32_1 = arith.constant 0 : i32
    return %c0_i32, %c0_i32_0 : i32, i32
  }
  func.func @transform_2(%arg0: i32) -> (i32, i32) {
    %c0_i32 = arith.constant 0 : i32
    %c0_i32_0 = arith.constant 0 : i32
    %c0_i32_1 = arith.constant 0 : i32
    return %c0_i32, %c0_i32_0 : i32, i32
  }
  func.func @transform_3(%arg0: i32) -> (i32, i32) {
    %c0_i32 = arith.constant 0 : i32
    %c0_i32_0 = arith.constant 0 : i32
    %c0_i32_1 = arith.constant 0 : i32
    return %c0_i32, %c0_i32_0 : i32, i32
  }
  func.func @transform_4(%arg0: i32) -> (i32, i32) {
    %c0_i32 = arith.constant 0 : i32
    %c0_i32_0 = arith.constant 0 : i32
    return %arg0, %c0_i32 : i32, i32
  }
}

module attributes {stable_mosaic.version = 14 : i64} {
  func.func @_lin_body(%arg0: i32, %arg1: memref<512x512xf32, #tpu.memory_space<vmem>>, %arg2: memref<512x1024xf32, #tpu.memory_space<vmem>>, %arg3: memref<1x1024xf32, #tpu.memory_space<vmem>>, %arg4: memref<8x512xf32, #tpu.memory_space<vmem>>, %arg5: memref<512x1024xf32, #tpu.memory_space<vmem>>) attributes {dimension_semantics = [#tpu.dimension_semantics<arbitrary>], iteration_bounds = array<i64: 4>, scalar_prefetch = 0 : i64, scratch_operands = 0 : i64, tpu.core_type = #tpu.core_type<tc>, window_params = [{transform_indices = @transform_0, window_bounds = array<i64: 512, 512>}, {pipeline_mode = #tpu.pipeline_mode<synchronous>, transform_indices = @transform_1, window_bounds = array<i64: 512, 1024>}, {pipeline_mode = #tpu.pipeline_mode<synchronous>, transform_indices = @transform_2, window_bounds = array<i64: 1, 1024>}, {pipeline_mode = #tpu.pipeline_mode<synchronous>, transform_indices = @transform_3, window_bounds = array<i64: 8, 512>}, {transform_indices = @transform_4, window_bounds = array<i64: 512, 1024>}]} {
    %get3A = arith.constant 0 : index
    %get3A_0 = arith.constant 0 : index
    %get3A_1 = vector.load %arg1[%get3A, %get3A_0] : memref<512x512xf32, #tpu.memory_space<vmem>>, vector<512x512xf32>
    %get3A_2 = arith.constant 0 : index
    %get3A_3 = arith.constant 0 : index
    %get3A_4 = vector.load %arg4[%get3A_2, %get3A_3] : memref<8x512xf32, #tpu.memory_space<vmem>>, vector<1x512xf32>
    %sub3A = vector.broadcast %get3A_4 : vector<1x512xf32> to vector<512x512xf32>
    %sub3A_5 = arith.subf %get3A_1, %sub3A : vector<512x512xf32>
    %get3A_6 = arith.constant 1 : index
    %get3A_7 = arith.constant 0 : index
    %get3A_8 = vector.load %arg4[%get3A_6, %get3A_7] : memref<8x512xf32, #tpu.memory_space<vmem>>, vector<1x512xf32>
    %div3A = vector.broadcast %get3A_8 : vector<1x512xf32> to vector<512x512xf32>
    %div3A_9 = arith.divf %sub3A_5, %div3A : vector<512x512xf32>
    %get3A_10 = arith.constant 2 : index
    %get3A_11 = arith.constant 0 : index
    %get3A_12 = vector.load %arg4[%get3A_10, %get3A_11] : memref<8x512xf32, #tpu.memory_space<vmem>>, vector<1x512xf32>
    %mul3A = vector.broadcast %get3A_12 : vector<1x512xf32> to vector<512x512xf32>
    %mul3A_13 = arith.mulf %div3A_9, %mul3A : vector<512x512xf32>
    %get3A_14 = arith.constant 3 : index
    %get3A_15 = arith.constant 0 : index
    %get3A_16 = vector.load %arg4[%get3A_14, %get3A_15] : memref<8x512xf32, #tpu.memory_space<vmem>>, vector<1x512xf32>
    %add3A = vector.broadcast %get3A_16 : vector<1x512xf32> to vector<512x512xf32>
    %add3A_17 = arith.addf %mul3A_13, %add3A : vector<512x512xf32>
    %max3A = arith.constant 0.000000e+00 : f32
    %max3A_18 = vector.broadcast %max3A : f32 to vector<512x512xf32>
    %max3A_19 = arith.maximumf %add3A_17, %max3A_18 : vector<512x512xf32>
    %get3A_20 = arith.constant 0 : index
    %get3A_21 = arith.constant 0 : index
    %get3A_22 = vector.load %arg2[%get3A_20, %get3A_21] : memref<512x1024xf32, #tpu.memory_space<vmem>>, vector<512x1024xf32>
    %dot_general3A = arith.constant dense<0.000000e+00> : vector<512x1024xf32>
    %dot_general3A_23 = tpu.matmul %max3A_19, %get3A_22, %dot_general3A {dimension_numbers = #tpu.dot_dimension_numbers<[1], [0], [0], [1], [0, 0, 1, 1], [], []>, transpose_lhs_hint = false} : vector<512x512xf32>, vector<512x1024xf32>, vector<512x1024xf32> -> vector<512x1024xf32>
    %get3A_24 = arith.constant 0 : index
    %get3A_25 = arith.constant 0 : index
    %get3A_26 = vector.load %arg3[%get3A_24, %get3A_25] : memref<1x1024xf32, #tpu.memory_space<vmem>>, vector<1x1024xf32>
    %add3A_27 = vector.broadcast %get3A_26 : vector<1x1024xf32> to vector<512x1024xf32>
    %add3A_28 = arith.addf %dot_general3A_23, %add3A_27 : vector<512x1024xf32>
    %swap3A = arith.constant 0 : index
    %swap3A_29 = arith.constant 0 : index
    %swap3A_30 = vector.load %arg5[%swap3A, %swap3A_29] : memref<512x1024xf32, #tpu.memory_space<vmem>>, vector<512x1024xf32>
    tpu.vector_store %arg5[%swap3A, %swap3A_29], %add3A_28 {strides = array<i32>} : memref<512x1024xf32, #tpu.memory_space<vmem>>, vector<512x1024xf32>,
    return
  }
  func.func @transform_0(%arg0: i32) -> (i32, i32) {
    %c0_i32 = arith.constant 0 : i32
    %c0_i32_0 = arith.constant 0 : i32
    return %arg0, %c0_i32 : i32, i32
  }
  func.func @transform_1(%arg0: i32) -> (i32, i32) {
    %c0_i32 = arith.constant 0 : i32
    %c0_i32_0 = arith.constant 0 : i32
    %c0_i32_1 = arith.constant 0 : i32
    return %c0_i32, %c0_i32_0 : i32, i32
  }
  func.func @transform_2(%arg0: i32) -> (i32, i32) {
    %c0_i32 = arith.constant 0 : i32
    %c0_i32_0 = arith.constant 0 : i32
    %c0_i32_1 = arith.constant 0 : i32
    return %c0_i32, %c0_i32_0 : i32, i32
  }
  func.func @transform_3(%arg0: i32) -> (i32, i32) {
    %c0_i32 = arith.constant 0 : i32
    %c0_i32_0 = arith.constant 0 : i32
    %c0_i32_1 = arith.constant 0 : i32
    return %c0_i32, %c0_i32_0 : i32, i32
  }
  func.func @transform_4(%arg0: i32) -> (i32, i32) {
    %c0_i32 = arith.constant 0 : i32
    %c0_i32_0 = arith.constant 0 : i32
    return %arg0, %c0_i32 : i32, i32
  }
}

module attributes {stable_mosaic.version = 14 : i64} {
  func.func @_maxpool_body(%arg0: i32, %arg1: memref<8x128x1024xf32, #tpu.memory_space<vmem>>, %arg2: memref<8x1024xf32, #tpu.memory_space<vmem>>, %arg3: memref<8x1024xf32, #tpu.memory_space<vmem>>) attributes {dimension_semantics = [#tpu.dimension_semantics<arbitrary>], iteration_bounds = array<i64: 2>, scalar_prefetch = 0 : i64, scratch_operands = 0 : i64, tpu.core_type = #tpu.core_type<tc>, window_params = [{transform_indices = @transform_0, window_bounds = array<i64: 8, 128, 1024>}, {pipeline_mode = #tpu.pipeline_mode<synchronous>, transform_indices = @transform_1, window_bounds = array<i64: 8, 1024>}, {transform_indices = @transform_2, window_bounds = array<i64: 8, 1024>}]} {
    %get3A = arith.constant 0 : index
    %get3A_0 = arith.constant 0 : index
    %get3A_1 = arith.constant 0 : index
    %get3A_2 = vector.load %arg1[%get3A, %get3A_0, %get3A_1] : memref<8x128x1024xf32, #tpu.memory_space<vmem>>, vector<8x128x1024xf32>
    %get3A_3 = arith.constant 0 : index
    %get3A_4 = arith.constant 0 : index
    %get3A_5 = vector.load %arg2[%get3A_3, %get3A_4] : memref<8x1024xf32, #tpu.memory_space<vmem>>, vector<1x1024xf32>
    %broadcast_in_dim3A = vector.shape_cast %get3A_5 : vector<1x1024xf32> to vector<1x1x1024xf32>
    %get3A_6 = arith.constant 1 : index
    %get3A_7 = arith.constant 0 : index
    %get3A_8 = vector.load %arg2[%get3A_6, %get3A_7] : memref<8x1024xf32, #tpu.memory_space<vmem>>, vector<1x1024xf32>
    %broadcast_in_dim3A_9 = vector.shape_cast %get3A_8 : vector<1x1024xf32> to vector<1x1x1024xf32>
    %get3A_10 = arith.constant 2 : index
    %get3A_11 = arith.constant 0 : index
    %get3A_12 = vector.load %arg2[%get3A_10, %get3A_11] : memref<8x1024xf32, #tpu.memory_space<vmem>>, vector<1x1024xf32>
    %broadcast_in_dim3A_13 = vector.shape_cast %get3A_12 : vector<1x1024xf32> to vector<1x1x1024xf32>
    %get3A_14 = arith.constant 3 : index
    %get3A_15 = arith.constant 0 : index
    %get3A_16 = vector.load %arg2[%get3A_14, %get3A_15] : memref<8x1024xf32, #tpu.memory_space<vmem>>, vector<1x1024xf32>
    %broadcast_in_dim3A_17 = vector.shape_cast %get3A_16 : vector<1x1024xf32> to vector<1x1x1024xf32>
    %sub3A = vector.broadcast %broadcast_in_dim3A : vector<1x1x1024xf32> to vector<8x128x1024xf32>
    %sub3A_18 = arith.subf %get3A_2, %sub3A : vector<8x128x1024xf32>
    %div3A = vector.broadcast %broadcast_in_dim3A_9 : vector<1x1x1024xf32> to vector<8x128x1024xf32>
    %div3A_19 = arith.divf %sub3A_18, %div3A : vector<8x128x1024xf32>
    %mul3A = vector.broadcast %broadcast_in_dim3A_13 : vector<1x1x1024xf32> to vector<8x128x1024xf32>
    %mul3A_20 = arith.mulf %div3A_19, %mul3A : vector<8x128x1024xf32>
    %add3A = vector.broadcast %broadcast_in_dim3A_17 : vector<1x1x1024xf32> to vector<8x128x1024xf32>
    %add3A_21 = arith.addf %mul3A_20, %add3A : vector<8x128x1024xf32>
    %max3A = arith.constant 0.000000e+00 : f32
    %max3A_22 = vector.broadcast %max3A : f32 to vector<8x128x1024xf32>
    %max3A_23 = arith.maximumf %add3A_21, %max3A_22 : vector<8x128x1024xf32>
    %reduce_max3A = arith.constant dense<0xFF800000> : vector<8x1024xf32>
    %reduce_max3A_24 = vector.multi_reduction <maximumf>, %max3A_23, %reduce_max3A [1] : vector<8x128x1024xf32> to vector<8x1024xf32>
    %swap3A = arith.constant 0 : index
    %swap3A_25 = arith.constant 0 : index
    %swap3A_26 = vector.load %arg3[%swap3A, %swap3A_25] : memref<8x1024xf32, #tpu.memory_space<vmem>>, vector<8x1024xf32>
    tpu.vector_store %arg3[%swap3A, %swap3A_25], %reduce_max3A_24 {strides = array<i32>} : memref<8x1024xf32, #tpu.memory_space<vmem>>, vector<8x1024xf32>,
    return
  }
  func.func @transform_0(%arg0: i32) -> (i32, i32, i32) {
    %c0_i32 = arith.constant 0 : i32
    %c0_i32_0 = arith.constant 0 : i32
    %c0_i32_1 = arith.constant 0 : i32
    return %arg0, %c0_i32, %c0_i32_0 : i32, i32, i32
  }
  func.func @transform_1(%arg0: i32) -> (i32, i32) {
    %c0_i32 = arith.constant 0 : i32
    %c0_i32_0 = arith.constant 0 : i32
    %c0_i32_1 = arith.constant 0 : i32
    return %c0_i32, %c0_i32_0 : i32, i32
  }
  func.func @transform_2(%arg0: i32) -> (i32, i32) {
    %c0_i32 = arith.constant 0 : i32
    %c0_i32_0 = arith.constant 0 : i32
    return %arg0, %c0_i32 : i32, i32
  }
}

module attributes {stable_mosaic.version = 14 : i64} {
  func.func @_lin_body(%arg0: i32, %arg1: memref<16x1024xf32, #tpu.memory_space<vmem>>, %arg2: memref<1024x512xf32, #tpu.memory_space<vmem>>, %arg3: memref<1x512xf32, #tpu.memory_space<vmem>>, %arg4: memref<16x512xf32, #tpu.memory_space<vmem>>) attributes {dimension_semantics = [#tpu.dimension_semantics<arbitrary>], iteration_bounds = array<i64: 1>, scalar_prefetch = 0 : i64, scratch_operands = 0 : i64, tpu.core_type = #tpu.core_type<tc>, window_params = [{transform_indices = @transform_0, window_bounds = array<i64: 16, 1024>}, {pipeline_mode = #tpu.pipeline_mode<synchronous>, transform_indices = @transform_1, window_bounds = array<i64: 1024, 512>}, {pipeline_mode = #tpu.pipeline_mode<synchronous>, transform_indices = @transform_2, window_bounds = array<i64: 1, 512>}, {transform_indices = @transform_3, window_bounds = array<i64: 16, 512>}]} {
    %get3A = arith.constant 0 : index
    %get3A_0 = arith.constant 0 : index
    %get3A_1 = vector.load %arg1[%get3A, %get3A_0] : memref<16x1024xf32, #tpu.memory_space<vmem>>, vector<16x1024xf32>
    %get3A_2 = arith.constant 0 : index
    %get3A_3 = arith.constant 0 : index
    %get3A_4 = vector.load %arg2[%get3A_2, %get3A_3] : memref<1024x512xf32, #tpu.memory_space<vmem>>, vector<1024x512xf32>
    %dot_general3A = arith.constant dense<0.000000e+00> : vector<16x512xf32>
    %dot_general3A_5 = tpu.matmul %get3A_1, %get3A_4, %dot_general3A {dimension_numbers = #tpu.dot_dimension_numbers<[1], [0], [0], [1], [0, 0, 1, 1], [], []>, transpose_lhs_hint = false} : vector<16x1024xf32>, vector<1024x512xf32>, vector<16x512xf32> -> vector<16x512xf32>
    %get3A_6 = arith.constant 0 : index
    %get3A_7 = arith.constant 0 : index
    %get3A_8 = vector.load %arg3[%get3A_6, %get3A_7] : memref<1x512xf32, #tpu.memory_space<vmem>>, vector<1x512xf32>
    %add3A = vector.broadcast %get3A_8 : vector<1x512xf32> to vector<16x512xf32>
    %add3A_9 = arith.addf %dot_general3A_5, %add3A : vector<16x512xf32>
    %swap3A = arith.constant 0 : index
    %swap3A_10 = arith.constant 0 : index
    %swap3A_11 = vector.load %arg4[%swap3A, %swap3A_10] : memref<16x512xf32, #tpu.memory_space<vmem>>, vector<16x512xf32>
    tpu.vector_store %arg4[%swap3A, %swap3A_10], %add3A_9 {strides = array<i32>} : memref<16x512xf32, #tpu.memory_space<vmem>>, vector<16x512xf32>,
    return
  }
  func.func @transform_0(%arg0: i32) -> (i32, i32) {
    %c0_i32 = arith.constant 0 : i32
    %c0_i32_0 = arith.constant 0 : i32
    return %arg0, %c0_i32 : i32, i32
  }
  func.func @transform_1(%arg0: i32) -> (i32, i32) {
    %c0_i32 = arith.constant 0 : i32
    %c0_i32_0 = arith.constant 0 : i32
    %c0_i32_1 = arith.constant 0 : i32
    return %c0_i32, %c0_i32_0 : i32, i32
  }
  func.func @transform_2(%arg0: i32) -> (i32, i32) {
    %c0_i32 = arith.constant 0 : i32
    %c0_i32_0 = arith.constant 0 : i32
    %c0_i32_1 = arith.constant 0 : i32
    return %c0_i32, %c0_i32_0 : i32, i32
  }
  func.func @transform_3(%arg0: i32) -> (i32, i32) {
    %c0_i32 = arith.constant 0 : i32
    %c0_i32_0 = arith.constant 0 : i32
    return %arg0, %c0_i32 : i32, i32
  }
}

module attributes {stable_mosaic.version = 14 : i64} {
  func.func @_lin_body(%arg0: i32, %arg1: memref<16x512xf32, #tpu.memory_space<vmem>>, %arg2: memref<512x256xf32, #tpu.memory_space<vmem>>, %arg3: memref<1x256xf32, #tpu.memory_space<vmem>>, %arg4: memref<8x512xf32, #tpu.memory_space<vmem>>, %arg5: memref<16x256xf32, #tpu.memory_space<vmem>>) attributes {dimension_semantics = [#tpu.dimension_semantics<arbitrary>], iteration_bounds = array<i64: 1>, scalar_prefetch = 0 : i64, scratch_operands = 0 : i64, tpu.core_type = #tpu.core_type<tc>, window_params = [{transform_indices = @transform_0, window_bounds = array<i64: 16, 512>}, {pipeline_mode = #tpu.pipeline_mode<synchronous>, transform_indices = @transform_1, window_bounds = array<i64: 512, 256>}, {pipeline_mode = #tpu.pipeline_mode<synchronous>, transform_indices = @transform_2, window_bounds = array<i64: 1, 256>}, {pipeline_mode = #tpu.pipeline_mode<synchronous>, transform_indices = @transform_3, window_bounds = array<i64: 8, 512>}, {transform_indices = @transform_4, window_bounds = array<i64: 16, 256>}]} {
    %get3A = arith.constant 0 : index
    %get3A_0 = arith.constant 0 : index
    %get3A_1 = vector.load %arg1[%get3A, %get3A_0] : memref<16x512xf32, #tpu.memory_space<vmem>>, vector<16x512xf32>
    %get3A_2 = arith.constant 0 : index
    %get3A_3 = arith.constant 0 : index
    %get3A_4 = vector.load %arg4[%get3A_2, %get3A_3] : memref<8x512xf32, #tpu.memory_space<vmem>>, vector<1x512xf32>
    %sub3A = vector.broadcast %get3A_4 : vector<1x512xf32> to vector<16x512xf32>
    %sub3A_5 = arith.subf %get3A_1, %sub3A : vector<16x512xf32>
    %get3A_6 = arith.constant 1 : index
    %get3A_7 = arith.constant 0 : index
    %get3A_8 = vector.load %arg4[%get3A_6, %get3A_7] : memref<8x512xf32, #tpu.memory_space<vmem>>, vector<1x512xf32>
    %div3A = vector.broadcast %get3A_8 : vector<1x512xf32> to vector<16x512xf32>
    %div3A_9 = arith.divf %sub3A_5, %div3A : vector<16x512xf32>
    %get3A_10 = arith.constant 2 : index
    %get3A_11 = arith.constant 0 : index
    %get3A_12 = vector.load %arg4[%get3A_10, %get3A_11] : memref<8x512xf32, #tpu.memory_space<vmem>>, vector<1x512xf32>
    %mul3A = vector.broadcast %get3A_12 : vector<1x512xf32> to vector<16x512xf32>
    %mul3A_13 = arith.mulf %div3A_9, %mul3A : vector<16x512xf32>
    %get3A_14 = arith.constant 3 : index
    %get3A_15 = arith.constant 0 : index
    %get3A_16 = vector.load %arg4[%get3A_14, %get3A_15] : memref<8x512xf32, #tpu.memory_space<vmem>>, vector<1x512xf32>
    %add3A = vector.broadcast %get3A_16 : vector<1x512xf32> to vector<16x512xf32>
    %add3A_17 = arith.addf %mul3A_13, %add3A : vector<16x512xf32>
    %max3A = arith.constant 0.000000e+00 : f32
    %max3A_18 = vector.broadcast %max3A : f32 to vector<16x512xf32>
    %max3A_19 = arith.maximumf %add3A_17, %max3A_18 : vector<16x512xf32>
    %get3A_20 = arith.constant 0 : index
    %get3A_21 = arith.constant 0 : index
    %get3A_22 = vector.load %arg2[%get3A_20, %get3A_21] : memref<512x256xf32, #tpu.memory_space<vmem>>, vector<512x256xf32>
    %dot_general3A = arith.constant dense<0.000000e+00> : vector<16x256xf32>
    %dot_general3A_23 = tpu.matmul %max3A_19, %get3A_22, %dot_general3A {dimension_numbers = #tpu.dot_dimension_numbers<[1], [0], [0], [1], [0, 0, 1, 1], [], []>, transpose_lhs_hint = false} : vector<16x512xf32>, vector<512x256xf32>, vector<16x256xf32> -> vector<16x256xf32>
    %get3A_24 = arith.constant 0 : index
    %get3A_25 = arith.constant 0 : index
    %get3A_26 = vector.load %arg3[%get3A_24, %get3A_25] : memref<1x256xf32, #tpu.memory_space<vmem>>, vector<1x256xf32>
    %add3A_27 = vector.broadcast %get3A_26 : vector<1x256xf32> to vector<16x256xf32>
    %add3A_28 = arith.addf %dot_general3A_23, %add3A_27 : vector<16x256xf32>
    %swap3A = arith.constant 0 : index
    %swap3A_29 = arith.constant 0 : index
    %swap3A_30 = vector.load %arg5[%swap3A, %swap3A_29] : memref<16x256xf32, #tpu.memory_space<vmem>>, vector<16x256xf32>
    tpu.vector_store %arg5[%swap3A, %swap3A_29], %add3A_28 {strides = array<i32>} : memref<16x256xf32, #tpu.memory_space<vmem>>, vector<16x256xf32>,
    return
  }
  func.func @transform_0(%arg0: i32) -> (i32, i32) {
    %c0_i32 = arith.constant 0 : i32
    %c0_i32_0 = arith.constant 0 : i32
    return %arg0, %c0_i32 : i32, i32
  }
  func.func @transform_1(%arg0: i32) -> (i32, i32) {
    %c0_i32 = arith.constant 0 : i32
    %c0_i32_0 = arith.constant 0 : i32
    %c0_i32_1 = arith.constant 0 : i32
    return %c0_i32, %c0_i32_0 : i32, i32
  }
  func.func @transform_2(%arg0: i32) -> (i32, i32) {
    %c0_i32 = arith.constant 0 : i32
    %c0_i32_0 = arith.constant 0 : i32
    %c0_i32_1 = arith.constant 0 : i32
    return %c0_i32, %c0_i32_0 : i32, i32
  }
  func.func @transform_3(%arg0: i32) -> (i32, i32) {
    %c0_i32 = arith.constant 0 : i32
    %c0_i32_0 = arith.constant 0 : i32
    %c0_i32_1 = arith.constant 0 : i32
    return %c0_i32, %c0_i32_0 : i32, i32
  }
  func.func @transform_4(%arg0: i32) -> (i32, i32) {
    %c0_i32 = arith.constant 0 : i32
    %c0_i32_0 = arith.constant 0 : i32
    return %arg0, %c0_i32 : i32, i32
  }
}

module attributes {stable_mosaic.version = 14 : i64} {
  func.func @_lin_body(%arg0: i32, %arg1: memref<16x256xf32, #tpu.memory_space<vmem>>, %arg2: memref<256x512xf32, #tpu.memory_space<vmem>>, %arg3: memref<1x512xf32, #tpu.memory_space<vmem>>, %arg4: memref<8x256xf32, #tpu.memory_space<vmem>>, %arg5: memref<16x512xf32, #tpu.memory_space<vmem>>) attributes {dimension_semantics = [#tpu.dimension_semantics<arbitrary>], iteration_bounds = array<i64: 1>, scalar_prefetch = 0 : i64, scratch_operands = 0 : i64, tpu.core_type = #tpu.core_type<tc>, window_params = [{transform_indices = @transform_0, window_bounds = array<i64: 16, 256>}, {pipeline_mode = #tpu.pipeline_mode<synchronous>, transform_indices = @transform_1, window_bounds = array<i64: 256, 512>}, {pipeline_mode = #tpu.pipeline_mode<synchronous>, transform_indices = @transform_2, window_bounds = array<i64: 1, 512>}, {pipeline_mode = #tpu.pipeline_mode<synchronous>, transform_indices = @transform_3, window_bounds = array<i64: 8, 256>}, {transform_indices = @transform_4, window_bounds = array<i64: 16, 512>}]} {
    %get3A = arith.constant 0 : index
    %get3A_0 = arith.constant 0 : index
    %get3A_1 = vector.load %arg1[%get3A, %get3A_0] : memref<16x256xf32, #tpu.memory_space<vmem>>, vector<16x256xf32>
    %get3A_2 = arith.constant 0 : index
    %get3A_3 = arith.constant 0 : index
    %get3A_4 = vector.load %arg4[%get3A_2, %get3A_3] : memref<8x256xf32, #tpu.memory_space<vmem>>, vector<1x256xf32>
    %sub3A = vector.broadcast %get3A_4 : vector<1x256xf32> to vector<16x256xf32>
    %sub3A_5 = arith.subf %get3A_1, %sub3A : vector<16x256xf32>
    %get3A_6 = arith.constant 1 : index
    %get3A_7 = arith.constant 0 : index
    %get3A_8 = vector.load %arg4[%get3A_6, %get3A_7] : memref<8x256xf32, #tpu.memory_space<vmem>>, vector<1x256xf32>
    %div3A = vector.broadcast %get3A_8 : vector<1x256xf32> to vector<16x256xf32>
    %div3A_9 = arith.divf %sub3A_5, %div3A : vector<16x256xf32>
    %get3A_10 = arith.constant 2 : index
    %get3A_11 = arith.constant 0 : index
    %get3A_12 = vector.load %arg4[%get3A_10, %get3A_11] : memref<8x256xf32, #tpu.memory_space<vmem>>, vector<1x256xf32>
    %mul3A = vector.broadcast %get3A_12 : vector<1x256xf32> to vector<16x256xf32>
    %mul3A_13 = arith.mulf %div3A_9, %mul3A : vector<16x256xf32>
    %get3A_14 = arith.constant 3 : index
    %get3A_15 = arith.constant 0 : index
    %get3A_16 = vector.load %arg4[%get3A_14, %get3A_15] : memref<8x256xf32, #tpu.memory_space<vmem>>, vector<1x256xf32>
    %add3A = vector.broadcast %get3A_16 : vector<1x256xf32> to vector<16x256xf32>
    %add3A_17 = arith.addf %mul3A_13, %add3A : vector<16x256xf32>
    %max3A = arith.constant 0.000000e+00 : f32
    %max3A_18 = vector.broadcast %max3A : f32 to vector<16x256xf32>
    %max3A_19 = arith.maximumf %add3A_17, %max3A_18 : vector<16x256xf32>
    %get3A_20 = arith.constant 0 : index
    %get3A_21 = arith.constant 0 : index
    %get3A_22 = vector.load %arg2[%get3A_20, %get3A_21] : memref<256x512xf32, #tpu.memory_space<vmem>>, vector<256x512xf32>
    %dot_general3A = arith.constant dense<0.000000e+00> : vector<16x512xf32>
    %dot_general3A_23 = tpu.matmul %max3A_19, %get3A_22, %dot_general3A {dimension_numbers = #tpu.dot_dimension_numbers<[1], [0], [0], [1], [0, 0, 1, 1], [], []>, transpose_lhs_hint = false} : vector<16x256xf32>, vector<256x512xf32>, vector<16x512xf32> -> vector<16x512xf32>
    %get3A_24 = arith.constant 0 : index
    %get3A_25 = arith.constant 0 : index
    %get3A_26 = vector.load %arg3[%get3A_24, %get3A_25] : memref<1x512xf32, #tpu.memory_space<vmem>>, vector<1x512xf32>
    %add3A_27 = vector.broadcast %get3A_26 : vector<1x512xf32> to vector<16x512xf32>
    %add3A_28 = arith.addf %dot_general3A_23, %add3A_27 : vector<16x512xf32>
    %swap3A = arith.constant 0 : index
    %swap3A_29 = arith.constant 0 : index
    %swap3A_30 = vector.load %arg5[%swap3A, %swap3A_29] : memref<16x512xf32, #tpu.memory_space<vmem>>, vector<16x512xf32>
    tpu.vector_store %arg5[%swap3A, %swap3A_29], %add3A_28 {strides = array<i32>} : memref<16x512xf32, #tpu.memory_space<vmem>>, vector<16x512xf32>,
    return
  }
  func.func @transform_0(%arg0: i32) -> (i32, i32) {
    %c0_i32 = arith.constant 0 : i32
    %c0_i32_0 = arith.constant 0 : i32
    return %arg0, %c0_i32 : i32, i32
  }
  func.func @transform_1(%arg0: i32) -> (i32, i32) {
    %c0_i32 = arith.constant 0 : i32
    %c0_i32_0 = arith.constant 0 : i32
    %c0_i32_1 = arith.constant 0 : i32
    return %c0_i32, %c0_i32_0 : i32, i32
  }
  func.func @transform_2(%arg0: i32) -> (i32, i32) {
    %c0_i32 = arith.constant 0 : i32
    %c0_i32_0 = arith.constant 0 : i32
    %c0_i32_1 = arith.constant 0 : i32
    return %c0_i32, %c0_i32_0 : i32, i32
  }
  func.func @transform_3(%arg0: i32) -> (i32, i32) {
    %c0_i32 = arith.constant 0 : i32
    %c0_i32_0 = arith.constant 0 : i32
    %c0_i32_1 = arith.constant 0 : i32
    return %c0_i32, %c0_i32_0 : i32, i32
  }
  func.func @transform_4(%arg0: i32) -> (i32, i32) {
    %c0_i32 = arith.constant 0 : i32
    %c0_i32_0 = arith.constant 0 : i32
    return %arg0, %c0_i32 : i32, i32
  }
}

module attributes {stable_mosaic.version = 14 : i64} {
  func.func @_lin_body(%arg0: i32, %arg1: memref<16x512xf32, #tpu.memory_space<vmem>>, %arg2: memref<512x1024xf32, #tpu.memory_space<vmem>>, %arg3: memref<1x1024xf32, #tpu.memory_space<vmem>>, %arg4: memref<8x512xf32, #tpu.memory_space<vmem>>, %arg5: memref<16x1024xf32, #tpu.memory_space<vmem>>) attributes {dimension_semantics = [#tpu.dimension_semantics<arbitrary>], iteration_bounds = array<i64: 1>, scalar_prefetch = 0 : i64, scratch_operands = 0 : i64, tpu.core_type = #tpu.core_type<tc>, window_params = [{transform_indices = @transform_0, window_bounds = array<i64: 16, 512>}, {pipeline_mode = #tpu.pipeline_mode<synchronous>, transform_indices = @transform_1, window_bounds = array<i64: 512, 1024>}, {pipeline_mode = #tpu.pipeline_mode<synchronous>, transform_indices = @transform_2, window_bounds = array<i64: 1, 1024>}, {pipeline_mode = #tpu.pipeline_mode<synchronous>, transform_indices = @transform_3, window_bounds = array<i64: 8, 512>}, {transform_indices = @transform_4, window_bounds = array<i64: 16, 1024>}]} {
    %get3A = arith.constant 0 : index
    %get3A_0 = arith.constant 0 : index
    %get3A_1 = vector.load %arg1[%get3A, %get3A_0] : memref<16x512xf32, #tpu.memory_space<vmem>>, vector<16x512xf32>
    %get3A_2 = arith.constant 0 : index
    %get3A_3 = arith.constant 0 : index
    %get3A_4 = vector.load %arg4[%get3A_2, %get3A_3] : memref<8x512xf32, #tpu.memory_space<vmem>>, vector<1x512xf32>
    %sub3A = vector.broadcast %get3A_4 : vector<1x512xf32> to vector<16x512xf32>
    %sub3A_5 = arith.subf %get3A_1, %sub3A : vector<16x512xf32>
    %get3A_6 = arith.constant 1 : index
    %get3A_7 = arith.constant 0 : index
    %get3A_8 = vector.load %arg4[%get3A_6, %get3A_7] : memref<8x512xf32, #tpu.memory_space<vmem>>, vector<1x512xf32>
    %div3A = vector.broadcast %get3A_8 : vector<1x512xf32> to vector<16x512xf32>
    %div3A_9 = arith.divf %sub3A_5, %div3A : vector<16x512xf32>
    %get3A_10 = arith.constant 2 : index
    %get3A_11 = arith.constant 0 : index
    %get3A_12 = vector.load %arg4[%get3A_10, %get3A_11] : memref<8x512xf32, #tpu.memory_space<vmem>>, vector<1x512xf32>
    %mul3A = vector.broadcast %get3A_12 : vector<1x512xf32> to vector<16x512xf32>
    %mul3A_13 = arith.mulf %div3A_9, %mul3A : vector<16x512xf32>
    %get3A_14 = arith.constant 3 : index
    %get3A_15 = arith.constant 0 : index
    %get3A_16 = vector.load %arg4[%get3A_14, %get3A_15] : memref<8x512xf32, #tpu.memory_space<vmem>>, vector<1x512xf32>
    %add3A = vector.broadcast %get3A_16 : vector<1x512xf32> to vector<16x512xf32>
    %add3A_17 = arith.addf %mul3A_13, %add3A : vector<16x512xf32>
    %max3A = arith.constant 0.000000e+00 : f32
    %max3A_18 = vector.broadcast %max3A : f32 to vector<16x512xf32>
    %max3A_19 = arith.maximumf %add3A_17, %max3A_18 : vector<16x512xf32>
    %get3A_20 = arith.constant 0 : index
    %get3A_21 = arith.constant 0 : index
    %get3A_22 = vector.load %arg2[%get3A_20, %get3A_21] : memref<512x1024xf32, #tpu.memory_space<vmem>>, vector<512x1024xf32>
    %dot_general3A = arith.constant dense<0.000000e+00> : vector<16x1024xf32>
    %dot_general3A_23 = tpu.matmul %max3A_19, %get3A_22, %dot_general3A {dimension_numbers = #tpu.dot_dimension_numbers<[1], [0], [0], [1], [0, 0, 1, 1], [], []>, transpose_lhs_hint = false} : vector<16x512xf32>, vector<512x1024xf32>, vector<16x1024xf32> -> vector<16x1024xf32>
    %get3A_24 = arith.constant 0 : index
    %get3A_25 = arith.constant 0 : index
    %get3A_26 = vector.load %arg3[%get3A_24, %get3A_25] : memref<1x1024xf32, #tpu.memory_space<vmem>>, vector<1x1024xf32>
    %add3A_27 = vector.broadcast %get3A_26 : vector<1x1024xf32> to vector<16x1024xf32>
    %add3A_28 = arith.addf %dot_general3A_23, %add3A_27 : vector<16x1024xf32>
    %swap3A = arith.constant 0 : index
    %swap3A_29 = arith.constant 0 : index
    %swap3A_30 = vector.load %arg5[%swap3A, %swap3A_29] : memref<16x1024xf32, #tpu.memory_space<vmem>>, vector<16x1024xf32>
    tpu.vector_store %arg5[%swap3A, %swap3A_29], %add3A_28 {strides = array<i32>} : memref<16x1024xf32, #tpu.memory_space<vmem>>, vector<16x1024xf32>,
    return
  }
  func.func @transform_0(%arg0: i32) -> (i32, i32) {
    %c0_i32 = arith.constant 0 : i32
    %c0_i32_0 = arith.constant 0 : i32
    return %arg0, %c0_i32 : i32, i32
  }
  func.func @transform_1(%arg0: i32) -> (i32, i32) {
    %c0_i32 = arith.constant 0 : i32
    %c0_i32_0 = arith.constant 0 : i32
    %c0_i32_1 = arith.constant 0 : i32
    return %c0_i32, %c0_i32_0 : i32, i32
  }
  func.func @transform_2(%arg0: i32) -> (i32, i32) {
    %c0_i32 = arith.constant 0 : i32
    %c0_i32_0 = arith.constant 0 : i32
    %c0_i32_1 = arith.constant 0 : i32
    return %c0_i32, %c0_i32_0 : i32, i32
  }
  func.func @transform_3(%arg0: i32) -> (i32, i32) {
    %c0_i32 = arith.constant 0 : i32
    %c0_i32_0 = arith.constant 0 : i32
    %c0_i32_1 = arith.constant 0 : i32
    return %c0_i32, %c0_i32_0 : i32, i32
  }
  func.func @transform_4(%arg0: i32) -> (i32, i32) {
    %c0_i32 = arith.constant 0 : i32
    %c0_i32_0 = arith.constant 0 : i32
    return %arg0, %c0_i32 : i32, i32
  }
}

module attributes {stable_mosaic.version = 14 : i64} {
  func.func @_dout_body(%arg0: i32, %arg1: memref<16x1024xf32, #tpu.memory_space<vmem>>, %arg2: memref<1024x1024xf32, #tpu.memory_space<vmem>>, %arg3: memref<1x1024xf32, #tpu.memory_space<vmem>>, %arg4: memref<8x1024xf32, #tpu.memory_space<vmem>>, %arg5: memref<16x1024xf32, #tpu.memory_space<vmem>>) attributes {dimension_semantics = [#tpu.dimension_semantics<arbitrary>], iteration_bounds = array<i64: 6>, scalar_prefetch = 0 : i64, scratch_operands = 0 : i64, tpu.core_type = #tpu.core_type<tc>, window_params = [{pipeline_mode = #tpu.pipeline_mode<synchronous>, transform_indices = @transform_0, window_bounds = array<i64: 16, 1024>}, {transform_indices = @transform_1, window_bounds = array<i64: 1024, 1024>}, {transform_indices = @transform_2, window_bounds = array<i64: 1, 1024>}, {pipeline_mode = #tpu.pipeline_mode<synchronous>, transform_indices = @transform_3, window_bounds = array<i64: 8, 1024>}, {transform_indices = @transform_4, window_bounds = array<i64: 16, 1024>}]} {
    %get3A = arith.constant 0 : index
    %get3A_0 = arith.constant 0 : index
    %get3A_1 = vector.load %arg1[%get3A, %get3A_0] : memref<16x1024xf32, #tpu.memory_space<vmem>>, vector<16x1024xf32>
    %get3A_2 = arith.constant 0 : index
    %get3A_3 = arith.constant 0 : index
    %get3A_4 = vector.load %arg4[%get3A_2, %get3A_3] : memref<8x1024xf32, #tpu.memory_space<vmem>>, vector<1x1024xf32>
    %sub3A = vector.broadcast %get3A_4 : vector<1x1024xf32> to vector<16x1024xf32>
    %sub3A_5 = arith.subf %get3A_1, %sub3A : vector<16x1024xf32>
    %get3A_6 = arith.constant 1 : index
    %get3A_7 = arith.constant 0 : index
    %get3A_8 = vector.load %arg4[%get3A_6, %get3A_7] : memref<8x1024xf32, #tpu.memory_space<vmem>>, vector<1x1024xf32>
    %div3A = vector.broadcast %get3A_8 : vector<1x1024xf32> to vector<16x1024xf32>
    %div3A_9 = arith.divf %sub3A_5, %div3A : vector<16x1024xf32>
    %get3A_10 = arith.constant 2 : index
    %get3A_11 = arith.constant 0 : index
    %get3A_12 = vector.load %arg4[%get3A_10, %get3A_11] : memref<8x1024xf32, #tpu.memory_space<vmem>>, vector<1x1024xf32>
    %mul3A = vector.broadcast %get3A_12 : vector<1x1024xf32> to vector<16x1024xf32>
    %mul3A_13 = arith.mulf %div3A_9, %mul3A : vector<16x1024xf32>
    %get3A_14 = arith.constant 3 : index
    %get3A_15 = arith.constant 0 : index
    %get3A_16 = vector.load %arg4[%get3A_14, %get3A_15] : memref<8x1024xf32, #tpu.memory_space<vmem>>, vector<1x1024xf32>
    %add3A = vector.broadcast %get3A_16 : vector<1x1024xf32> to vector<16x1024xf32>
    %add3A_17 = arith.addf %mul3A_13, %add3A : vector<16x1024xf32>
    %max3A = arith.constant 0.000000e+00 : f32
    %max3A_18 = vector.broadcast %max3A : f32 to vector<16x1024xf32>
    %max3A_19 = arith.maximumf %add3A_17, %max3A_18 : vector<16x1024xf32>
    %get3A_20 = arith.constant 0 : index
    %get3A_21 = arith.constant 0 : index
    %get3A_22 = vector.load %arg2[%get3A_20, %get3A_21] : memref<1024x1024xf32, #tpu.memory_space<vmem>>, vector<1024x1024xf32>
    %dot_general3A = arith.constant dense<0.000000e+00> : vector<16x1024xf32>
    %dot_general3A_23 = tpu.matmul %max3A_19, %get3A_22, %dot_general3A {dimension_numbers = #tpu.dot_dimension_numbers<[1], [0], [0], [1], [0, 0, 1, 1], [], []>, transpose_lhs_hint = false} : vector<16x1024xf32>, vector<1024x1024xf32>, vector<16x1024xf32> -> vector<16x1024xf32>
    %get3A_24 = arith.constant 0 : index
    %get3A_25 = arith.constant 0 : index
    %get3A_26 = vector.load %arg3[%get3A_24, %get3A_25] : memref<1x1024xf32, #tpu.memory_space<vmem>>, vector<1x1024xf32>
    %add3A_27 = vector.broadcast %get3A_26 : vector<1x1024xf32> to vector<16x1024xf32>
    %add3A_28 = arith.addf %dot_general3A_23, %add3A_27 : vector<16x1024xf32>
    %swap3A = arith.constant 0 : index
    %swap3A_29 = arith.constant 0 : index
    %swap3A_30 = vector.load %arg5[%swap3A, %swap3A_29] : memref<16x1024xf32, #tpu.memory_space<vmem>>, vector<16x1024xf32>
    tpu.vector_store %arg5[%swap3A, %swap3A_29], %add3A_28 {strides = array<i32>} : memref<16x1024xf32, #tpu.memory_space<vmem>>, vector<16x1024xf32>,
    return
  }
  func.func @transform_0(%arg0: i32) -> (i32, i32) {
    %c0_i32 = arith.constant 0 : i32
    %c0_i32_0 = arith.constant 0 : i32
    %c0_i32_1 = arith.constant 0 : i32
    return %c0_i32, %c0_i32_0 : i32, i32
  }
  func.func @transform_1(%arg0: i32) -> (i32, i32) {
    %c0_i32 = arith.constant 0 : i32
    %c0_i32_0 = arith.constant 0 : i32
    return %c0_i32, %arg0 : i32, i32
  }
  func.func @transform_2(%arg0: i32) -> (i32, i32) {
    %c0_i32 = arith.constant 0 : i32
    %c0_i32_0 = arith.constant 0 : i32
    return %c0_i32, %arg0 : i32, i32
  }
  func.func @transform_3(%arg0: i32) -> (i32, i32) {
    %c0_i32 = arith.constant 0 : i32
    %c0_i32_0 = arith.constant 0 : i32
    %c0_i32_1 = arith.constant 0 : i32
    return %c0_i32, %c0_i32_0 : i32, i32
  }
  func.func @transform_4(%arg0: i32) -> (i32, i32) {
    %c0_i32 = arith.constant 0 : i32
    %c0_i32_0 = arith.constant 0 : i32
    return %c0_i32, %arg0 : i32, i32
  }
}

</mosaic_0001>

<sc_bundles>
// kernel: kernel.25.cloned.1.call-start
scs
__scs_entry_jumppad:
0x0: {  	(pc) =	sbr.rel $0x88, $3  }
0x1: {  	(tag) =	ssettag $0x0;
	lr =	simm.s32 $0x1  }
0x2: {  	[smem:$0x3F6A] =	sst lr;
	_ =	strace $0xD0000000  }
0x3: {  	_ = 	snop  }
0x4: {  	_ = 	snop  }
0x5: {  	_ = 	snop  }
0x6: {  	_ = 	snop  }
0x7: {  	_ = 	snop  }
__scs_overlays_trampoline_lowered:
0x8: {  	[smem:$0x3F79] =	sst s0  }
0x9: {  	[smem:$0x3F7A] =	sst s1  }
0xa: {  	[smem:$0x3F7B] =	sst s2  }
0xb: {  	[smem:$0x3F7C] =	sst s3  }
0xc: {  	[smem:$0x3F7D] =	sst s4  }
0xd: {  	[smem:$0x3F7E] =	sst s5  }
0xe: {  	[smem:$0x3F7F] =	sst s6  }
0xf: {  	[smem:$0x3F80] =	sst s7  }
0x10: {  	[smem:$0x3F81] =	sst s8  }
0x11: {  	[smem:$0x3F82] =	sst s9;
	s0 =	simm.s32 @!p0 $0x0  }
0x12: {  	s1 =	sld [smem:$0x3F68];
	s0 =	simm.s32 @p0 $0x1  }
0x13: {  	[smem:$0x3F83] =	sst s0;
	s0 =	simm.s32 @!p1 $0x0  }
0x14: {  	s2 =	sld [smem:$0x3F67];
	s0 =	simm.s32 @p1 $0x1  }
0x15: {  	[smem:$0x3F84] =	sst s0;
	s0 =	simm.s32 @!p2 $0x0  }
0x16: {  	s3 =	sld [smem:$0x3FDB];
	s0 =	simm.s32 @p2 $0x1  }
0x17: {  	s4 =	simm.s32 $0x1BF5;
	[smem:$0x3F86] =	sst s0  }
0x18: {  	s0 =	sld [smem:$0x3F69];
	_ =	swait.ge [sflag:s4], $0x0  }
0x19: {  	s7 =	sld [smem:$0x3F6A]  }
0x1a: {  	s8 =	sadd.s32 $0xFFFFE003, lr  }
0x1b: {  	s9 =	sadd.s32 $0xFFFFFEF7, lr;
	s5 =	simm.s32 $0xFFFFFFFF;
	p2 =	slt.u32 s8, $0xFFFFF086  }
0x1c: {  	p1 =	slt.u32 s9, $0xF7A;
	s5 =	simm.s32 @!p2 $0x0  }
0x1d: {  	s5 =	simm.s32 @p1 $0x1;
	p0 =	seq.s32 s7, s2  }
0x1e: {  	s7 =	smul.u32 @!p0 $0xF7A, s2;
	p2 =	seq.s32 @!p0 s5, $0x0  }
0x1f: {  	s9 =	smul.u32 $0xF7A, s1;
	s8 =	simm.s32 @!p0 $0x1BF5;
	p2 =	por !p2, p0  }
0x20: {  	[sflag:s8] =	ssyncset.s32 @!p0 $0xFFFFF086;
	s6 =	sadd.s32 @!p0 s3, s7;
	s7 =	simm.s32 @!p0 $0x108  }
0x21: {  	s3 =	sadd.s32 s3, s9;
	s6 =	sadd.s32 @!p0 $0x88, s6;
	s7 =	simm.s32 @p2 $0x1082  }
0x22: {  	[simem:s7], [sflag:s8] =	dma.local @!p0 [hbm:s6], $0xF7A  }
0x23: {  	s9 =	sor.u32 $0xD0000000, s2;
	s6 =	simm.s32 $0x108;
	_ =	swait.ge @!p0 [sflag:s8], $0x0  }
0x24: {  	s3 =	sadd.s32 $0x88, s3;
	s6 =	simm.s32 @!p1 $0x1082;
	[sflag:s4] =	ssyncset.s32 $0xFFFFF086  }
0x25: {  	[simem:s6], [sflag:s4] =	dma.local [hbm:s3], $0xF7A  }
0x26: {  	[smem:$0x3F6A] =	sst s1;
	(tag) =	ssettag s2;
	_ =	strace s9  }
0x27: {  	s1 =	sld [smem:$0x3F7A]  }
0x28: {  	s2 =	sld [smem:$0x3F7B]  }
0x29: {  	s4 =	sld [smem:$0x3F7D]  }
0x2a: {  	p0 =	seq.s32 s5, $0x0;
	s5 =	sld [smem:$0x3F7E]  }
0x2b: {  	s6 =	sld [smem:$0x3F7F]  }
0x2c: {  	s7 =	sld [smem:$0x3F80]  }
0x2d: {  	s3 =	simm.s32 $0x108;
	s8 =	sld [smem:$0x3F81]  }
0x2e: {  	s3 =	simm.s32 @!p0 $0x1082;
	s9 =	sld [smem:$0x3F82]  }
0x2f: {  	lr =	sadd.s32 s0, s3;
	s0 =	sld [smem:$0x3F79]  }
0x30: {  	s3 =	sld [smem:$0x3F7C]  }
0x31: {  	[smem:$0x3F85] =	sst s10  }
0x32: {  	s10 =	sld [smem:$0x3F83];
	_ =	sdelay $0x3  }
0x33: {  	p0 =	seq.s32 s10, $0x1;
	s10 =	sld [smem:$0x3F85];
	_ =	sdelay $0x3  }
0x34: {  	[smem:$0x3F85] =	sst s10  }
0x35: {  	s10 =	sld [smem:$0x3F84];
	_ =	sdelay $0x3  }
0x36: {  	p1 =	seq.s32 s10, $0x1;
	s10 =	sld [smem:$0x3F85];
	_ =	sdelay $0x3  }
0x37: {  	[smem:$0x3F85] =	sst s10  }
0x38: {  	s10 =	sld [smem:$0x3F86]  }
0x39: {  	_ = 	snop;
	(pc) =	sbr.ind lr, $3  }
0x3a: {  	_ = 	snop  }
0x3b: {  	_ = 	snop  }
0x3c: {  	p2 =	seq.s32 s10, $0x1;
	s10 =	sld [smem:$0x3F85]  }
0x3d: {  	_ =	shalt  }
0x3e: {  	_ =	shalt  }
0x3f: {  	_ =	shalt  }
0x40: {  	_ =	shalt  }
0x41: {  	_ =	shalt  }
0x42: {  	_ =	shalt  }
0x43: {  	_ =	shalt  }
0x44: {  	_ =	shalt  }
0x45: {  	_ =	shalt  }
0x46: {  	_ =	shalt  }
0x47: {  	_ =	shalt  }
0x48: {  	_ =	shalt  }
0x49: {  	_ =	shalt  }
0x4a: {  	_ =	shalt  }
0x4b: {  	_ =	shalt  }
0x4c: {  	_ =	shalt  }
0x4d: {  	_ =	shalt  }
0x4e: {  	_ =	shalt  }
0x4f: {  	_ =	shalt  }
0x50: {  	_ =	shalt  }
0x51: {  	_ =	shalt  }
0x52: {  	_ =	shalt  }
0x53: {  	_ =	shalt  }
0x54: {  	_ =	shalt  }
0x55: {  	_ =	shalt  }
0x56: {  	_ =	shalt  }
0x57: {  	_ =	shalt  }
0x58: {  	_ =	shalt  }
0x59: {  	_ =	shalt  }
0x5a: {  	_ =	shalt  }
0x5b: {  	_ =	shalt  }
0x5c: {  	_ =	shalt  }
0x5d: {  	_ =	shalt  }
0x5e: {  	_ =	shalt  }
0x5f: {  	_ =	shalt  }
0x60: {  	_ =	shalt  }
0x61: {  	_ =	shalt  }
0x62: {  	_ =	shalt  }
0x63: {  	_ =	shalt  }
0x64: {  	_ =	shalt  }
0x65: {  	_ =	shalt  }
0x66: {  	_ =	shalt  }
0x67: {  	_ =	shalt  }
0x68: {  	_ =	shalt  }
0x69: {  	_ =	shalt  }
0x6a: {  	_ =	shalt  }
0x6b: {  	_ =	shalt  }
0x6c: {  	_ =	shalt  }
0x6d: {  	_ =	shalt  }
0x6e: {  	_ =	shalt  }
0x6f: {  	_ =	shalt  }
0x70: {  	_ =	shalt  }
0x71: {  	_ =	shalt  }
0x72: {  	_ =	shalt  }
0x73: {  	_ =	shalt  }
0x74: {  	_ =	shalt  }
0x75: {  	_ =	shalt  }
0x76: {  	_ =	shalt  }
0x77: {  	_ =	shalt  }
0x78: {  	_ =	shalt  }
0x79: {  	_ =	shalt  }
0x7a: {  	_ =	shalt  }
0x7b: {  	_ =	shalt  }
0x7c: {  	_ =	shalt  }
0x7d: {  	_ =	shalt  }
0x7e: {  	_ =	shalt  }
0x7f: {  	_ =	shalt  }
0x80: {  	_ =	shalt  }
0x81: {  	_ =	shalt  }
0x82: {  	_ =	shalt  }
0x83: {  	_ =	shalt  }
0x84: {  	_ =	shalt  }
0x85: {  	_ =	shalt  }
0x86: {  	_ =	shalt  }
0x87: {  	_ =	shalt  }
.Lfunc_end0:
.L_simem_size_0:
called_computation_lowered:
.L_overlay_start_0:
0x88: {  	s2 =	sld [smem:$0x3FD9]  }
0x89: {  	s3 =	sld [smem:$0x3FFE];
	_ =	sdelay $0x1  }
0x8a: {  	s1 =	srdreg.scid  }
0x8b: {  	s0 =	sand.u32 $0x1, s1  }
0x8c: {  	s16 =	sshll.u32 s0, $0xA;
	s2 =	sadd.s32 s3, s2  }
0x8d: {  	s2 =	sadd.s32 s2, s16  }
0x8e: {  	[smem:$0x3F91] =	sst s2  }
0x8f: {  	_ = 	snop  }
0x90: {  	(tm) =	ssettm $0x1  }
0x91: {  	s17 =	sld [smem:$0x3FFB];
	_ =	sdelay $0x3  }
0x92: {  	_ =	strace s17  }
0x93: {  	s2 =	sld [smem:$0x3FFC];
	_ =	sdelay $0x3  }
0x94: {  	_ =	strace s2  }
0x95: {  	s2 =	sld [smem:$0x3FFD];
	_ =	sdelay $0x3  }
0x96: {  	_ =	strace s2  }
0x97: {  	_ =	strace $0x8FFFFFFF  }
0x98: {  	s18 =	sld [smem:$0x3FDB];
	_ =	sdelay $0x1  }
0x99: {  	s19 =	simm.s32 $_scs_section_size  }
0x9a: {  	s4 =	simm.s32 $_size__tile_overlayer_lowered;
	s5 =	simm.s32 $_tile_overlayer_lowered  }
0x9b: {  	s22 =	simm.s32 $0x1BFF;
	s21 =	sshll.u32 s5, $0x1;
	s2 =	sadd.s32 s19, s18  }
0x9c: {  	s6 =	simm.s32 $0x0;
	s20 =	sshll.u32 s4, $0x1;
	s4 =	sadd.s32 s21, s2  }
0x9d: {  	[timem:s6], [sflag:s22] =	dma.local [hbm:s4], s20  }
0x9e: {  	_ =	swait.ge [sflag:s22], s20  }
0x9f: {  	s3 =	ssub.s32 $0x0, s20;
	[sflag:s22] =	ssyncset.done $0x0  }
0xa0: {  	[sflag:s22] =	ssyncadd.s32 s3;
	_ =	sdelay $0x1  }
0xa1: {  	s23 =	simm.s32 $0x1B8B  }
0xa2: {  	_ =	swait.ge [sflag:s23], $0x1  }
0xa3: {  	[sflag:s23] =	ssyncset.done $0x0  }
0xa4: {  	s25 =	simm.s32 $0x1B8E;
	s24 =	sld [smem:$0x3FFE];
	[sflag:s23] =	ssyncadd.s32 $0xFFFFFFFF  }
0xa5: {  	s26 =	simm.s32 $execute0_lowered;
	[smem:$0x3FD2] =	sst s25  }
0xa6: {  	s4 =	sshll.u32 s26, $0x1;
	_ =	strace $0x80000046;
	[dreg:$0x1] =	wrdreg $0xFFFFFFFF  }
0xa7: {  	s28 =	simm.s32 $_size_execute0_lowered;
	s2 =	sadd.s32 s2, s4;
	[dreg:$0x0] =	wrdreg $0x0  }
0xa8: {  	s4 =	sshll.u32 s28, $0x1;
	[dreg:$0x2] =	wrdreg s2  }
0xa9: {  	[dreg:$0x3] =	wrdreg s4  }
0xaa: {  	[dreg:$0x4] =	wrdreg $0xC0  }
0xab: {  	_ =	task [dreg:s6], $0x5FFFF  }
0xac: {  	[dreg:$0x1] =	wrdreg $0xFFFFFFFF  }
0xad: {  	[dreg:$0x0] =	wrdreg $0x60  }
0xae: {  	[dreg:$0x2] =	wrdreg s24  }
0xaf: {  	[dreg:$0x3] =	wrdreg $0x9  }
0xb0: {  	_ =	task.clear_ibuf [dreg:s6], $0x4FFFF;
	_ =	strace $0x90000046  }
0xb1: {  	s29 =	simm.s32 $0x9;
	_ =	strace $0x80000048  }
0xb2: {  	_ =	swait.ge [sflag:s29], $0x1  }
0xb3: {  	[sflag:s29] =	ssyncadd.s32 $0xFFFFFFFF  }
0xb4: {  	_ =	strace $0x90000048  }
0xb5: {  	_ =	sfence  }
0xb6: {  	s30 =	sld [smem:$0x0];
	_ =	sdelay $0x2  }
0xb7: {  	s31 =	sshll.u32 s1, $0xD;
	s1 =	sshrl.u32 s1, $0x2  }
0xb8: {  	s3 =	sand.u32 $0x4000, s31;
	s1 =	sadd.s32 s1, s30  }
0xb9: {  	s0 =	sor.u32 s3, s0;
	s1 =	sshll.u32 s1, $0x11  }
0xba: {  	s0 =	sor.u32 s1, s0  }
0xbb: {  	s0 =	sadd.s32 $0x8F2B, s0  }
0xbc: {  	[sflag:s0] =	ssyncadd.remote.s32 $0x1  }
0xbd: {  	_ =	sfence.sel $0xFFFF  }
0xbe: {  	[dreg:$0x0] =	wrdreg $0xFFFFFFFF;
	(pc) =	sbr.abs _section_cstart, $3  }
0xbf: {  	[dreg:$0x1] =	wrdreg $0xFFFFFFFF  }
0xc0: {  	_ =	task.clear_ibuf [dreg:s6], $0x2FFFF;
	_ =	strace $0x9FFFFFFF  }
0xc1: {  	(tm) =	ssettm $0x7FFFFFFF  }
tec
execute0_lowered:
.L_overlay_start_1:
0x0: {  	(tag) =	ssettag $0x1  }
0x1: {  	s4 =	rddreg [dreg:$0x0]  }
0x2: {  	s0 =	rddreg [dreg:$0x1];
	s2 =	simm.s32 $0x0;
	s3 =	srdreg.scid  }
0x3: {  	s1 =	stileid.u32;
	s10 =	simm.s32 $0x0;
	[smem:$0x7FF] =	sst s2  }
0x4: {  	s5 =	sand.u32 $0x1, s3;
	s6 =	sshll.u32 s1, $0xE;
	s3 =	sadd.s32 $0x48000, s4  }
0x5: {  	s8 =	sshll.u32 s1, $0x12;
	_ =	strace $0x80000047;
	s7 =	sshll.u32 s5, $0xD  }
0x6: {  	s31 =	ssub.s32 $0x2, s5;
	s8 =	sadd.s32 s8, s4;
	s5 =	sshll.u32 s5, $0x11  }
0x7: {  	s6 =	sor.u32 s7, s6;
	s9 =	sshrl.u32 s31, $0x1;
	s5 =	sadd.s32 s5, s8  }
0x8: {  	s8 =	simm.s32 $0x80;
	s6 =	sshrl.u32 s6, $0x3;
	s7 =	ssub.s32 s31, s9  }
0x9: {  	s5 =	sadd.s32 $0xC8000, s5;
	s9 =	simm.s32 $0x1;
	s6 =	sadd.s32 s6, s4  }
0xa: {  	s4 =	smax.u32 s7, $0x1;
	s7 =	simm.s32 $0x2;
	s6 =	sadd.s32 $0x40000, s6  }
.LBB2_1:
0xb: {  	s11 =	sadd.s32 $0x0, s6  }
0xc: {  	[tilespmem:s2], [sflag:$0x2] =	stream.linear.gather [hbm4b:s11+s2], $0x80, $0x38;
	[tilespmem:$0x4080] =	vst v63  }
0xd: {  	_ =	swait.ge [sflag:s7], $0x80  }
0xe: {  	[sflag:s7] =	ssyncset.done $0x0  }
0xf: {  	[sflag:s7] =	ssyncadd.s32 $0xFFFFFF80  }
0x10: {  	[tilespmem:s8], [sflag:$0x1] =	stream.indirect.gather [hbm4b:s3+s8], $0x80, s2, s8, $0xb8;
	[tilespmem:$0x4080] =	vst v63  }
0x11: {  	_ =	swait.ge [sflag:s9], $0x4000  }
0x12: {  	[sflag:s9] =	ssyncset.done $0x0  }
0x13: {  	[sflag:s9] =	ssyncadd.s32 $0xFFFFC000  }
0x14: {  	[hbm4b:s5+s2] =	stream.linear.scatter [tilespmem:s8], [sflag:$0x2], $0x4000, $0x38;
	[tilespmem:$0x4080] =	vst v63  }
0x15: {  	s12 =	simm.s32 $0x10;
	_ =	swait.ge [sflag:s7], $0x4000  }
0x16: {  	s13 =	simm.s32 $0x20;
	s11 =	sadd.s32 $0x800, s5;
	[sflag:s7] =	ssyncset.done $0x0  }
.LBB2_2:
0x17: {  	s14 =	sadd.s32 s12, s6  }
0x18: {  	[sflag:s7] =	ssyncadd.s32 $0xFFFFC000;
	s12 =	smov.u32 s13;
	s15 =	sadd.s32 $0x10, s13  }
0x19: {  	[tilespmem:s2], [sflag:$0x2] =	stream.linear.gather [hbm4b:s14+s2], $0x80, $0x38;
	[tilespmem:$0x4080] =	vst v63  }
0x1a: {  	p0 =	sne.s32 s13, $0x3F0;
	_ =	swait.ge [sflag:s7], $0x80  }
0x1b: {  	[sflag:s7] =	ssyncset.done $0x0  }
0x1c: {  	[sflag:s7] =	ssyncadd.s32 $0xFFFFFF80  }
0x1d: {  	[tilespmem:s8], [sflag:$0x1] =	stream.indirect.gather [hbm4b:s3+s8], $0x80, s2, s8, $0xb8;
	[tilespmem:$0x4080] =	vst v63  }
0x1e: {  	_ =	swait.ge [sflag:s9], $0x4000  }
.Ltmp0:
0x1f: {  	[sflag:s9] =	ssyncset.done $0x0;
	(pc) =	sbr.rel @p0 .LBB2_2-.Ltmp0, $4  }
0x20: {  	[sflag:s9] =	ssyncadd.s32 $0xFFFFC000  }
0x21: {  	[hbm4b:s11+s2] =	stream.linear.scatter [tilespmem:s8], [sflag:$0x2], $0x4000, $0x38;
	[tilespmem:$0x4080] =	vst v63  }
0x22: {  	_ =	swait.ge [sflag:s7], $0x4000  }
0x23: {  	s13 =	smov.u32 s15;
	s11 =	sadd.s32 $0x800, s11;
	[sflag:s7] =	ssyncset.done $0x0  }
0x24: {  	s12 =	sadd.s32 s12, s6;
	[sflag:s7] =	ssyncadd.s32 $0xFFFFC000  }
0x25: {  	[tilespmem:s2], [sflag:$0x2] =	stream.linear.gather [hbm4b:s12+s2], $0x80, $0x38;
	[tilespmem:$0x4080] =	vst v63  }
0x26: {  	_ =	swait.ge [sflag:s7], $0x80  }
0x27: {  	[sflag:s7] =	ssyncset.done $0x0  }
0x28: {  	[sflag:s7] =	ssyncadd.s32 $0xFFFFFF80  }
0x29: {  	[tilespmem:s8], [sflag:$0x1] =	stream.indirect.gather [hbm4b:s3+s8], $0x80, s2, s8, $0xb8;
	[tilespmem:$0x4080] =	vst v63  }
0x2a: {  	s10 =	sadd.s32 $0x1, s10;
	_ =	swait.ge [sflag:s9], $0x4000  }
0x2b: {  	p0 =	sne.s32 s10, s4;
	[sflag:s9] =	ssyncset.done $0x0  }
.Ltmp1:
0x2c: {  	[sflag:s9] =	ssyncadd.s32 $0xFFFFC000;
	(pc) =	sbr.rel @p0 .LBB2_1-.Ltmp1, $4  }
0x2d: {  	[hbm4b:s11+s2] =	stream.linear.scatter [tilespmem:s8], [sflag:$0x2], $0x4000, $0x38;
	[tilespmem:$0x4080] =	vst v63  }
0x2e: {  	_ =	swait.ge [sflag:s7], $0x4000  }
0x2f: {  	[sflag:s7] =	ssyncset.done $0x0  }
0x30: {  	[sflag:s7] =	ssyncadd.s32 $0xFFFFC000  }
0x31: {  	_ =	sfence.sel $0x180000  }
0x32: {  	[bflag:$0x0] =	sbarrier.arrive $0xFFFF  }
0x33: {  	p0 =	sne.s32 s1, $0x0;
	_ =	strace $0x90000047  }
0x34: {  	s0 =	sadd.s32 @!p0 $0x100000, s0;
	[bflag:$0x2] =	sbarrier.arrive $0xFFFF  }
0x35: {  	[sflag:s0] =	ssyncadd.tile.s32 @!p0 $0x1;
	_ =	shalt  }
.Lfunc_end2:
_tile_overlayer_lowered:
.L_overlay_start_2:
0x36: {  	(tag) =	ssettag $0x2  }
0x37: {  	s0 =	rddreg [dreg:$0x0];
	s2 =	stileid.u32  }
0x38: {  	s1 =	rddreg [dreg:$0x1];
	p0 =	sne.s32 s2, $0x0  }
0x39: {  	s3 =	rddreg [dreg:$0x2];
	[bflag:$0x3] =	sbarrier.arrive $0xFFFF;
	s2 =	simm.s32 @!p0 $0x1C02  }
0x3a: {  	[timem:s3], [sflag:s2] =	dma.local @!p0 [hbm:s0], s1  }
0x3b: {  	s0 =	simm.s32 @!p0 $0x2  }
0x3c: {  	_ =	swait.ge @!p0 [sflag:s0], s1  }
0x3d: {  	s1 =	ssub.s32 @!p0 $0x0, s1;
	[sflag:s0] =	ssyncset.done @!p0 $0x0  }
0x3e: {  	[sflag:s0] =	ssyncadd.s32 @!p0 s1  }
0x3f: {  	[bflag:$0x3] =	sbarrier.arrive $0xFFFF  }
0x40: {  	_ =	shalt  }

// kernel: kernel.28.cloned.1.call-start
scs
__scs_entry_jumppad:
0x0: {  	(pc) =	sbr.rel $0x88, $3  }
0x1: {  	(tag) =	ssettag $0x0;
	lr =	simm.s32 $0x1  }
0x2: {  	[smem:$0x3F6A] =	sst lr;
	_ =	strace $0xD0000000  }
0x3: {  	_ = 	snop  }
0x4: {  	_ = 	snop  }
0x5: {  	_ = 	snop  }
0x6: {  	_ = 	snop  }
0x7: {  	_ = 	snop  }
__scs_overlays_trampoline_lowered:
0x8: {  	[smem:$0x3F79] =	sst s0  }
0x9: {  	[smem:$0x3F7A] =	sst s1  }
0xa: {  	[smem:$0x3F7B] =	sst s2  }
0xb: {  	[smem:$0x3F7C] =	sst s3  }
0xc: {  	[smem:$0x3F7D] =	sst s4  }
0xd: {  	[smem:$0x3F7E] =	sst s5  }
0xe: {  	[smem:$0x3F7F] =	sst s6  }
0xf: {  	[smem:$0x3F80] =	sst s7  }
0x10: {  	[smem:$0x3F81] =	sst s8  }
0x11: {  	[smem:$0x3F82] =	sst s9;
	s0 =	simm.s32 @!p0 $0x0  }
0x12: {  	s1 =	sld [smem:$0x3F68];
	s0 =	simm.s32 @p0 $0x1  }
0x13: {  	[smem:$0x3F83] =	sst s0;
	s0 =	simm.s32 @!p1 $0x0  }
0x14: {  	s2 =	sld [smem:$0x3F67];
	s0 =	simm.s32 @p1 $0x1  }
0x15: {  	[smem:$0x3F84] =	sst s0;
	s0 =	simm.s32 @!p2 $0x0  }
0x16: {  	s3 =	sld [smem:$0x3FDB];
	s0 =	simm.s32 @p2 $0x1  }
0x17: {  	s4 =	simm.s32 $0x1BF5;
	[smem:$0x3F86] =	sst s0  }
0x18: {  	s0 =	sld [smem:$0x3F69];
	_ =	swait.ge [sflag:s4], $0x0  }
0x19: {  	s7 =	sld [smem:$0x3F6A]  }
0x1a: {  	s8 =	sadd.s32 $0xFFFFE003, lr  }
0x1b: {  	s9 =	sadd.s32 $0xFFFFFEF7, lr;
	s5 =	simm.s32 $0xFFFFFFFF;
	p2 =	slt.u32 s8, $0xFFFFF086  }
0x1c: {  	p1 =	slt.u32 s9, $0xF7A;
	s5 =	simm.s32 @!p2 $0x0  }
0x1d: {  	s5 =	simm.s32 @p1 $0x1;
	p0 =	seq.s32 s7, s2  }
0x1e: {  	s7 =	smul.u32 @!p0 $0xF7A, s2;
	p2 =	seq.s32 @!p0 s5, $0x0  }
0x1f: {  	s9 =	smul.u32 $0xF7A, s1;
	s8 =	simm.s32 @!p0 $0x1BF5;
	p2 =	por !p2, p0  }
0x20: {  	[sflag:s8] =	ssyncset.s32 @!p0 $0xFFFFF086;
	s6 =	sadd.s32 @!p0 s3, s7;
	s7 =	simm.s32 @!p0 $0x108  }
0x21: {  	s3 =	sadd.s32 s3, s9;
	s6 =	sadd.s32 @!p0 $0x88, s6;
	s7 =	simm.s32 @p2 $0x1082  }
0x22: {  	[simem:s7], [sflag:s8] =	dma.local @!p0 [hbm:s6], $0xF7A  }
0x23: {  	s9 =	sor.u32 $0xD0000000, s2;
	s6 =	simm.s32 $0x108;
	_ =	swait.ge @!p0 [sflag:s8], $0x0  }
0x24: {  	s3 =	sadd.s32 $0x88, s3;
	s6 =	simm.s32 @!p1 $0x1082;
	[sflag:s4] =	ssyncset.s32 $0xFFFFF086  }
0x25: {  	[simem:s6], [sflag:s4] =	dma.local [hbm:s3], $0xF7A  }
0x26: {  	[smem:$0x3F6A] =	sst s1;
	(tag) =	ssettag s2;
	_ =	strace s9  }
0x27: {  	s1 =	sld [smem:$0x3F7A]  }
0x28: {  	s2 =	sld [smem:$0x3F7B]  }
0x29: {  	s4 =	sld [smem:$0x3F7D]  }
0x2a: {  	p0 =	seq.s32 s5, $0x0;
	s5 =	sld [smem:$0x3F7E]  }
0x2b: {  	s6 =	sld [smem:$0x3F7F]  }
0x2c: {  	s7 =	sld [smem:$0x3F80]  }
0x2d: {  	s3 =	simm.s32 $0x108;
	s8 =	sld [smem:$0x3F81]  }
0x2e: {  	s3 =	simm.s32 @!p0 $0x1082;
	s9 =	sld [smem:$0x3F82]  }
0x2f: {  	lr =	sadd.s32 s0, s3;
	s0 =	sld [smem:$0x3F79]  }
0x30: {  	s3 =	sld [smem:$0x3F7C]  }
0x31: {  	[smem:$0x3F85] =	sst s10  }
0x32: {  	s10 =	sld [smem:$0x3F83];
	_ =	sdelay $0x3  }
0x33: {  	p0 =	seq.s32 s10, $0x1;
	s10 =	sld [smem:$0x3F85];
	_ =	sdelay $0x3  }
0x34: {  	[smem:$0x3F85] =	sst s10  }
0x35: {  	s10 =	sld [smem:$0x3F84];
	_ =	sdelay $0x3  }
0x36: {  	p1 =	seq.s32 s10, $0x1;
	s10 =	sld [smem:$0x3F85];
	_ =	sdelay $0x3  }
0x37: {  	[smem:$0x3F85] =	sst s10  }
0x38: {  	s10 =	sld [smem:$0x3F86]  }
0x39: {  	_ = 	snop;
	(pc) =	sbr.ind lr, $3  }
0x3a: {  	_ = 	snop  }
0x3b: {  	_ = 	snop  }
0x3c: {  	p2 =	seq.s32 s10, $0x1;
	s10 =	sld [smem:$0x3F85]  }
0x3d: {  	_ =	shalt  }
0x3e: {  	_ =	shalt  }
0x3f: {  	_ =	shalt  }
0x40: {  	_ =	shalt  }
0x41: {  	_ =	shalt  }
0x42: {  	_ =	shalt  }
0x43: {  	_ =	shalt  }
0x44: {  	_ =	shalt  }
0x45: {  	_ =	shalt  }
0x46: {  	_ =	shalt  }
0x47: {  	_ =	shalt  }
0x48: {  	_ =	shalt  }
0x49: {  	_ =	shalt  }
0x4a: {  	_ =	shalt  }
0x4b: {  	_ =	shalt  }
0x4c: {  	_ =	shalt  }
0x4d: {  	_ =	shalt  }
0x4e: {  	_ =	shalt  }
0x4f: {  	_ =	shalt  }
0x50: {  	_ =	shalt  }
0x51: {  	_ =	shalt  }
0x52: {  	_ =	shalt  }
0x53: {  	_ =	shalt  }
0x54: {  	_ =	shalt  }
0x55: {  	_ =	shalt  }
0x56: {  	_ =	shalt  }
0x57: {  	_ =	shalt  }
0x58: {  	_ =	shalt  }
0x59: {  	_ =	shalt  }
0x5a: {  	_ =	shalt  }
0x5b: {  	_ =	shalt  }
0x5c: {  	_ =	shalt  }
0x5d: {  	_ =	shalt  }
0x5e: {  	_ =	shalt  }
0x5f: {  	_ =	shalt  }
0x60: {  	_ =	shalt  }
0x61: {  	_ =	shalt  }
0x62: {  	_ =	shalt  }
0x63: {  	_ =	shalt  }
0x64: {  	_ =	shalt  }
0x65: {  	_ =	shalt  }
0x66: {  	_ =	shalt  }
0x67: {  	_ =	shalt  }
0x68: {  	_ =	shalt  }
0x69: {  	_ =	shalt  }
0x6a: {  	_ =	shalt  }
0x6b: {  	_ =	shalt  }
0x6c: {  	_ =	shalt  }
0x6d: {  	_ =	shalt  }
0x6e: {  	_ =	shalt  }
0x6f: {  	_ =	shalt  }
0x70: {  	_ =	shalt  }
0x71: {  	_ =	shalt  }
0x72: {  	_ =	shalt  }
0x73: {  	_ =	shalt  }
0x74: {  	_ =	shalt  }
0x75: {  	_ =	shalt  }
0x76: {  	_ =	shalt  }
0x77: {  	_ =	shalt  }
0x78: {  	_ =	shalt  }
0x79: {  	_ =	shalt  }
0x7a: {  	_ =	shalt  }
0x7b: {  	_ =	shalt  }
0x7c: {  	_ =	shalt  }
0x7d: {  	_ =	shalt  }
0x7e: {  	_ =	shalt  }
0x7f: {  	_ =	shalt  }
0x80: {  	_ =	shalt  }
0x81: {  	_ =	shalt  }
0x82: {  	_ =	shalt  }
0x83: {  	_ =	shalt  }
0x84: {  	_ =	shalt  }
0x85: {  	_ =	shalt  }
0x86: {  	_ =	shalt  }
0x87: {  	_ =	shalt  }
.Lfunc_end0:
.L_simem_size_0:
called_computation.1_lowered:
.L_overlay_start_0:
0x88: {  	s2 =	sld [smem:$0x3FD9]  }
0x89: {  	s3 =	sld [smem:$0x3FFE];
	_ =	sdelay $0x1  }
0x8a: {  	s1 =	srdreg.scid  }
0x8b: {  	s0 =	sand.u32 $0x1, s1  }
0x8c: {  	s16 =	sshll.u32 s0, $0xA;
	s2 =	sadd.s32 s3, s2  }
0x8d: {  	s2 =	sadd.s32 s2, s16  }
0x8e: {  	[smem:$0x3F91] =	sst s2  }
0x8f: {  	_ = 	snop  }
0x90: {  	(tm) =	ssettm $0x1  }
0x91: {  	s17 =	sld [smem:$0x3FFB];
	_ =	sdelay $0x3  }
0x92: {  	_ =	strace s17  }
0x93: {  	s2 =	sld [smem:$0x3FFC];
	_ =	sdelay $0x3  }
0x94: {  	_ =	strace s2  }
0x95: {  	s2 =	sld [smem:$0x3FFD];
	_ =	sdelay $0x3  }
0x96: {  	_ =	strace s2  }
0x97: {  	_ =	strace $0x8FFFFFFF  }
0x98: {  	s18 =	sld [smem:$0x3FDB];
	_ =	sdelay $0x1  }
0x99: {  	s19 =	simm.s32 $_scs_section_size  }
0x9a: {  	s4 =	simm.s32 $_size__tile_overlayer_lowered;
	s5 =	simm.s32 $_tile_overlayer_lowered  }
0x9b: {  	s22 =	simm.s32 $0x1BFF;
	s21 =	sshll.u32 s5, $0x1;
	s2 =	sadd.s32 s19, s18  }
0x9c: {  	s6 =	simm.s32 $0x0;
	s20 =	sshll.u32 s4, $0x1;
	s4 =	sadd.s32 s21, s2  }
0x9d: {  	[timem:s6], [sflag:s22] =	dma.local [hbm:s4], s20  }
0x9e: {  	_ =	swait.ge [sflag:s22], s20  }
0x9f: {  	s3 =	ssub.s32 $0x0, s20;
	[sflag:s22] =	ssyncset.done $0x0  }
0xa0: {  	[sflag:s22] =	ssyncadd.s32 s3;
	_ =	sdelay $0x1  }
0xa1: {  	s23 =	simm.s32 $0x1B8B  }
0xa2: {  	_ =	swait.ge [sflag:s23], $0x1  }
0xa3: {  	[sflag:s23] =	ssyncset.done $0x0  }
0xa4: {  	s25 =	simm.s32 $0x1B8E;
	s24 =	sld [smem:$0x3FFE];
	[sflag:s23] =	ssyncadd.s32 $0xFFFFFFFF  }
0xa5: {  	s26 =	simm.s32 $execute0_lowered;
	[smem:$0x3FD2] =	sst s25  }
0xa6: {  	s4 =	sshll.u32 s26, $0x1;
	_ =	strace $0x80000049;
	[dreg:$0x1] =	wrdreg $0xFFFFFFFF  }
0xa7: {  	s28 =	simm.s32 $_size_execute0_lowered;
	s2 =	sadd.s32 s2, s4;
	[dreg:$0x0] =	wrdreg $0x0  }
0xa8: {  	s4 =	sshll.u32 s28, $0x1;
	[dreg:$0x2] =	wrdreg s2  }
0xa9: {  	[dreg:$0x3] =	wrdreg s4  }
0xaa: {  	[dreg:$0x4] =	wrdreg $0xC0  }
0xab: {  	_ =	task [dreg:s6], $0x5FFFF  }
0xac: {  	[dreg:$0x1] =	wrdreg $0xFFFFFFFF  }
0xad: {  	[dreg:$0x0] =	wrdreg $0x60  }
0xae: {  	[dreg:$0x2] =	wrdreg s24  }
0xaf: {  	[dreg:$0x3] =	wrdreg $0x9  }
0xb0: {  	_ =	task.clear_ibuf [dreg:s6], $0x4FFFF;
	_ =	strace $0x90000049  }
0xb1: {  	s29 =	simm.s32 $0x9;
	_ =	strace $0x8000004B  }
0xb2: {  	_ =	swait.ge [sflag:s29], $0x1  }
0xb3: {  	[sflag:s29] =	ssyncadd.s32 $0xFFFFFFFF  }
0xb4: {  	_ =	strace $0x9000004B  }
0xb5: {  	_ =	sfence  }
0xb6: {  	s30 =	sld [smem:$0x0];
	_ =	sdelay $0x2  }
0xb7: {  	s31 =	sshll.u32 s1, $0xD;
	s1 =	sshrl.u32 s1, $0x2  }
0xb8: {  	s3 =	sand.u32 $0x4000, s31;
	s1 =	sadd.s32 s1, s30  }
0xb9: {  	s0 =	sor.u32 s3, s0;
	s1 =	sshll.u32 s1, $0x11  }
0xba: {  	s0 =	sor.u32 s1, s0  }
0xbb: {  	s0 =	sadd.s32 $0x8F2B, s0  }
0xbc: {  	[sflag:s0] =	ssyncadd.remote.s32 $0x1  }
0xbd: {  	_ =	sfence.sel $0xFFFF  }
0xbe: {  	[dreg:$0x0] =	wrdreg $0xFFFFFFFF;
	(pc) =	sbr.abs _section_cstart, $3  }
0xbf: {  	[dreg:$0x1] =	wrdreg $0xFFFFFFFF  }
0xc0: {  	_ =	task.clear_ibuf [dreg:s6], $0x2FFFF;
	_ =	strace $0x9FFFFFFF  }
0xc1: {  	(tm) =	ssettm $0x7FFFFFFF  }
tec
execute0_lowered:
.L_overlay_start_1:
0x0: {  	(tag) =	ssettag $0x1  }
0x1: {  	s4 =	rddreg [dreg:$0x0]  }
0x2: {  	s0 =	rddreg [dreg:$0x1];
	s2 =	simm.s32 $0x0;
	s3 =	srdreg.scid  }
0x3: {  	s1 =	stileid.u32;
	s10 =	simm.s32 $0x1080;
	s11 =	simm.s32 $0x1880  }
0x4: {  	s12 =	simm.s32 $0x2080;
	s13 =	simm.s32 $0x2880;
	s14 =	simm.s32 $0x3080  }
0x5: {  	s15 =	simm.s32 $0x3880;
	s16 =	simm.s32 $0x4080;
	s17 =	simm.s32 $0x4880  }
0x6: {  	s18 =	simm.s32 $0x5080;
	s19 =	simm.s32 $0x5880;
	s20 =	simm.s32 $0x6080  }
0x7: {  	s21 =	simm.s32 $0x6880;
	s22 =	simm.s32 $0x7080;
	s23 =	simm.s32 $0x7880  }
0x8: {  	s24 =	simm.s32 $0x1;
	s25 =	simm.s32 $0x0;
	[smem:$0x7FF] =	sst s2  }
0x9: {  	s5 =	sand.u32 $0x1, s3;
	s6 =	sshll.u32 s1, $0xD;
	s3 =	sadd.s32 $0xC200, s4  }
0xa: {  	s8 =	sshll.u32 s1, $0x12;
	_ =	strace $0x8000004A;
	s7 =	sshll.u32 s5, $0xC  }
0xb: {  	s31 =	ssub.s32 $0x2, s5;
	s8 =	sadd.s32 s8, s4;
	s5 =	sshll.u32 s5, $0x11  }
0xc: {  	s6 =	sor.u32 s7, s6;
	s9 =	sshrl.u32 s31, $0x1;
	s5 =	sadd.s32 s5, s8  }
0xd: {  	v2 =	vlaneseq.u32;
	s8 =	simm.s32 $0x80;
	s6 =	sshrl.u32 s6, $0x3;
	s7 =	ssub.s32 s31, s9  }
0xe: {  	vm0 =	vmmov $0xffff;
	v1 =	vshrl.u32 v2, $0x3;
	s5 =	sadd.s32 $0x4C200, s5;
	s9 =	simm.s32 $0x880;
	s6 =	sadd.s32 s6, s4  }
0xf: {  	v0 =	vand.u32 $0x7, v2;
	v2 =	vor.u32 $0x8, v2;
	v1 =	vmul.u32 $0x8, v1;
	s4 =	smax.u32 s7, $0x1;
	s7 =	simm.s32 $0x2;
	s6 =	sadd.s32 $0x8000, s6  }
.LBB2_1:
0x10: {  	s26 =	smov.u32 s5;
	s28 =	simm.s32 $0x0  }
.LBB2_2:
0x11: {  	s29 =	sadd.s32 s28, s6  }
0x12: {  	[tilespmem:s2], [sflag:$0x2] =	stream.linear.gather [hbm4b:s29+s2], $0x80, $0x38;
	[tilespmem:$0x8080] =	vst v63  }
0x13: {  	_ =	swait.ge [sflag:s7], $0x80  }
0x14: {  	[sflag:s7] =	ssyncset.done $0x0  }
0x15: {  	[sflag:s7] =	ssyncadd.s32 $0xFFFFFF80  }
0x16: {  	v3 =	vld [tilespmem:$0x0];
	_ =	sdelay $0x4  }
0x17: {  	v4 =	vshll.u32 v3, $0x1  }
0x18: {  	v3 =	vand.u32 $0x7, v3;
	v4 =	vand.u32 $0xFFFFFFF0, v4  }
0x19: {  	v3 =	vor.u32 v3, v4  }
0x1a: {  	v4 =	vperm.xlane v3, v0;
	_ =	sdelay $0x1  }
0x1b: {  	v3 =	vperm.xlane v3, v2;
	v4 =	vadd.s32 v1, v4;
	_ =	sdelay $0x1  }
0x1c: {  	v3 =	vadd.s32 v1, v3;
	_ =	sdelay $0x2  }
0x1d: {  	[tilespmem:s8], [sflag:$0x1] =	stream.indirect_vreg.gather [hbm4b:s3+s2], $0x80, v4, vm0, $0xb8;
	[tilespmem:$0x8080] =	vst v63  }
0x1e: {  	_ = 	snop  }
0x1f: {  	[tilespmem:s9], [sflag:$0x1] =	stream.indirect_vreg.gather [hbm4b:s3+s2], $0x80, v3, vm0, $0xb8;
	[tilespmem:$0x8080] =	vst v63  }
0x20: {  	v3 =	vld [tilespmem:$0x10];
	_ =	sdelay $0x4  }
0x21: {  	v57 =	vshll.u32 v3, $0x1  }
0x22: {  	v3 =	vand.u32 $0x7, v3;
	v4 =	vand.u32 $0xFFFFFFF0, v57  }
0x23: {  	v3 =	vor.u32 v3, v4  }
0x24: {  	v4 =	vperm.xlane v3, v0;
	_ =	sdelay $0x1  }
0x25: {  	v3 =	vperm.xlane v3, v2;
	v4 =	vadd.s32 v1, v4;
	_ =	sdelay $0x1  }
0x26: {  	v3 =	vadd.s32 v1, v3;
	_ =	sdelay $0x2  }
0x27: {  	[tilespmem:s10], [sflag:$0x1] =	stream.indirect_vreg.gather [hbm4b:s3+s2], $0x80, v4, vm0, $0xb8;
	[tilespmem:$0x8080] =	vst v63  }
0x28: {  	_ = 	snop  }
0x29: {  	[tilespmem:s11], [sflag:$0x1] =	stream.indirect_vreg.gather [hbm4b:s3+s2], $0x80, v3, vm0, $0xb8;
	[tilespmem:$0x8080] =	vst v63  }
0x2a: {  	v3 =	vld [tilespmem:$0x20];
	_ =	sdelay $0x4  }
0x2b: {  	v58 =	vshll.u32 v3, $0x1  }
0x2c: {  	v3 =	vand.u32 $0x7, v3;
	v4 =	vand.u32 $0xFFFFFFF0, v58  }
0x2d: {  	v3 =	vor.u32 v3, v4  }
0x2e: {  	v4 =	vperm.xlane v3, v0;
	_ =	sdelay $0x1  }
0x2f: {  	v3 =	vperm.xlane v3, v2;
	v4 =	vadd.s32 v1, v4;
	_ =	sdelay $0x1  }
0x30: {  	v3 =	vadd.s32 v1, v3;
	_ =	sdelay $0x2  }
0x31: {  	[tilespmem:s12], [sflag:$0x1] =	stream.indirect_vreg.gather [hbm4b:s3+s2], $0x80, v4, vm0, $0xb8;
	[tilespmem:$0x8080] =	vst v63  }
0x32: {  	_ = 	snop  }
0x33: {  	[tilespmem:s13], [sflag:$0x1] =	stream.indirect_vreg.gather [hbm4b:s3+s2], $0x80, v3, vm0, $0xb8;
	[tilespmem:$0x8080] =	vst v63  }
0x34: {  	v3 =	vld [tilespmem:$0x30];
	_ =	sdelay $0x4  }
0x35: {  	v59 =	vshll.u32 v3, $0x1  }
0x36: {  	v3 =	vand.u32 $0x7, v3;
	v4 =	vand.u32 $0xFFFFFFF0, v59  }
0x37: {  	v3 =	vor.u32 v3, v4  }
0x38: {  	v4 =	vperm.xlane v3, v0;
	_ =	sdelay $0x1  }
0x39: {  	v3 =	vperm.xlane v3, v2;
	v4 =	vadd.s32 v1, v4;
	_ =	sdelay $0x1  }
0x3a: {  	v3 =	vadd.s32 v1, v3;
	_ =	sdelay $0x2  }
0x3b: {  	[tilespmem:s14], [sflag:$0x1] =	stream.indirect_vreg.gather [hbm4b:s3+s2], $0x80, v4, vm0, $0xb8;
	[tilespmem:$0x8080] =	vst v63  }
0x3c: {  	_ = 	snop  }
0x3d: {  	[tilespmem:s15], [sflag:$0x1] =	stream.indirect_vreg.gather [hbm4b:s3+s2], $0x80, v3, vm0, $0xb8;
	[tilespmem:$0x8080] =	vst v63  }
0x3e: {  	v3 =	vld [tilespmem:$0x40];
	_ =	sdelay $0x4  }
0x3f: {  	v60 =	vshll.u32 v3, $0x1  }
0x40: {  	v3 =	vand.u32 $0x7, v3;
	v4 =	vand.u32 $0xFFFFFFF0, v60  }
0x41: {  	v3 =	vor.u32 v3, v4  }
0x42: {  	v4 =	vperm.xlane v3, v0;
	_ =	sdelay $0x1  }
0x43: {  	v3 =	vperm.xlane v3, v2;
	v4 =	vadd.s32 v1, v4;
	_ =	sdelay $0x1  }
0x44: {  	v3 =	vadd.s32 v1, v3;
	_ =	sdelay $0x2  }
0x45: {  	[tilespmem:s16], [sflag:$0x1] =	stream.indirect_vreg.gather [hbm4b:s3+s2], $0x80, v4, vm0, $0xb8;
	[tilespmem:$0x8080] =	vst v63  }
0x46: {  	_ = 	snop  }
0x47: {  	[tilespmem:s17], [sflag:$0x1] =	stream.indirect_vreg.gather [hbm4b:s3+s2], $0x80, v3, vm0, $0xb8;
	[tilespmem:$0x8080] =	vst v63  }
0x48: {  	v3 =	vld [tilespmem:$0x50];
	_ =	sdelay $0x4  }
0x49: {  	v61 =	vshll.u32 v3, $0x1  }
0x4a: {  	v3 =	vand.u32 $0x7, v3;
	v4 =	vand.u32 $0xFFFFFFF0, v61  }
0x4b: {  	v3 =	vor.u32 v3, v4  }
0x4c: {  	v4 =	vperm.xlane v3, v0;
	_ =	sdelay $0x1  }
0x4d: {  	v3 =	vperm.xlane v3, v2;
	v4 =	vadd.s32 v1, v4;
	_ =	sdelay $0x1  }
0x4e: {  	v3 =	vadd.s32 v1, v3;
	_ =	sdelay $0x2  }
0x4f: {  	[tilespmem:s18], [sflag:$0x1] =	stream.indirect_vreg.gather [hbm4b:s3+s2], $0x80, v4, vm0, $0xb8;
	[tilespmem:$0x8080] =	vst v63  }
0x50: {  	_ = 	snop  }
0x51: {  	[tilespmem:s19], [sflag:$0x1] =	stream.indirect_vreg.gather [hbm4b:s3+s2], $0x80, v3, vm0, $0xb8;
	[tilespmem:$0x8080] =	vst v63  }
0x52: {  	v3 =	vld [tilespmem:$0x60];
	_ =	sdelay $0x4  }
0x53: {  	v62 =	vshll.u32 v3, $0x1  }
0x54: {  	v3 =	vand.u32 $0x7, v3;
	v4 =	vand.u32 $0xFFFFFFF0, v62  }
0x55: {  	v3 =	vor.u32 v3, v4  }
0x56: {  	v4 =	vperm.xlane v3, v0;
	_ =	sdelay $0x1  }
0x57: {  	v3 =	vperm.xlane v3, v2;
	v4 =	vadd.s32 v1, v4;
	_ =	sdelay $0x1  }
0x58: {  	v3 =	vadd.s32 v1, v3;
	_ =	sdelay $0x2  }
0x59: {  	[tilespmem:s20], [sflag:$0x1] =	stream.indirect_vreg.gather [hbm4b:s3+s2], $0x80, v4, vm0, $0xb8;
	[tilespmem:$0x8080] =	vst v63  }
0x5a: {  	_ = 	snop  }
0x5b: {  	[tilespmem:s21], [sflag:$0x1] =	stream.indirect_vreg.gather [hbm4b:s3+s2], $0x80, v3, vm0, $0xb8;
	[tilespmem:$0x8080] =	vst v63  }
0x5c: {  	v3 =	vld [tilespmem:$0x70];
	_ =	sdelay $0x4  }
0x5d: {  	v63 =	vshll.u32 v3, $0x1  }
0x5e: {  	v3 =	vand.u32 $0x7, v3;
	v4 =	vand.u32 $0xFFFFFFF0, v63  }
0x5f: {  	v3 =	vor.u32 v3, v4  }
0x60: {  	v4 =	vperm.xlane v3, v0;
	_ =	sdelay $0x1  }
0x61: {  	v3 =	vperm.xlane v3, v2;
	v4 =	vadd.s32 v1, v4;
	_ =	sdelay $0x1  }
0x62: {  	v3 =	vadd.s32 v1, v3;
	_ =	sdelay $0x2  }
0x63: {  	[tilespmem:s22], [sflag:$0x1] =	stream.indirect_vreg.gather [hbm4b:s3+s2], $0x80, v4, vm0, $0xb8;
	[tilespmem:$0x8080] =	vst v63  }
0x64: {  	_ = 	snop  }
0x65: {  	[tilespmem:s23], [sflag:$0x1] =	stream.indirect_vreg.gather [hbm4b:s3+s2], $0x80, v3, vm0, $0xb8;
	[tilespmem:$0x8080] =	vst v63  }
0x66: {  	_ =	swait.ge [sflag:s24], $0x8000  }
0x67: {  	p0 =	sne.s32 s28, $0x1F0;
	[sflag:s24] =	ssyncset.done $0x0  }
.Ltmp0:
0x68: {  	[sflag:s24] =	ssyncadd.s32 $0xFFFF8000;
	(pc) =	sbr.rel @p0 .LBB2_2-.Ltmp0, $4  }
0x69: {  	[hbm4b:s26+s2] =	stream.linear.scatter [tilespmem:s8], [sflag:$0x2], $0x8000, $0x38;
	[tilespmem:$0x8080] =	vst v63  }
0x6a: {  	_ =	swait.ge [sflag:s7], $0x8000  }
0x6b: {  	[sflag:s7] =	ssyncset.done $0x0  }
0x6c: {  	s28 =	sadd.s32 $0x10, s28;
	s26 =	sadd.s32 $0x1000, s26;
	[sflag:s7] =	ssyncadd.s32 $0xFFFF8000  }
0x6d: {  	s25 =	sadd.s32 $0x1, s25  }
0x6e: {  	p0 =	sne.s32 s25, s4  }
.Ltmp1:
0x6f: {  	_ = 	snop;
	(pc) =	sbr.rel @p0 .LBB2_1-.Ltmp1, $1  }
0x70: {  	_ =	sdelay $0x3  }
0x71: {  	_ =	sfence.sel $0x180000  }
0x72: {  	[bflag:$0x0] =	sbarrier.arrive $0xFFFF  }
0x73: {  	p0 =	sne.s32 s1, $0x0;
	_ =	strace $0x9000004A  }
0x74: {  	s0 =	sadd.s32 @!p0 $0x100000, s0;
	[bflag:$0x2] =	sbarrier.arrive $0xFFFF  }
0x75: {  	[sflag:s0] =	ssyncadd.tile.s32 @!p0 $0x1;
	_ =	shalt  }
.Lfunc_end2:
_tile_overlayer_lowered:
.L_overlay_start_2:
0x76: {  	(tag) =	ssettag $0x2  }
0x77: {  	s0 =	rddreg [dreg:$0x0];
	s2 =	stileid.u32  }
0x78: {  	s1 =	rddreg [dreg:$0x1];
	p0 =	sne.s32 s2, $0x0  }
0x79: {  	s3 =	rddreg [dreg:$0x2];
	[bflag:$0x3] =	sbarrier.arrive $0xFFFF;
	s2 =	simm.s32 @!p0 $0x1C02  }
0x7a: {  	[timem:s3], [sflag:s2] =	dma.local @!p0 [hbm:s0], s1  }
0x7b: {  	s0 =	simm.s32 @!p0 $0x2  }
0x7c: {  	_ =	swait.ge @!p0 [sflag:s0], s1  }
0x7d: {  	s1 =	ssub.s32 @!p0 $0x0, s1;
	[sflag:s0] =	ssyncset.done @!p0 $0x0  }
0x7e: {  	[sflag:s0] =	ssyncadd.s32 @!p0 s1  }
0x7f: {  	[bflag:$0x3] =	sbarrier.arrive $0xFFFF  }
0x80: {  	_ =	shalt  }

</sc_bundles>
